<compile_context>
chip_gen: v7x
topology: tpu7x:2x2x1
jax: 0.10.2.dev20260603
libtpu: 0.0.44.dev20260713+nightly
codegen_flags: <defaults>
</compile_context>

<pallas_src>
import functools

import jax
import jax.numpy as jnp
from jax import lax
from jax.experimental import pallas as pl
from jax.experimental.pallas import tpu as pltpu
from jax.experimental.pallas import tpu_sc as plsc

_NUM_FIELDS = 26
_FIELD_DIM = 40000
_BATCH = 16384
_EMBED_DIM = 16
_TOTAL = _BATCH * _NUM_FIELDS
_NUM_WORKERS = 32
_ITEMS = _NUM_FIELDS * (_BATCH // 128)
_ITEMS_PER_W = _ITEMS // _NUM_WORKERS
_XPW = _ITEMS_PER_W * 128
_TR_STRIDE = 8125 * 1024
_TC_STRIDE = 1024


def _sc_embedding_lookup(x_flat, t_flat):
    mesh = plsc.VectorSubcoreMesh(core_axis_name="c", subcore_axis_name="s")

    @functools.partial(
        pl.kernel,
        mesh=mesh,
        compiler_params=pltpu.CompilerParams(use_tc_tiling_on_sc=False),
        out_type=jax.ShapeDtypeStruct((26, 2, 128, 1024), jnp.float32),
        scratch_types=[
            pltpu.VMEM((_XPW,), jnp.int32),
            pltpu.VMEM((16 * 2048,), jnp.int32),
            pltpu.VMEM((16 * 2048,), jnp.float32),
            pltpu.SemaphoreType.DMA,
            pltpu.SemaphoreType.DMA,
            pltpu.SemaphoreType.DMA,
        ],
    )
    def k(x_hbm, t_hbm, out_hbm, xb, idxb, gb, xsem, gsem, osem):
        wid = lax.axis_index("s") * 2 + lax.axis_index("c")
        t0 = wid * _ITEMS_PER_W
        pltpu.async_copy(
            x_hbm.at[pl.ds(t0 * 128, _XPW)], xb, xsem).wait()

        def drain(sem, words):
            pltpu.make_async_copy(
                t_hbm.at[pl.ds(0, words)], gb.at[pl.ds(0, words)], sem
            ).wait()

        def fire_out(i):
            t = t0 + i
            f = lax.shift_right_logical(t, 7)
            bt = lax.bitwise_and(t, 127)
            q = lax.bitwise_and(i, 15) * 2048
            for dt in range(2):
                pltpu.async_copy(
                    gb.at[pl.ds(q + dt * 1024, 1024)],
                    out_hbm.at[f, dt, bt], osem)

        @pl.loop(0, _ITEMS_PER_W)
        def item_loop(i):
            t = t0 + i
            f = lax.shift_right_logical(t, 7)
            foff = f * _FIELD_DIM
            q = lax.bitwise_and(i, 15) * 2048
            for j in range(8):
                xv = xb[pl.ds(i * 128 + j * 16, 16)]
                r = xv + foff
                base = lax.shift_left(
                    lax.shift_right_logical(r, 7), 10
                ) + lax.bitwise_and(r, 127)
                for dt in range(2):
                    for s in range(8):
                        idxb[pl.ds(q + dt * 1024 + s * 128 + j * 16, 16)] = (
                            base + (dt * _TR_STRIDE + s * 128))

            @pl.when(i >= 12)
            def _():
                drain(gsem, 2048)

            @pl.when(i >= 16)
            def _():
                drain(osem, 2048)

            for dt in range(2):
                for h in range(2):
                    o = q + dt * 1024 + h * 512
                    pltpu.async_copy(
                        t_hbm.at[idxb.at[pl.ds(o, 512)]],
                        gb.at[pl.ds(o, 512)], gsem)

            @pl.when(i >= 12)
            def _():
                fire_out(i - 12)

        for e in range(12):
            drain(gsem, 2048)
            fire_out(_ITEMS_PER_W - 12 + e)
        drain(osem, 16 * 2048)

    return k(x_flat, t_flat)


def kernel(x, table):
    x_flat = jnp.transpose(x.astype(jnp.int32)).reshape(_TOTAL)
    t_flat = (
        jnp.transpose(table)
        .reshape(2, 8, 8125, 128)
        .transpose(0, 2, 1, 3)
        .reshape(2 * 8125 * 8 * 128)
    )
    out4 = _sc_embedding_lookup(x_flat, t_flat)
    out5 = out4.reshape(_NUM_FIELDS, 2, 128, 8, 128)
    return (
        out5.transpose(0, 1, 3, 2, 4)
        .reshape(_NUM_FIELDS, _EMBED_DIM, _BATCH)
        .transpose(2, 0, 1)
    )

# --- scband reference (transcript-rebuilt; emitter-appended) ---
"""Pipeline reference for scband-features-embedding-16965120819764 (READ-ONLY COPY).

The authoritative reference and input builder live on the scoring server;
editing this copy changes nothing except your own understanding.
"""

import jax, jax.numpy as jnp
import numpy as np

FIELD_DIMS = [40000] * 26
EMBED_DIM = 16
BATCH = 16384
NUM_FIELDS = 26

def setup_inputs(seed: int = 0) -> dict:
    key = jax.random.key(seed)
    k1, k2 = jax.random.split(key)
    x = jax.random.randint(k1, (BATCH, NUM_FIELDS), 0, 40000, dtype=jnp.int64) if jax.config.jax_enable_x64 else jax.random.randint(k1, (BATCH, NUM_FIELDS), 0, 40000, dtype=jnp.int32)
    table = jax.random.normal(k2, (sum(FIELD_DIMS), EMBED_DIM), dtype=jnp.float32)
    return {"x": x, "table": table}

def reference(x, table):
    # offsets: (0, cumsum(field_dims)[:-1])
    offsets = jnp.asarray(np.concatenate([[0], np.cumsum(FIELD_DIMS)[:-1]]), dtype=x.dtype)
    idx = x + offsets[None, :]
    # embedding lookup -> gather rows
    return jnp.take(table, idx, axis=0)

if __name__ == "__main__":
    import jax
    _d = setup_inputs()
    print(jax.jit(kernel)(*tuple(_d.values())))

</pallas_src>

<mosaic_0001>
#map = affine_map<(d0, d1) -> (0)>
#map1 = affine_map<(d0, d1) -> (0, 0, 0, 0)>
module attributes {stable_mosaic.version = 14 : i64} {
  func.func @k(%arg0: i32, %arg1: i32, %arg2: memref<425984xi32, #tpu.memory_space<hbm>>, %arg3: memref<16640000xf32, #tpu.memory_space<hbm>>, %arg4: memref<26x2x128x1024xf32, #tpu.memory_space<hbm>>, %arg5: memref<13312xi32, #tpu.memory_space<vmem>>, %arg6: memref<32768xi32, #tpu.memory_space<vmem>>, %arg7: memref<32768xf32, #tpu.memory_space<vmem>>, %arg8: memref<!tpu.dma_semaphore, #tpu.memory_space<semaphore_mem>>, %arg9: memref<!tpu.dma_semaphore, #tpu.memory_space<semaphore_mem>>, %arg10: memref<!tpu.dma_semaphore, #tpu.memory_space<semaphore_mem>>) attributes {dimension_semantics = [#tpu.dimension_semantics<core_parallel>, #tpu.dimension_semantics<subcore_parallel>], iteration_bounds = array<i64: 2, 16>, scalar_prefetch = 0 : i64, scratch_operands = 6 : i64, tpu.core_type = #tpu.core_type<sc_vector_subcore>, window_params = [{transform_indices = #map}, {transform_indices = #map}, {transform_indices = #map1}]} {
    %mul3A = arith.constant 2 : i32
    %mul3A_0 = arith.muli %arg1, %mul3A : i32
    %add3A = arith.addi %mul3A_0, %arg0 : i32
    %mul3A_1 = arith.constant 104 : i32
    %mul3A_2 = arith.muli %add3A, %mul3A_1 : i32
    %mul3A_3 = arith.constant 128 : i32
    %mul3A_4 = arith.muli %mul3A_2, %mul3A_3 : i32
    %dma_start3A = tpu.memref_slice %arg2[%mul3A_4] : memref<425984xi32, #tpu.memory_space<hbm>> -> memref<13312xi32, #tpu.memory_space<hbm>>
    %dma_start3A_5 = tpu.memref_slice %arg2[%mul3A_4] : memref<425984xi32, #tpu.memory_space<hbm>> -> memref<13312xi32, #tpu.memory_space<hbm>>
    tpu.enqueue_dma source(%dma_start3A_5 : memref<13312xi32, #tpu.memory_space<hbm>>) target(%arg5 : memref<13312xi32, #tpu.memory_space<vmem>>) target_semaphore(%arg8 : memref<!tpu.dma_semaphore, #tpu.memory_space<semaphore_mem>>)
    %dma_wait3A = tpu.memref_slice %arg2[%mul3A_4] : memref<425984xi32, #tpu.memory_space<hbm>> -> memref<13312xi32, #tpu.memory_space<hbm>>
    %dma_wait3A_6 = tpu.memref_slice %arg2[%mul3A_4] : memref<425984xi32, #tpu.memory_space<hbm>> -> memref<13312xi32, #tpu.memory_space<hbm>>
    tpu.wait_dma2 semaphore(%arg8 : memref<!tpu.dma_semaphore, #tpu.memory_space<semaphore_mem>>) src(%dma_wait3A_6 : memref<13312xi32, #tpu.memory_space<hbm>>) dst(%arg5 : memref<13312xi32, #tpu.memory_space<vmem>>)
    %scan3A = arith.constant 0 : i32
    %scan3A_7 = arith.constant 104 : i32
    %scan3A_8 = arith.addi %scan3A, %scan3A_7 : i32
    %scan3A_9 = arith.constant 1 : i32
    scf.for %scan3A_509 = %scan3A to %scan3A_8 step %scan3A_9  : i32 {
      %mul3A_510 = arith.constant 1 : i32
      %mul3A_511 = arith.muli %scan3A_509, %mul3A_510 : i32
      %add3A_512 = arith.constant 0 : i32
      %add3A_513 = arith.addi %add3A_512, %mul3A_511 : i32
      %add3A_514 = arith.addi %mul3A_2, %add3A_513 : i32
      %shift_right_logical3A_515 = arith.constant 7 : i32
      %shift_right_logical3A_516 = arith.shrui %add3A_514, %shift_right_logical3A_515 : i32
      %mul3A_517 = arith.constant 40000 : i32
      %mul3A_518 = arith.muli %shift_right_logical3A_516, %mul3A_517 : i32
      %and3A_519 = arith.constant 15 : i32
      %and3A_520 = arith.andi %add3A_513, %and3A_519 : i32
      %mul3A_521 = arith.constant 2048 : i32
      %mul3A_522 = arith.muli %and3A_520, %mul3A_521 : i32
      %mul3A_523 = arith.constant 128 : i32
      %mul3A_524 = arith.muli %add3A_513, %mul3A_523 : i32
      %add3A_525 = arith.constant 0 : i32
      %add3A_526 = arith.addi %mul3A_524, %add3A_525 : i32
      %get3A = arith.index_cast %add3A_526 : i32 to index
      %get3A_527 = tpu.vector_load %arg5[%get3A] {strides = array<i32>} : memref<13312xi32, #tpu.memory_space<vmem>>, vector<16xi32>,
      %get3A_528 = vector.shape_cast %get3A_527 : vector<16xi32> to vector<16xi32>
      %add3A_529 = vector.broadcast %mul3A_518 : i32 to vector<16xi32>
      %add3A_530 = arith.addi %get3A_528, %add3A_529 : vector<16xi32>
      %shift_right_logical3A_531 = arith.constant 7 : i32
      %shift_right_logical3A_532 = vector.broadcast %shift_right_logical3A_531 : i32 to vector<16xi32>
      %shift_right_logical3A_533 = arith.shrui %add3A_530, %shift_right_logical3A_532 : vector<16xi32>
      %shift_left3A = arith.constant 10 : i32
      %shift_left3A_534 = vector.broadcast %shift_left3A : i32 to vector<16xi32>
      %shift_left3A_535 = arith.shli %shift_right_logical3A_533, %shift_left3A_534 : vector<16xi32>
      %and3A_536 = arith.constant 127 : i32
      %and3A_537 = vector.broadcast %and3A_536 : i32 to vector<16xi32>
      %and3A_538 = arith.andi %add3A_530, %and3A_537 : vector<16xi32>
      %add3A_539 = arith.addi %shift_left3A_535, %and3A_538 : vector<16xi32>
      %add3A_540 = arith.constant 0 : i32
      %add3A_541 = vector.broadcast %add3A_540 : i32 to vector<16xi32>
      %add3A_542 = arith.addi %add3A_539, %add3A_541 : vector<16xi32>
      %add3A_543 = arith.constant 0 : i32
      %add3A_544 = arith.addi %mul3A_522, %add3A_543 : i32
      %add3A_545 = arith.constant 0 : i32
      %add3A_546 = arith.addi %add3A_544, %add3A_545 : i32
      %add3A_547 = arith.constant 0 : i32
      %add3A_548 = arith.addi %add3A_546, %add3A_547 : i32
      %swap3A = arith.index_cast %add3A_548 : i32 to index
      %swap3A_549 = tpu.vector_load %arg6[%swap3A] {strides = array<i32>} : memref<32768xi32, #tpu.memory_space<vmem>>, vector<16xi32>,
      %swap3A_550 = vector.shape_cast %swap3A_549 : vector<16xi32> to vector<16xi32>
      %swap3A_551 = vector.shape_cast %add3A_542 : vector<16xi32> to vector<16xi32>
      tpu.vector_store %arg6[%swap3A], %swap3A_551 {strides = array<i32>} : memref<32768xi32, #tpu.memory_space<vmem>>, vector<16xi32>,
      %add3A_552 = arith.constant 128 : i32
      %add3A_553 = vector.broadcast %add3A_552 : i32 to vector<16xi32>
      %add3A_554 = arith.addi %add3A_539, %add3A_553 : vector<16xi32>
      %add3A_555 = arith.constant 0 : i32
      %add3A_556 = arith.addi %mul3A_522, %add3A_555 : i32
      %add3A_557 = arith.constant 128 : i32
      %add3A_558 = arith.addi %add3A_556, %add3A_557 : i32
      %add3A_559 = arith.constant 0 : i32
      %add3A_560 = arith.addi %add3A_558, %add3A_559 : i32
      %swap3A_561 = arith.index_cast %add3A_560 : i32 to index
      %swap3A_562 = tpu.vector_load %arg6[%swap3A_561] {strides = array<i32>} : memref<32768xi32, #tpu.memory_space<vmem>>, vector<16xi32>,
      %swap3A_563 = vector.shape_cast %swap3A_562 : vector<16xi32> to vector<16xi32>
      %swap3A_564 = vector.shape_cast %add3A_554 : vector<16xi32> to vector<16xi32>
      tpu.vector_store %arg6[%swap3A_561], %swap3A_564 {strides = array<i32>} : memref<32768xi32, #tpu.memory_space<vmem>>, vector<16xi32>,
      %add3A_565 = arith.constant 256 : i32
      %add3A_566 = vector.broadcast %add3A_565 : i32 to vector<16xi32>
      %add3A_567 = arith.addi %add3A_539, %add3A_566 : vector<16xi32>
      %add3A_568 = arith.constant 0 : i32
      %add3A_569 = arith.addi %mul3A_522, %add3A_568 : i32
      %add3A_570 = arith.constant 256 : i32
      %add3A_571 = arith.addi %add3A_569, %add3A_570 : i32
      %add3A_572 = arith.constant 0 : i32
      %add3A_573 = arith.addi %add3A_571, %add3A_572 : i32
      %swap3A_574 = arith.index_cast %add3A_573 : i32 to index
      %swap3A_575 = tpu.vector_load %arg6[%swap3A_574] {strides = array<i32>} : memref<32768xi32, #tpu.memory_space<vmem>>, vector<16xi32>,
      %swap3A_576 = vector.shape_cast %swap3A_575 : vector<16xi32> to vector<16xi32>
      %swap3A_577 = vector.shape_cast %add3A_567 : vector<16xi32> to vector<16xi32>
      tpu.vector_store %arg6[%swap3A_574], %swap3A_577 {strides = array<i32>} : memref<32768xi32, #tpu.memory_space<vmem>>, vector<16xi32>,
      %add3A_578 = arith.constant 384 : i32
      %add3A_579 = vector.broadcast %add3A_578 : i32 to vector<16xi32>
      %add3A_580 = arith.addi %add3A_539, %add3A_579 : vector<16xi32>
      %add3A_581 = arith.constant 0 : i32
      %add3A_582 = arith.addi %mul3A_522, %add3A_581 : i32
      %add3A_583 = arith.constant 384 : i32
      %add3A_584 = arith.addi %add3A_582, %add3A_583 : i32
      %add3A_585 = arith.constant 0 : i32
      %add3A_586 = arith.addi %add3A_584, %add3A_585 : i32
      %swap3A_587 = arith.index_cast %add3A_586 : i32 to index
      %swap3A_588 = tpu.vector_load %arg6[%swap3A_587] {strides = array<i32>} : memref<32768xi32, #tpu.memory_space<vmem>>, vector<16xi32>,
      %swap3A_589 = vector.shape_cast %swap3A_588 : vector<16xi32> to vector<16xi32>
      %swap3A_590 = vector.shape_cast %add3A_580 : vector<16xi32> to vector<16xi32>
      tpu.vector_store %arg6[%swap3A_587], %swap3A_590 {strides = array<i32>} : memref<32768xi32, #tpu.memory_space<vmem>>, vector<16xi32>,
      %add3A_591 = arith.constant 512 : i32
      %add3A_592 = vector.broadcast %add3A_591 : i32 to vector<16xi32>
      %add3A_593 = arith.addi %add3A_539, %add3A_592 : vector<16xi32>
      %add3A_594 = arith.constant 0 : i32
      %add3A_595 = arith.addi %mul3A_522, %add3A_594 : i32
      %add3A_596 = arith.constant 512 : i32
      %add3A_597 = arith.addi %add3A_595, %add3A_596 : i32
      %add3A_598 = arith.constant 0 : i32
      %add3A_599 = arith.addi %add3A_597, %add3A_598 : i32
      %swap3A_600 = arith.index_cast %add3A_599 : i32 to index
      %swap3A_601 = tpu.vector_load %arg6[%swap3A_600] {strides = array<i32>} : memref<32768xi32, #tpu.memory_space<vmem>>, vector<16xi32>,
      %swap3A_602 = vector.shape_cast %swap3A_601 : vector<16xi32> to vector<16xi32>
      %swap3A_603 = vector.shape_cast %add3A_593 : vector<16xi32> to vector<16xi32>
      tpu.vector_store %arg6[%swap3A_600], %swap3A_603 {strides = array<i32>} : memref<32768xi32, #tpu.memory_space<vmem>>, vector<16xi32>,
      %add3A_604 = arith.constant 640 : i32
      %add3A_605 = vector.broadcast %add3A_604 : i32 to vector<16xi32>
      %add3A_606 = arith.addi %add3A_539, %add3A_605 : vector<16xi32>
      %add3A_607 = arith.constant 0 : i32
      %add3A_608 = arith.addi %mul3A_522, %add3A_607 : i32
      %add3A_609 = arith.constant 640 : i32
      %add3A_610 = arith.addi %add3A_608, %add3A_609 : i32
      %add3A_611 = arith.constant 0 : i32
      %add3A_612 = arith.addi %add3A_610, %add3A_611 : i32
      %swap3A_613 = arith.index_cast %add3A_612 : i32 to index
      %swap3A_614 = tpu.vector_load %arg6[%swap3A_613] {strides = array<i32>} : memref<32768xi32, #tpu.memory_space<vmem>>, vector<16xi32>,
      %swap3A_615 = vector.shape_cast %swap3A_614 : vector<16xi32> to vector<16xi32>
      %swap3A_616 = vector.shape_cast %add3A_606 : vector<16xi32> to vector<16xi32>
      tpu.vector_store %arg6[%swap3A_613], %swap3A_616 {strides = array<i32>} : memref<32768xi32, #tpu.memory_space<vmem>>, vector<16xi32>,
      %add3A_617 = arith.constant 768 : i32
      %add3A_618 = vector.broadcast %add3A_617 : i32 to vector<16xi32>
      %add3A_619 = arith.addi %add3A_539, %add3A_618 : vector<16xi32>
      %add3A_620 = arith.constant 0 : i32
      %add3A_621 = arith.addi %mul3A_522, %add3A_620 : i32
      %add3A_622 = arith.constant 768 : i32
      %add3A_623 = arith.addi %add3A_621, %add3A_622 : i32
      %add3A_624 = arith.constant 0 : i32
      %add3A_625 = arith.addi %add3A_623, %add3A_624 : i32
      %swap3A_626 = arith.index_cast %add3A_625 : i32 to index
      %swap3A_627 = tpu.vector_load %arg6[%swap3A_626] {strides = array<i32>} : memref<32768xi32, #tpu.memory_space<vmem>>, vector<16xi32>,
      %swap3A_628 = vector.shape_cast %swap3A_627 : vector<16xi32> to vector<16xi32>
      %swap3A_629 = vector.shape_cast %add3A_619 : vector<16xi32> to vector<16xi32>
      tpu.vector_store %arg6[%swap3A_626], %swap3A_629 {strides = array<i32>} : memref<32768xi32, #tpu.memory_space<vmem>>, vector<16xi32>,
      %add3A_630 = arith.constant 896 : i32
      %add3A_631 = vector.broadcast %add3A_630 : i32 to vector<16xi32>
      %add3A_632 = arith.addi %add3A_539, %add3A_631 : vector<16xi32>
      %add3A_633 = arith.constant 0 : i32
      %add3A_634 = arith.addi %mul3A_522, %add3A_633 : i32
      %add3A_635 = arith.constant 896 : i32
      %add3A_636 = arith.addi %add3A_634, %add3A_635 : i32
      %add3A_637 = arith.constant 0 : i32
      %add3A_638 = arith.addi %add3A_636, %add3A_637 : i32
      %swap3A_639 = arith.index_cast %add3A_638 : i32 to index
      %swap3A_640 = tpu.vector_load %arg6[%swap3A_639] {strides = array<i32>} : memref<32768xi32, #tpu.memory_space<vmem>>, vector<16xi32>,
      %swap3A_641 = vector.shape_cast %swap3A_640 : vector<16xi32> to vector<16xi32>
      %swap3A_642 = vector.shape_cast %add3A_632 : vector<16xi32> to vector<16xi32>
      tpu.vector_store %arg6[%swap3A_639], %swap3A_642 {strides = array<i32>} : memref<32768xi32, #tpu.memory_space<vmem>>, vector<16xi32>,
      %add3A_643 = arith.constant 8320000 : i32
      %add3A_644 = vector.broadcast %add3A_643 : i32 to vector<16xi32>
      %add3A_645 = arith.addi %add3A_539, %add3A_644 : vector<16xi32>
      %add3A_646 = arith.constant 1024 : i32
      %add3A_647 = arith.addi %mul3A_522, %add3A_646 : i32
      %add3A_648 = arith.constant 0 : i32
      %add3A_649 = arith.addi %add3A_647, %add3A_648 : i32
      %add3A_650 = arith.constant 0 : i32
      %add3A_651 = arith.addi %add3A_649, %add3A_650 : i32
      %swap3A_652 = arith.index_cast %add3A_651 : i32 to index
      %swap3A_653 = tpu.vector_load %arg6[%swap3A_652] {strides = array<i32>} : memref<32768xi32, #tpu.memory_space<vmem>>, vector<16xi32>,
      %swap3A_654 = vector.shape_cast %swap3A_653 : vector<16xi32> to vector<16xi32>
      %swap3A_655 = vector.shape_cast %add3A_645 : vector<16xi32> to vector<16xi32>
      tpu.vector_store %arg6[%swap3A_652], %swap3A_655 {strides = array<i32>} : memref<32768xi32, #tpu.memory_space<vmem>>, vector<16xi32>,
      %add3A_656 = arith.constant 8320128 : i32
      %add3A_657 = vector.broadcast %add3A_656 : i32 to vector<16xi32>
      %add3A_658 = arith.addi %add3A_539, %add3A_657 : vector<16xi32>
      %add3A_659 = arith.constant 1024 : i32
      %add3A_660 = arith.addi %mul3A_522, %add3A_659 : i32
      %add3A_661 = arith.constant 128 : i32
      %add3A_662 = arith.addi %add3A_660, %add3A_661 : i32
      %add3A_663 = arith.constant 0 : i32
      %add3A_664 = arith.addi %add3A_662, %add3A_663 : i32
      %swap3A_665 = arith.index_cast %add3A_664 : i32 to index
      %swap3A_666 = tpu.vector_load %arg6[%swap3A_665] {strides = array<i32>} : memref<32768xi32, #tpu.memory_space<vmem>>, vector<16xi32>,
      %swap3A_667 = vector.shape_cast %swap3A_666 : vector<16xi32> to vector<16xi32>
      %swap3A_668 = vector.shape_cast %add3A_658 : vector<16xi32> to vector<16xi32>
      tpu.vector_store %arg6[%swap3A_665], %swap3A_668 {strides = array<i32>} : memref<32768xi32, #tpu.memory_space<vmem>>, vector<16xi32>,
      %add3A_669 = arith.constant 8320256 : i32
      %add3A_670 = vector.broadcast %add3A_669 : i32 to vector<16xi32>
      %add3A_671 = arith.addi %add3A_539, %add3A_670 : vector<16xi32>
      %add3A_672 = arith.constant 1024 : i32
      %add3A_673 = arith.addi %mul3A_522, %add3A_672 : i32
      %add3A_674 = arith.constant 256 : i32
      %add3A_675 = arith.addi %add3A_673, %add3A_674 : i32
      %add3A_676 = arith.constant 0 : i32
      %add3A_677 = arith.addi %add3A_675, %add3A_676 : i32
      %swap3A_678 = arith.index_cast %add3A_677 : i32 to index
      %swap3A_679 = tpu.vector_load %arg6[%swap3A_678] {strides = array<i32>} : memref<32768xi32, #tpu.memory_space<vmem>>, vector<16xi32>,
      %swap3A_680 = vector.shape_cast %swap3A_679 : vector<16xi32> to vector<16xi32>
      %swap3A_681 = vector.shape_cast %add3A_671 : vector<16xi32> to vector<16xi32>
      tpu.vector_store %arg6[%swap3A_678], %swap3A_681 {strides = array<i32>} : memref<32768xi32, #tpu.memory_space<vmem>>, vector<16xi32>,
      %add3A_682 = arith.constant 8320384 : i32
      %add3A_683 = vector.broadcast %add3A_682 : i32 to vector<16xi32>
      %add3A_684 = arith.addi %add3A_539, %add3A_683 : vector<16xi32>
      %add3A_685 = arith.constant 1024 : i32
      %add3A_686 = arith.addi %mul3A_522, %add3A_685 : i32
      %add3A_687 = arith.constant 384 : i32
      %add3A_688 = arith.addi %add3A_686, %add3A_687 : i32
      %add3A_689 = arith.constant 0 : i32
      %add3A_690 = arith.addi %add3A_688, %add3A_689 : i32
      %swap3A_691 = arith.index_cast %add3A_690 : i32 to index
      %swap3A_692 = tpu.vector_load %arg6[%swap3A_691] {strides = array<i32>} : memref<32768xi32, #tpu.memory_space<vmem>>, vector<16xi32>,
      %swap3A_693 = vector.shape_cast %swap3A_692 : vector<16xi32> to vector<16xi32>
      %swap3A_694 = vector.shape_cast %add3A_684 : vector<16xi32> to vector<16xi32>
      tpu.vector_store %arg6[%swap3A_691], %swap3A_694 {strides = array<i32>} : memref<32768xi32, #tpu.memory_space<vmem>>, vector<16xi32>,
      %add3A_695 = arith.constant 8320512 : i32
      %add3A_696 = vector.broadcast %add3A_695 : i32 to vector<16xi32>
      %add3A_697 = arith.addi %add3A_539, %add3A_696 : vector<16xi32>
      %add3A_698 = arith.constant 1024 : i32
      %add3A_699 = arith.addi %mul3A_522, %add3A_698 : i32
      %add3A_700 = arith.constant 512 : i32
      %add3A_701 = arith.addi %add3A_699, %add3A_700 : i32
      %add3A_702 = arith.constant 0 : i32
      %add3A_703 = arith.addi %add3A_701, %add3A_702 : i32
      %swap3A_704 = arith.index_cast %add3A_703 : i32 to index
      %swap3A_705 = tpu.vector_load %arg6[%swap3A_704] {strides = array<i32>} : memref<32768xi32, #tpu.memory_space<vmem>>, vector<16xi32>,
      %swap3A_706 = vector.shape_cast %swap3A_705 : vector<16xi32> to vector<16xi32>
      %swap3A_707 = vector.shape_cast %add3A_697 : vector<16xi32> to vector<16xi32>
      tpu.vector_store %arg6[%swap3A_704], %swap3A_707 {strides = array<i32>} : memref<32768xi32, #tpu.memory_space<vmem>>, vector<16xi32>,
      %add3A_708 = arith.constant 8320640 : i32
      %add3A_709 = vector.broadcast %add3A_708 : i32 to vector<16xi32>
      %add3A_710 = arith.addi %add3A_539, %add3A_709 : vector<16xi32>
      %add3A_711 = arith.constant 1024 : i32
      %add3A_712 = arith.addi %mul3A_522, %add3A_711 : i32
      %add3A_713 = arith.constant 640 : i32
      %add3A_714 = arith.addi %add3A_712, %add3A_713 : i32
      %add3A_715 = arith.constant 0 : i32
      %add3A_716 = arith.addi %add3A_714, %add3A_715 : i32
      %swap3A_717 = arith.index_cast %add3A_716 : i32 to index
      %swap3A_718 = tpu.vector_load %arg6[%swap3A_717] {strides = array<i32>} : memref<32768xi32, #tpu.memory_space<vmem>>, vector<16xi32>,
      %swap3A_719 = vector.shape_cast %swap3A_718 : vector<16xi32> to vector<16xi32>
      %swap3A_720 = vector.shape_cast %add3A_710 : vector<16xi32> to vector<16xi32>
      tpu.vector_store %arg6[%swap3A_717], %swap3A_720 {strides = array<i32>} : memref<32768xi32, #tpu.memory_space<vmem>>, vector<16xi32>,
      %add3A_721 = arith.constant 8320768 : i32
      %add3A_722 = vector.broadcast %add3A_721 : i32 to vector<16xi32>
      %add3A_723 = arith.addi %add3A_539, %add3A_722 : vector<16xi32>
      %add3A_724 = arith.constant 1024 : i32
      %add3A_725 = arith.addi %mul3A_522, %add3A_724 : i32
      %add3A_726 = arith.constant 768 : i32
      %add3A_727 = arith.addi %add3A_725, %add3A_726 : i32
      %add3A_728 = arith.constant 0 : i32
      %add3A_729 = arith.addi %add3A_727, %add3A_728 : i32
      %swap3A_730 = arith.index_cast %add3A_729 : i32 to index
      %swap3A_731 = tpu.vector_load %arg6[%swap3A_730] {strides = array<i32>} : memref<32768xi32, #tpu.memory_space<vmem>>, vector<16xi32>,
      %swap3A_732 = vector.shape_cast %swap3A_731 : vector<16xi32> to vector<16xi32>
      %swap3A_733 = vector.shape_cast %add3A_723 : vector<16xi32> to vector<16xi32>
      tpu.vector_store %arg6[%swap3A_730], %swap3A_733 {strides = array<i32>} : memref<32768xi32, #tpu.memory_space<vmem>>, vector<16xi32>,
      %add3A_734 = arith.constant 8320896 : i32
      %add3A_735 = vector.broadcast %add3A_734 : i32 to vector<16xi32>
      %add3A_736 = arith.addi %add3A_539, %add3A_735 : vector<16xi32>
      %add3A_737 = arith.constant 1024 : i32
      %add3A_738 = arith.addi %mul3A_522, %add3A_737 : i32
      %add3A_739 = arith.constant 896 : i32
      %add3A_740 = arith.addi %add3A_738, %add3A_739 : i32
      %add3A_741 = arith.constant 0 : i32
      %add3A_742 = arith.addi %add3A_740, %add3A_741 : i32
      %swap3A_743 = arith.index_cast %add3A_742 : i32 to index
      %swap3A_744 = tpu.vector_load %arg6[%swap3A_743] {strides = array<i32>} : memref<32768xi32, #tpu.memory_space<vmem>>, vector<16xi32>,
      %swap3A_745 = vector.shape_cast %swap3A_744 : vector<16xi32> to vector<16xi32>
      %swap3A_746 = vector.shape_cast %add3A_736 : vector<16xi32> to vector<16xi32>
      tpu.vector_store %arg6[%swap3A_743], %swap3A_746 {strides = array<i32>} : memref<32768xi32, #tpu.memory_space<vmem>>, vector<16xi32>,
      %mul3A_747 = arith.constant 128 : i32
      %mul3A_748 = arith.muli %add3A_513, %mul3A_747 : i32
      %add3A_749 = arith.constant 16 : i32
      %add3A_750 = arith.addi %mul3A_748, %add3A_749 : i32
      %get3A_751 = arith.index_cast %add3A_750 : i32 to index
      %get3A_752 = tpu.vector_load %arg5[%get3A_751] {strides = array<i32>} : memref<13312xi32, #tpu.memory_space<vmem>>, vector<16xi32>,
      %get3A_753 = vector.shape_cast %get3A_752 : vector<16xi32> to vector<16xi32>
      %add3A_754 = vector.broadcast %mul3A_518 : i32 to vector<16xi32>
      %add3A_755 = arith.addi %get3A_753, %add3A_754 : vector<16xi32>
      %shift_right_logical3A_756 = arith.constant 7 : i32
      %shift_right_logical3A_757 = vector.broadcast %shift_right_logical3A_756 : i32 to vector<16xi32>
      %shift_right_logical3A_758 = arith.shrui %add3A_755, %shift_right_logical3A_757 : vector<16xi32>
      %shift_left3A_759 = arith.constant 10 : i32
      %shift_left3A_760 = vector.broadcast %shift_left3A_759 : i32 to vector<16xi32>
      %shift_left3A_761 = arith.shli %shift_right_logical3A_758, %shift_left3A_760 : vector<16xi32>
      %and3A_762 = arith.constant 127 : i32
      %and3A_763 = vector.broadcast %and3A_762 : i32 to vector<16xi32>
      %and3A_764 = arith.andi %add3A_755, %and3A_763 : vector<16xi32>
      %add3A_765 = arith.addi %shift_left3A_761, %and3A_764 : vector<16xi32>
      %add3A_766 = arith.constant 0 : i32
      %add3A_767 = vector.broadcast %add3A_766 : i32 to vector<16xi32>
      %add3A_768 = arith.addi %add3A_765, %add3A_767 : vector<16xi32>
      %add3A_769 = arith.constant 0 : i32
      %add3A_770 = arith.addi %mul3A_522, %add3A_769 : i32
      %add3A_771 = arith.constant 0 : i32
      %add3A_772 = arith.addi %add3A_770, %add3A_771 : i32
      %add3A_773 = arith.constant 16 : i32
      %add3A_774 = arith.addi %add3A_772, %add3A_773 : i32
      %swap3A_775 = arith.index_cast %add3A_774 : i32 to index
      %swap3A_776 = tpu.vector_load %arg6[%swap3A_775] {strides = array<i32>} : memref<32768xi32, #tpu.memory_space<vmem>>, vector<16xi32>,
      %swap3A_777 = vector.shape_cast %swap3A_776 : vector<16xi32> to vector<16xi32>
      %swap3A_778 = vector.shape_cast %add3A_768 : vector<16xi32> to vector<16xi32>
      tpu.vector_store %arg6[%swap3A_775], %swap3A_778 {strides = array<i32>} : memref<32768xi32, #tpu.memory_space<vmem>>, vector<16xi32>,
      %add3A_779 = arith.constant 128 : i32
      %add3A_780 = vector.broadcast %add3A_779 : i32 to vector<16xi32>
      %add3A_781 = arith.addi %add3A_765, %add3A_780 : vector<16xi32>
      %add3A_782 = arith.constant 0 : i32
      %add3A_783 = arith.addi %mul3A_522, %add3A_782 : i32
      %add3A_784 = arith.constant 128 : i32
      %add3A_785 = arith.addi %add3A_783, %add3A_784 : i32
      %add3A_786 = arith.constant 16 : i32
      %add3A_787 = arith.addi %add3A_785, %add3A_786 : i32
      %swap3A_788 = arith.index_cast %add3A_787 : i32 to index
      %swap3A_789 = tpu.vector_load %arg6[%swap3A_788] {strides = array<i32>} : memref<32768xi32, #tpu.memory_space<vmem>>, vector<16xi32>,
      %swap3A_790 = vector.shape_cast %swap3A_789 : vector<16xi32> to vector<16xi32>
      %swap3A_791 = vector.shape_cast %add3A_781 : vector<16xi32> to vector<16xi32>
      tpu.vector_store %arg6[%swap3A_788], %swap3A_791 {strides = array<i32>} : memref<32768xi32, #tpu.memory_space<vmem>>, vector<16xi32>,
      %add3A_792 = arith.constant 256 : i32
      %add3A_793 = vector.broadcast %add3A_792 : i32 to vector<16xi32>
      %add3A_794 = arith.addi %add3A_765, %add3A_793 : vector<16xi32>
      %add3A_795 = arith.constant 0 : i32
      %add3A_796 = arith.addi %mul3A_522, %add3A_795 : i32
      %add3A_797 = arith.constant 256 : i32
      %add3A_798 = arith.addi %add3A_796, %add3A_797 : i32
      %add3A_799 = arith.constant 16 : i32
      %add3A_800 = arith.addi %add3A_798, %add3A_799 : i32
      %swap3A_801 = arith.index_cast %add3A_800 : i32 to index
      %swap3A_802 = tpu.vector_load %arg6[%swap3A_801] {strides = array<i32>} : memref<32768xi32, #tpu.memory_space<vmem>>, vector<16xi32>,
      %swap3A_803 = vector.shape_cast %swap3A_802 : vector<16xi32> to vector<16xi32>
      %swap3A_804 = vector.shape_cast %add3A_794 : vector<16xi32> to vector<16xi32>
      tpu.vector_store %arg6[%swap3A_801], %swap3A_804 {strides = array<i32>} : memref<32768xi32, #tpu.memory_space<vmem>>, vector<16xi32>,
      %add3A_805 = arith.constant 384 : i32
      %add3A_806 = vector.broadcast %add3A_805 : i32 to vector<16xi32>
      %add3A_807 = arith.addi %add3A_765, %add3A_806 : vector<16xi32>
      %add3A_808 = arith.constant 0 : i32
      %add3A_809 = arith.addi %mul3A_522, %add3A_808 : i32
      %add3A_810 = arith.constant 384 : i32
      %add3A_811 = arith.addi %add3A_809, %add3A_810 : i32
      %add3A_812 = arith.constant 16 : i32
      %add3A_813 = arith.addi %add3A_811, %add3A_812 : i32
      %swap3A_814 = arith.index_cast %add3A_813 : i32 to index
      %swap3A_815 = tpu.vector_load %arg6[%swap3A_814] {strides = array<i32>} : memref<32768xi32, #tpu.memory_space<vmem>>, vector<16xi32>,
      %swap3A_816 = vector.shape_cast %swap3A_815 : vector<16xi32> to vector<16xi32>
      %swap3A_817 = vector.shape_cast %add3A_807 : vector<16xi32> to vector<16xi32>
      tpu.vector_store %arg6[%swap3A_814], %swap3A_817 {strides = array<i32>} : memref<32768xi32, #tpu.memory_space<vmem>>, vector<16xi32>,
      %add3A_818 = arith.constant 512 : i32
      %add3A_819 = vector.broadcast %add3A_818 : i32 to vector<16xi32>
      %add3A_820 = arith.addi %add3A_765, %add3A_819 : vector<16xi32>
      %add3A_821 = arith.constant 0 : i32
      %add3A_822 = arith.addi %mul3A_522, %add3A_821 : i32
      %add3A_823 = arith.constant 512 : i32
      %add3A_824 = arith.addi %add3A_822, %add3A_823 : i32
      %add3A_825 = arith.constant 16 : i32
      %add3A_826 = arith.addi %add3A_824, %add3A_825 : i32
      %swap3A_827 = arith.index_cast %add3A_826 : i32 to index
      %swap3A_828 = tpu.vector_load %arg6[%swap3A_827] {strides = array<i32>} : memref<32768xi32, #tpu.memory_space<vmem>>, vector<16xi32>,
      %swap3A_829 = vector.shape_cast %swap3A_828 : vector<16xi32> to vector<16xi32>
      %swap3A_830 = vector.shape_cast %add3A_820 : vector<16xi32> to vector<16xi32>
      tpu.vector_store %arg6[%swap3A_827], %swap3A_830 {strides = array<i32>} : memref<32768xi32, #tpu.memory_space<vmem>>, vector<16xi32>,
      %add3A_831 = arith.constant 640 : i32
      %add3A_832 = vector.broadcast %add3A_831 : i32 to vector<16xi32>
      %add3A_833 = arith.addi %add3A_765, %add3A_832 : vector<16xi32>
      %add3A_834 = arith.constant 0 : i32
      %add3A_835 = arith.addi %mul3A_522, %add3A_834 : i32
      %add3A_836 = arith.constant 640 : i32
      %add3A_837 = arith.addi %add3A_835, %add3A_836 : i32
      %add3A_838 = arith.constant 16 : i32
      %add3A_839 = arith.addi %add3A_837, %add3A_838 : i32
      %swap3A_840 = arith.index_cast %add3A_839 : i32 to index
      %swap3A_841 = tpu.vector_load %arg6[%swap3A_840] {strides = array<i32>} : memref<32768xi32, #tpu.memory_space<vmem>>, vector<16xi32>,
      %swap3A_842 = vector.shape_cast %swap3A_841 : vector<16xi32> to vector<16xi32>
      %swap3A_843 = vector.shape_cast %add3A_833 : vector<16xi32> to vector<16xi32>
      tpu.vector_store %arg6[%swap3A_840], %swap3A_843 {strides = array<i32>} : memref<32768xi32, #tpu.memory_space<vmem>>, vector<16xi32>,
      %add3A_844 = arith.constant 768 : i32
      %add3A_845 = vector.broadcast %add3A_844 : i32 to vector<16xi32>
      %add3A_846 = arith.addi %add3A_765, %add3A_845 : vector<16xi32>
      %add3A_847 = arith.constant 0 : i32
      %add3A_848 = arith.addi %mul3A_522, %add3A_847 : i32
      %add3A_849 = arith.constant 768 : i32
      %add3A_850 = arith.addi %add3A_848, %add3A_849 : i32
      %add3A_851 = arith.constant 16 : i32
      %add3A_852 = arith.addi %add3A_850, %add3A_851 : i32
      %swap3A_853 = arith.index_cast %add3A_852 : i32 to index
      %swap3A_854 = tpu.vector_load %arg6[%swap3A_853] {strides = array<i32>} : memref<32768xi32, #tpu.memory_space<vmem>>, vector<16xi32>,
      %swap3A_855 = vector.shape_cast %swap3A_854 : vector<16xi32> to vector<16xi32>
      %swap3A_856 = vector.shape_cast %add3A_846 : vector<16xi32> to vector<16xi32>
      tpu.vector_store %arg6[%swap3A_853], %swap3A_856 {strides = array<i32>} : memref<32768xi32, #tpu.memory_space<vmem>>, vector<16xi32>,
      %add3A_857 = arith.constant 896 : i32
      %add3A_858 = vector.broadcast %add3A_857 : i32 to vector<16xi32>
      %add3A_859 = arith.addi %add3A_765, %add3A_858 : vector<16xi32>
      %add3A_860 = arith.constant 0 : i32
      %add3A_861 = arith.addi %mul3A_522, %add3A_860 : i32
      %add3A_862 = arith.constant 896 : i32
      %add3A_863 = arith.addi %add3A_861, %add3A_862 : i32
      %add3A_864 = arith.constant 16 : i32
      %add3A_865 = arith.addi %add3A_863, %add3A_864 : i32
      %swap3A_866 = arith.index_cast %add3A_865 : i32 to index
      %swap3A_867 = tpu.vector_load %arg6[%swap3A_866] {strides = array<i32>} : memref<32768xi32, #tpu.memory_space<vmem>>, vector<16xi32>,
      %swap3A_868 = vector.shape_cast %swap3A_867 : vector<16xi32> to vector<16xi32>
      %swap3A_869 = vector.shape_cast %add3A_859 : vector<16xi32> to vector<16xi32>
      tpu.vector_store %arg6[%swap3A_866], %swap3A_869 {strides = array<i32>} : memref<32768xi32, #tpu.memory_space<vmem>>, vector<16xi32>,
      %add3A_870 = arith.constant 8320000 : i32
      %add3A_871 = vector.broadcast %add3A_870 : i32 to vector<16xi32>
      %add3A_872 = arith.addi %add3A_765, %add3A_871 : vector<16xi32>
      %add3A_873 = arith.constant 1024 : i32
      %add3A_874 = arith.addi %mul3A_522, %add3A_873 : i32
      %add3A_875 = arith.constant 0 : i32
      %add3A_876 = arith.addi %add3A_874, %add3A_875 : i32
      %add3A_877 = arith.constant 16 : i32
      %add3A_878 = arith.addi %add3A_876, %add3A_877 : i32
      %swap3A_879 = arith.index_cast %add3A_878 : i32 to index
      %swap3A_880 = tpu.vector_load %arg6[%swap3A_879] {strides = array<i32>} : memref<32768xi32, #tpu.memory_space<vmem>>, vector<16xi32>,
      %swap3A_881 = vector.shape_cast %swap3A_880 : vector<16xi32> to vector<16xi32>
      %swap3A_882 = vector.shape_cast %add3A_872 : vector<16xi32> to vector<16xi32>
      tpu.vector_store %arg6[%swap3A_879], %swap3A_882 {strides = array<i32>} : memref<32768xi32, #tpu.memory_space<vmem>>, vector<16xi32>,
      %add3A_883 = arith.constant 8320128 : i32
      %add3A_884 = vector.broadcast %add3A_883 : i32 to vector<16xi32>
      %add3A_885 = arith.addi %add3A_765, %add3A_884 : vector<16xi32>
      %add3A_886 = arith.constant 1024 : i32
      %add3A_887 = arith.addi %mul3A_522, %add3A_886 : i32
      %add3A_888 = arith.constant 128 : i32
      %add3A_889 = arith.addi %add3A_887, %add3A_888 : i32
      %add3A_890 = arith.constant 16 : i32
      %add3A_891 = arith.addi %add3A_889, %add3A_890 : i32
      %swap3A_892 = arith.index_cast %add3A_891 : i32 to index
      %swap3A_893 = tpu.vector_load %arg6[%swap3A_892] {strides = array<i32>} : memref<32768xi32, #tpu.memory_space<vmem>>, vector<16xi32>,
      %swap3A_894 = vector.shape_cast %swap3A_893 : vector<16xi32> to vector<16xi32>
      %swap3A_895 = vector.shape_cast %add3A_885 : vector<16xi32> to vector<16xi32>
      tpu.vector_store %arg6[%swap3A_892], %swap3A_895 {strides = array<i32>} : memref<32768xi32, #tpu.memory_space<vmem>>, vector<16xi32>,
      %add3A_896 = arith.constant 8320256 : i32
      %add3A_897 = vector.broadcast %add3A_896 : i32 to vector<16xi32>
      %add3A_898 = arith.addi %add3A_765, %add3A_897 : vector<16xi32>
      %add3A_899 = arith.constant 1024 : i32
      %add3A_900 = arith.addi %mul3A_522, %add3A_899 : i32
      %add3A_901 = arith.constant 256 : i32
      %add3A_902 = arith.addi %add3A_900, %add3A_901 : i32
      %add3A_903 = arith.constant 16 : i32
      %add3A_904 = arith.addi %add3A_902, %add3A_903 : i32
      %swap3A_905 = arith.index_cast %add3A_904 : i32 to index
      %swap3A_906 = tpu.vector_load %arg6[%swap3A_905] {strides = array<i32>} : memref<32768xi32, #tpu.memory_space<vmem>>, vector<16xi32>,
      %swap3A_907 = vector.shape_cast %swap3A_906 : vector<16xi32> to vector<16xi32>
      %swap3A_908 = vector.shape_cast %add3A_898 : vector<16xi32> to vector<16xi32>
      tpu.vector_store %arg6[%swap3A_905], %swap3A_908 {strides = array<i32>} : memref<32768xi32, #tpu.memory_space<vmem>>, vector<16xi32>,
      %add3A_909 = arith.constant 8320384 : i32
      %add3A_910 = vector.broadcast %add3A_909 : i32 to vector<16xi32>
      %add3A_911 = arith.addi %add3A_765, %add3A_910 : vector<16xi32>
      %add3A_912 = arith.constant 1024 : i32
      %add3A_913 = arith.addi %mul3A_522, %add3A_912 : i32
      %add3A_914 = arith.constant 384 : i32
      %add3A_915 = arith.addi %add3A_913, %add3A_914 : i32
      %add3A_916 = arith.constant 16 : i32
      %add3A_917 = arith.addi %add3A_915, %add3A_916 : i32
      %swap3A_918 = arith.index_cast %add3A_917 : i32 to index
      %swap3A_919 = tpu.vector_load %arg6[%swap3A_918] {strides = array<i32>} : memref<32768xi32, #tpu.memory_space<vmem>>, vector<16xi32>,
      %swap3A_920 = vector.shape_cast %swap3A_919 : vector<16xi32> to vector<16xi32>
      %swap3A_921 = vector.shape_cast %add3A_911 : vector<16xi32> to vector<16xi32>
      tpu.vector_store %arg6[%swap3A_918], %swap3A_921 {strides = array<i32>} : memref<32768xi32, #tpu.memory_space<vmem>>, vector<16xi32>,
      %add3A_922 = arith.constant 8320512 : i32
      %add3A_923 = vector.broadcast %add3A_922 : i32 to vector<16xi32>
      %add3A_924 = arith.addi %add3A_765, %add3A_923 : vector<16xi32>
      %add3A_925 = arith.constant 1024 : i32
      %add3A_926 = arith.addi %mul3A_522, %add3A_925 : i32
      %add3A_927 = arith.constant 512 : i32
      %add3A_928 = arith.addi %add3A_926, %add3A_927 : i32
      %add3A_929 = arith.constant 16 : i32
      %add3A_930 = arith.addi %add3A_928, %add3A_929 : i32
      %swap3A_931 = arith.index_cast %add3A_930 : i32 to index
      %swap3A_932 = tpu.vector_load %arg6[%swap3A_931] {strides = array<i32>} : memref<32768xi32, #tpu.memory_space<vmem>>, vector<16xi32>,
      %swap3A_933 = vector.shape_cast %swap3A_932 : vector<16xi32> to vector<16xi32>
      %swap3A_934 = vector.shape_cast %add3A_924 : vector<16xi32> to vector<16xi32>
      tpu.vector_store %arg6[%swap3A_931], %swap3A_934 {strides = array<i32>} : memref<32768xi32, #tpu.memory_space<vmem>>, vector<16xi32>,
      %add3A_935 = arith.constant 8320640 : i32
      %add3A_936 = vector.broadcast %add3A_935 : i32 to vector<16xi32>
      %add3A_937 = arith.addi %add3A_765, %add3A_936 : vector<16xi32>
      %add3A_938 = arith.constant 1024 : i32
      %add3A_939 = arith.addi %mul3A_522, %add3A_938 : i32
      %add3A_940 = arith.constant 640 : i32
      %add3A_941 = arith.addi %add3A_939, %add3A_940 : i32
      %add3A_942 = arith.constant 16 : i32
      %add3A_943 = arith.addi %add3A_941, %add3A_942 : i32
      %swap3A_944 = arith.index_cast %add3A_943 : i32 to index
      %swap3A_945 = tpu.vector_load %arg6[%swap3A_944] {strides = array<i32>} : memref<32768xi32, #tpu.memory_space<vmem>>, vector<16xi32>,
      %swap3A_946 = vector.shape_cast %swap3A_945 : vector<16xi32> to vector<16xi32>
      %swap3A_947 = vector.shape_cast %add3A_937 : vector<16xi32> to vector<16xi32>
      tpu.vector_store %arg6[%swap3A_944], %swap3A_947 {strides = array<i32>} : memref<32768xi32, #tpu.memory_space<vmem>>, vector<16xi32>,
      %add3A_948 = arith.constant 8320768 : i32
      %add3A_949 = vector.broadcast %add3A_948 : i32 to vector<16xi32>
      %add3A_950 = arith.addi %add3A_765, %add3A_949 : vector<16xi32>
      %add3A_951 = arith.constant 1024 : i32
      %add3A_952 = arith.addi %mul3A_522, %add3A_951 : i32
      %add3A_953 = arith.constant 768 : i32
      %add3A_954 = arith.addi %add3A_952, %add3A_953 : i32
      %add3A_955 = arith.constant 16 : i32
      %add3A_956 = arith.addi %add3A_954, %add3A_955 : i32
      %swap3A_957 = arith.index_cast %add3A_956 : i32 to index
      %swap3A_958 = tpu.vector_load %arg6[%swap3A_957] {strides = array<i32>} : memref<32768xi32, #tpu.memory_space<vmem>>, vector<16xi32>,
      %swap3A_959 = vector.shape_cast %swap3A_958 : vector<16xi32> to vector<16xi32>
      %swap3A_960 = vector.shape_cast %add3A_950 : vector<16xi32> to vector<16xi32>
      tpu.vector_store %arg6[%swap3A_957], %swap3A_960 {strides = array<i32>} : memref<32768xi32, #tpu.memory_space<vmem>>, vector<16xi32>,
      %add3A_961 = arith.constant 8320896 : i32
      %add3A_962 = vector.broadcast %add3A_961 : i32 to vector<16xi32>
      %add3A_963 = arith.addi %add3A_765, %add3A_962 : vector<16xi32>
      %add3A_964 = arith.constant 1024 : i32
      %add3A_965 = arith.addi %mul3A_522, %add3A_964 : i32
      %add3A_966 = arith.constant 896 : i32
      %add3A_967 = arith.addi %add3A_965, %add3A_966 : i32
      %add3A_968 = arith.constant 16 : i32
      %add3A_969 = arith.addi %add3A_967, %add3A_968 : i32
      %swap3A_970 = arith.index_cast %add3A_969 : i32 to index
      %swap3A_971 = tpu.vector_load %arg6[%swap3A_970] {strides = array<i32>} : memref<32768xi32, #tpu.memory_space<vmem>>, vector<16xi32>,
      %swap3A_972 = vector.shape_cast %swap3A_971 : vector<16xi32> to vector<16xi32>
      %swap3A_973 = vector.shape_cast %add3A_963 : vector<16xi32> to vector<16xi32>
      tpu.vector_store %arg6[%swap3A_970], %swap3A_973 {strides = array<i32>} : memref<32768xi32, #tpu.memory_space<vmem>>, vector<16xi32>,
      %mul3A_974 = arith.constant 128 : i32
      %mul3A_975 = arith.muli %add3A_513, %mul3A_974 : i32
      %add3A_976 = arith.constant 32 : i32
      %add3A_977 = arith.addi %mul3A_975, %add3A_976 : i32
      %get3A_978 = arith.index_cast %add3A_977 : i32 to index
      %get3A_979 = tpu.vector_load %arg5[%get3A_978] {strides = array<i32>} : memref<13312xi32, #tpu.memory_space<vmem>>, vector<16xi32>,
      %get3A_980 = vector.shape_cast %get3A_979 : vector<16xi32> to vector<16xi32>
      %add3A_981 = vector.broadcast %mul3A_518 : i32 to vector<16xi32>
      %add3A_982 = arith.addi %get3A_980, %add3A_981 : vector<16xi32>
      %shift_right_logical3A_983 = arith.constant 7 : i32
      %shift_right_logical3A_984 = vector.broadcast %shift_right_logical3A_983 : i32 to vector<16xi32>
      %shift_right_logical3A_985 = arith.shrui %add3A_982, %shift_right_logical3A_984 : vector<16xi32>
      %shift_left3A_986 = arith.constant 10 : i32
      %shift_left3A_987 = vector.broadcast %shift_left3A_986 : i32 to vector<16xi32>
      %shift_left3A_988 = arith.shli %shift_right_logical3A_985, %shift_left3A_987 : vector<16xi32>
      %and3A_989 = arith.constant 127 : i32
      %and3A_990 = vector.broadcast %and3A_989 : i32 to vector<16xi32>
      %and3A_991 = arith.andi %add3A_982, %and3A_990 : vector<16xi32>
      %add3A_992 = arith.addi %shift_left3A_988, %and3A_991 : vector<16xi32>
      %add3A_993 = arith.constant 0 : i32
      %add3A_994 = vector.broadcast %add3A_993 : i32 to vector<16xi32>
      %add3A_995 = arith.addi %add3A_992, %add3A_994 : vector<16xi32>
      %add3A_996 = arith.constant 0 : i32
      %add3A_997 = arith.addi %mul3A_522, %add3A_996 : i32
      %add3A_998 = arith.constant 0 : i32
      %add3A_999 = arith.addi %add3A_997, %add3A_998 : i32
      %add3A_1000 = arith.constant 32 : i32
      %add3A_1001 = arith.addi %add3A_999, %add3A_1000 : i32
      %swap3A_1002 = arith.index_cast %add3A_1001 : i32 to index
      %swap3A_1003 = tpu.vector_load %arg6[%swap3A_1002] {strides = array<i32>} : memref<32768xi32, #tpu.memory_space<vmem>>, vector<16xi32>,
      %swap3A_1004 = vector.shape_cast %swap3A_1003 : vector<16xi32> to vector<16xi32>
      %swap3A_1005 = vector.shape_cast %add3A_995 : vector<16xi32> to vector<16xi32>
      tpu.vector_store %arg6[%swap3A_1002], %swap3A_1005 {strides = array<i32>} : memref<32768xi32, #tpu.memory_space<vmem>>, vector<16xi32>,
      %add3A_1006 = arith.constant 128 : i32
      %add3A_1007 = vector.broadcast %add3A_1006 : i32 to vector<16xi32>
      %add3A_1008 = arith.addi %add3A_992, %add3A_1007 : vector<16xi32>
      %add3A_1009 = arith.constant 0 : i32
      %add3A_1010 = arith.addi %mul3A_522, %add3A_1009 : i32
      %add3A_1011 = arith.constant 128 : i32
      %add3A_1012 = arith.addi %add3A_1010, %add3A_1011 : i32
      %add3A_1013 = arith.constant 32 : i32
      %add3A_1014 = arith.addi %add3A_1012, %add3A_1013 : i32
      %swap3A_1015 = arith.index_cast %add3A_1014 : i32 to index
      %swap3A_1016 = tpu.vector_load %arg6[%swap3A_1015] {strides = array<i32>} : memref<32768xi32, #tpu.memory_space<vmem>>, vector<16xi32>,
      %swap3A_1017 = vector.shape_cast %swap3A_1016 : vector<16xi32> to vector<16xi32>
      %swap3A_1018 = vector.shape_cast %add3A_1008 : vector<16xi32> to vector<16xi32>
      tpu.vector_store %arg6[%swap3A_1015], %swap3A_1018 {strides = array<i32>} : memref<32768xi32, #tpu.memory_space<vmem>>, vector<16xi32>,
      %add3A_1019 = arith.constant 256 : i32
      %add3A_1020 = vector.broadcast %add3A_1019 : i32 to vector<16xi32>
      %add3A_1021 = arith.addi %add3A_992, %add3A_1020 : vector<16xi32>
      %add3A_1022 = arith.constant 0 : i32
      %add3A_1023 = arith.addi %mul3A_522, %add3A_1022 : i32
      %add3A_1024 = arith.constant 256 : i32
      %add3A_1025 = arith.addi %add3A_1023, %add3A_1024 : i32
      %add3A_1026 = arith.constant 32 : i32
      %add3A_1027 = arith.addi %add3A_1025, %add3A_1026 : i32
      %swap3A_1028 = arith.index_cast %add3A_1027 : i32 to index
      %swap3A_1029 = tpu.vector_load %arg6[%swap3A_1028] {strides = array<i32>} : memref<32768xi32, #tpu.memory_space<vmem>>, vector<16xi32>,
      %swap3A_1030 = vector.shape_cast %swap3A_1029 : vector<16xi32> to vector<16xi32>
      %swap3A_1031 = vector.shape_cast %add3A_1021 : vector<16xi32> to vector<16xi32>
      tpu.vector_store %arg6[%swap3A_1028], %swap3A_1031 {strides = array<i32>} : memref<32768xi32, #tpu.memory_space<vmem>>, vector<16xi32>,
      %add3A_1032 = arith.constant 384 : i32
      %add3A_1033 = vector.broadcast %add3A_1032 : i32 to vector<16xi32>
      %add3A_1034 = arith.addi %add3A_992, %add3A_1033 : vector<16xi32>
      %add3A_1035 = arith.constant 0 : i32
      %add3A_1036 = arith.addi %mul3A_522, %add3A_1035 : i32
      %add3A_1037 = arith.constant 384 : i32
      %add3A_1038 = arith.addi %add3A_1036, %add3A_1037 : i32
      %add3A_1039 = arith.constant 32 : i32
      %add3A_1040 = arith.addi %add3A_1038, %add3A_1039 : i32
      %swap3A_1041 = arith.index_cast %add3A_1040 : i32 to index
      %swap3A_1042 = tpu.vector_load %arg6[%swap3A_1041] {strides = array<i32>} : memref<32768xi32, #tpu.memory_space<vmem>>, vector<16xi32>,
      %swap3A_1043 = vector.shape_cast %swap3A_1042 : vector<16xi32> to vector<16xi32>
      %swap3A_1044 = vector.shape_cast %add3A_1034 : vector<16xi32> to vector<16xi32>
      tpu.vector_store %arg6[%swap3A_1041], %swap3A_1044 {strides = array<i32>} : memref<32768xi32, #tpu.memory_space<vmem>>, vector<16xi32>,
      %add3A_1045 = arith.constant 512 : i32
      %add3A_1046 = vector.broadcast %add3A_1045 : i32 to vector<16xi32>
      %add3A_1047 = arith.addi %add3A_992, %add3A_1046 : vector<16xi32>
      %add3A_1048 = arith.constant 0 : i32
      %add3A_1049 = arith.addi %mul3A_522, %add3A_1048 : i32
      %add3A_1050 = arith.constant 512 : i32
      %add3A_1051 = arith.addi %add3A_1049, %add3A_1050 : i32
      %add3A_1052 = arith.constant 32 : i32
      %add3A_1053 = arith.addi %add3A_1051, %add3A_1052 : i32
      %swap3A_1054 = arith.index_cast %add3A_1053 : i32 to index
      %swap3A_1055 = tpu.vector_load %arg6[%swap3A_1054] {strides = array<i32>} : memref<32768xi32, #tpu.memory_space<vmem>>, vector<16xi32>,
      %swap3A_1056 = vector.shape_cast %swap3A_1055 : vector<16xi32> to vector<16xi32>
      %swap3A_1057 = vector.shape_cast %add3A_1047 : vector<16xi32> to vector<16xi32>
      tpu.vector_store %arg6[%swap3A_1054], %swap3A_1057 {strides = array<i32>} : memref<32768xi32, #tpu.memory_space<vmem>>, vector<16xi32>,
      %add3A_1058 = arith.constant 640 : i32
      %add3A_1059 = vector.broadcast %add3A_1058 : i32 to vector<16xi32>
      %add3A_1060 = arith.addi %add3A_992, %add3A_1059 : vector<16xi32>
      %add3A_1061 = arith.constant 0 : i32
      %add3A_1062 = arith.addi %mul3A_522, %add3A_1061 : i32
      %add3A_1063 = arith.constant 640 : i32
      %add3A_1064 = arith.addi %add3A_1062, %add3A_1063 : i32
      %add3A_1065 = arith.constant 32 : i32
      %add3A_1066 = arith.addi %add3A_1064, %add3A_1065 : i32
      %swap3A_1067 = arith.index_cast %add3A_1066 : i32 to index
      %swap3A_1068 = tpu.vector_load %arg6[%swap3A_1067] {strides = array<i32>} : memref<32768xi32, #tpu.memory_space<vmem>>, vector<16xi32>,
      %swap3A_1069 = vector.shape_cast %swap3A_1068 : vector<16xi32> to vector<16xi32>
      %swap3A_1070 = vector.shape_cast %add3A_1060 : vector<16xi32> to vector<16xi32>
      tpu.vector_store %arg6[%swap3A_1067], %swap3A_1070 {strides = array<i32>} : memref<32768xi32, #tpu.memory_space<vmem>>, vector<16xi32>,
      %add3A_1071 = arith.constant 768 : i32
      %add3A_1072 = vector.broadcast %add3A_1071 : i32 to vector<16xi32>
      %add3A_1073 = arith.addi %add3A_992, %add3A_1072 : vector<16xi32>
      %add3A_1074 = arith.constant 0 : i32
      %add3A_1075 = arith.addi %mul3A_522, %add3A_1074 : i32
      %add3A_1076 = arith.constant 768 : i32
      %add3A_1077 = arith.addi %add3A_1075, %add3A_1076 : i32
      %add3A_1078 = arith.constant 32 : i32
      %add3A_1079 = arith.addi %add3A_1077, %add3A_1078 : i32
      %swap3A_1080 = arith.index_cast %add3A_1079 : i32 to index
      %swap3A_1081 = tpu.vector_load %arg6[%swap3A_1080] {strides = array<i32>} : memref<32768xi32, #tpu.memory_space<vmem>>, vector<16xi32>,
      %swap3A_1082 = vector.shape_cast %swap3A_1081 : vector<16xi32> to vector<16xi32>
      %swap3A_1083 = vector.shape_cast %add3A_1073 : vector<16xi32> to vector<16xi32>
      tpu.vector_store %arg6[%swap3A_1080], %swap3A_1083 {strides = array<i32>} : memref<32768xi32, #tpu.memory_space<vmem>>, vector<16xi32>,
      %add3A_1084 = arith.constant 896 : i32
      %add3A_1085 = vector.broadcast %add3A_1084 : i32 to vector<16xi32>
      %add3A_1086 = arith.addi %add3A_992, %add3A_1085 : vector<16xi32>
      %add3A_1087 = arith.constant 0 : i32
      %add3A_1088 = arith.addi %mul3A_522, %add3A_1087 : i32
      %add3A_1089 = arith.constant 896 : i32
      %add3A_1090 = arith.addi %add3A_1088, %add3A_1089 : i32
      %add3A_1091 = arith.constant 32 : i32
      %add3A_1092 = arith.addi %add3A_1090, %add3A_1091 : i32
      %swap3A_1093 = arith.index_cast %add3A_1092 : i32 to index
      %swap3A_1094 = tpu.vector_load %arg6[%swap3A_1093] {strides = array<i32>} : memref<32768xi32, #tpu.memory_space<vmem>>, vector<16xi32>,
      %swap3A_1095 = vector.shape_cast %swap3A_1094 : vector<16xi32> to vector<16xi32>
      %swap3A_1096 = vector.shape_cast %add3A_1086 : vector<16xi32> to vector<16xi32>
      tpu.vector_store %arg6[%swap3A_1093], %swap3A_1096 {strides = array<i32>} : memref<32768xi32, #tpu.memory_space<vmem>>, vector<16xi32>,
      %add3A_1097 = arith.constant 8320000 : i32
      %add3A_1098 = vector.broadcast %add3A_1097 : i32 to vector<16xi32>
      %add3A_1099 = arith.addi %add3A_992, %add3A_1098 : vector<16xi32>
      %add3A_1100 = arith.constant 1024 : i32
      %add3A_1101 = arith.addi %mul3A_522, %add3A_1100 : i32
      %add3A_1102 = arith.constant 0 : i32
      %add3A_1103 = arith.addi %add3A_1101, %add3A_1102 : i32
      %add3A_1104 = arith.constant 32 : i32
      %add3A_1105 = arith.addi %add3A_1103, %add3A_1104 : i32
      %swap3A_1106 = arith.index_cast %add3A_1105 : i32 to index
      %swap3A_1107 = tpu.vector_load %arg6[%swap3A_1106] {strides = array<i32>} : memref<32768xi32, #tpu.memory_space<vmem>>, vector<16xi32>,
      %swap3A_1108 = vector.shape_cast %swap3A_1107 : vector<16xi32> to vector<16xi32>
      %swap3A_1109 = vector.shape_cast %add3A_1099 : vector<16xi32> to vector<16xi32>
      tpu.vector_store %arg6[%swap3A_1106], %swap3A_1109 {strides = array<i32>} : memref<32768xi32, #tpu.memory_space<vmem>>, vector<16xi32>,
      %add3A_1110 = arith.constant 8320128 : i32
      %add3A_1111 = vector.broadcast %add3A_1110 : i32 to vector<16xi32>
      %add3A_1112 = arith.addi %add3A_992, %add3A_1111 : vector<16xi32>
      %add3A_1113 = arith.constant 1024 : i32
      %add3A_1114 = arith.addi %mul3A_522, %add3A_1113 : i32
      %add3A_1115 = arith.constant 128 : i32
      %add3A_1116 = arith.addi %add3A_1114, %add3A_1115 : i32
      %add3A_1117 = arith.constant 32 : i32
      %add3A_1118 = arith.addi %add3A_1116, %add3A_1117 : i32
      %swap3A_1119 = arith.index_cast %add3A_1118 : i32 to index
      %swap3A_1120 = tpu.vector_load %arg6[%swap3A_1119] {strides = array<i32>} : memref<32768xi32, #tpu.memory_space<vmem>>, vector<16xi32>,
      %swap3A_1121 = vector.shape_cast %swap3A_1120 : vector<16xi32> to vector<16xi32>
      %swap3A_1122 = vector.shape_cast %add3A_1112 : vector<16xi32> to vector<16xi32>
      tpu.vector_store %arg6[%swap3A_1119], %swap3A_1122 {strides = array<i32>} : memref<32768xi32, #tpu.memory_space<vmem>>, vector<16xi32>,
      %add3A_1123 = arith.constant 8320256 : i32
      %add3A_1124 = vector.broadcast %add3A_1123 : i32 to vector<16xi32>
      %add3A_1125 = arith.addi %add3A_992, %add3A_1124 : vector<16xi32>
      %add3A_1126 = arith.constant 1024 : i32
      %add3A_1127 = arith.addi %mul3A_522, %add3A_1126 : i32
      %add3A_1128 = arith.constant 256 : i32
      %add3A_1129 = arith.addi %add3A_1127, %add3A_1128 : i32
      %add3A_1130 = arith.constant 32 : i32
      %add3A_1131 = arith.addi %add3A_1129, %add3A_1130 : i32
      %swap3A_1132 = arith.index_cast %add3A_1131 : i32 to index
      %swap3A_1133 = tpu.vector_load %arg6[%swap3A_1132] {strides = array<i32>} : memref<32768xi32, #tpu.memory_space<vmem>>, vector<16xi32>,
      %swap3A_1134 = vector.shape_cast %swap3A_1133 : vector<16xi32> to vector<16xi32>
      %swap3A_1135 = vector.shape_cast %add3A_1125 : vector<16xi32> to vector<16xi32>
      tpu.vector_store %arg6[%swap3A_1132], %swap3A_1135 {strides = array<i32>} : memref<32768xi32, #tpu.memory_space<vmem>>, vector<16xi32>,
      %add3A_1136 = arith.constant 8320384 : i32
      %add3A_1137 = vector.broadcast %add3A_1136 : i32 to vector<16xi32>
      %add3A_1138 = arith.addi %add3A_992, %add3A_1137 : vector<16xi32>
      %add3A_1139 = arith.constant 1024 : i32
      %add3A_1140 = arith.addi %mul3A_522, %add3A_1139 : i32
      %add3A_1141 = arith.constant 384 : i32
      %add3A_1142 = arith.addi %add3A_1140, %add3A_1141 : i32
      %add3A_1143 = arith.constant 32 : i32
      %add3A_1144 = arith.addi %add3A_1142, %add3A_1143 : i32
      %swap3A_1145 = arith.index_cast %add3A_1144 : i32 to index
      %swap3A_1146 = tpu.vector_load %arg6[%swap3A_1145] {strides = array<i32>} : memref<32768xi32, #tpu.memory_space<vmem>>, vector<16xi32>,
      %swap3A_1147 = vector.shape_cast %swap3A_1146 : vector<16xi32> to vector<16xi32>
      %swap3A_1148 = vector.shape_cast %add3A_1138 : vector<16xi32> to vector<16xi32>
      tpu.vector_store %arg6[%swap3A_1145], %swap3A_1148 {strides = array<i32>} : memref<32768xi32, #tpu.memory_space<vmem>>, vector<16xi32>,
      %add3A_1149 = arith.constant 8320512 : i32
      %add3A_1150 = vector.broadcast %add3A_1149 : i32 to vector<16xi32>
      %add3A_1151 = arith.addi %add3A_992, %add3A_1150 : vector<16xi32>
      %add3A_1152 = arith.constant 1024 : i32
      %add3A_1153 = arith.addi %mul3A_522, %add3A_1152 : i32
      %add3A_1154 = arith.constant 512 : i32
      %add3A_1155 = arith.addi %add3A_1153, %add3A_1154 : i32
      %add3A_1156 = arith.constant 32 : i32
      %add3A_1157 = arith.addi %add3A_1155, %add3A_1156 : i32
      %swap3A_1158 = arith.index_cast %add3A_1157 : i32 to index
      %swap3A_1159 = tpu.vector_load %arg6[%swap3A_1158] {strides = array<i32>} : memref<32768xi32, #tpu.memory_space<vmem>>, vector<16xi32>,
      %swap3A_1160 = vector.shape_cast %swap3A_1159 : vector<16xi32> to vector<16xi32>
      %swap3A_1161 = vector.shape_cast %add3A_1151 : vector<16xi32> to vector<16xi32>
      tpu.vector_store %arg6[%swap3A_1158], %swap3A_1161 {strides = array<i32>} : memref<32768xi32, #tpu.memory_space<vmem>>, vector<16xi32>,
      %add3A_1162 = arith.constant 8320640 : i32
      %add3A_1163 = vector.broadcast %add3A_1162 : i32 to vector<16xi32>
      %add3A_1164 = arith.addi %add3A_992, %add3A_1163 : vector<16xi32>
      %add3A_1165 = arith.constant 1024 : i32
      %add3A_1166 = arith.addi %mul3A_522, %add3A_1165 : i32
      %add3A_1167 = arith.constant 640 : i32
      %add3A_1168 = arith.addi %add3A_1166, %add3A_1167 : i32
      %add3A_1169 = arith.constant 32 : i32
      %add3A_1170 = arith.addi %add3A_1168, %add3A_1169 : i32
      %swap3A_1171 = arith.index_cast %add3A_1170 : i32 to index
      %swap3A_1172 = tpu.vector_load %arg6[%swap3A_1171] {strides = array<i32>} : memref<32768xi32, #tpu.memory_space<vmem>>, vector<16xi32>,
      %swap3A_1173 = vector.shape_cast %swap3A_1172 : vector<16xi32> to vector<16xi32>
      %swap3A_1174 = vector.shape_cast %add3A_1164 : vector<16xi32> to vector<16xi32>
      tpu.vector_store %arg6[%swap3A_1171], %swap3A_1174 {strides = array<i32>} : memref<32768xi32, #tpu.memory_space<vmem>>, vector<16xi32>,
      %add3A_1175 = arith.constant 8320768 : i32
      %add3A_1176 = vector.broadcast %add3A_1175 : i32 to vector<16xi32>
      %add3A_1177 = arith.addi %add3A_992, %add3A_1176 : vector<16xi32>
      %add3A_1178 = arith.constant 1024 : i32
      %add3A_1179 = arith.addi %mul3A_522, %add3A_1178 : i32
      %add3A_1180 = arith.constant 768 : i32
      %add3A_1181 = arith.addi %add3A_1179, %add3A_1180 : i32
      %add3A_1182 = arith.constant 32 : i32
      %add3A_1183 = arith.addi %add3A_1181, %add3A_1182 : i32
      %swap3A_1184 = arith.index_cast %add3A_1183 : i32 to index
      %swap3A_1185 = tpu.vector_load %arg6[%swap3A_1184] {strides = array<i32>} : memref<32768xi32, #tpu.memory_space<vmem>>, vector<16xi32>,
      %swap3A_1186 = vector.shape_cast %swap3A_1185 : vector<16xi32> to vector<16xi32>
      %swap3A_1187 = vector.shape_cast %add3A_1177 : vector<16xi32> to vector<16xi32>
      tpu.vector_store %arg6[%swap3A_1184], %swap3A_1187 {strides = array<i32>} : memref<32768xi32, #tpu.memory_space<vmem>>, vector<16xi32>,
      %add3A_1188 = arith.constant 8320896 : i32
      %add3A_1189 = vector.broadcast %add3A_1188 : i32 to vector<16xi32>
      %add3A_1190 = arith.addi %add3A_992, %add3A_1189 : vector<16xi32>
      %add3A_1191 = arith.constant 1024 : i32
      %add3A_1192 = arith.addi %mul3A_522, %add3A_1191 : i32
      %add3A_1193 = arith.constant 896 : i32
      %add3A_1194 = arith.addi %add3A_1192, %add3A_1193 : i32
      %add3A_1195 = arith.constant 32 : i32
      %add3A_1196 = arith.addi %add3A_1194, %add3A_1195 : i32
      %swap3A_1197 = arith.index_cast %add3A_1196 : i32 to index
      %swap3A_1198 = tpu.vector_load %arg6[%swap3A_1197] {strides = array<i32>} : memref<32768xi32, #tpu.memory_space<vmem>>, vector<16xi32>,
      %swap3A_1199 = vector.shape_cast %swap3A_1198 : vector<16xi32> to vector<16xi32>
      %swap3A_1200 = vector.shape_cast %add3A_1190 : vector<16xi32> to vector<16xi32>
      tpu.vector_store %arg6[%swap3A_1197], %swap3A_1200 {strides = array<i32>} : memref<32768xi32, #tpu.memory_space<vmem>>, vector<16xi32>,
      %mul3A_1201 = arith.constant 128 : i32
      %mul3A_1202 = arith.muli %add3A_513, %mul3A_1201 : i32
      %add3A_1203 = arith.constant 48 : i32
      %add3A_1204 = arith.addi %mul3A_1202, %add3A_1203 : i32
      %get3A_1205 = arith.index_cast %add3A_1204 : i32 to index
      %get3A_1206 = tpu.vector_load %arg5[%get3A_1205] {strides = array<i32>} : memref<13312xi32, #tpu.memory_space<vmem>>, vector<16xi32>,
      %get3A_1207 = vector.shape_cast %get3A_1206 : vector<16xi32> to vector<16xi32>
      %add3A_1208 = vector.broadcast %mul3A_518 : i32 to vector<16xi32>
      %add3A_1209 = arith.addi %get3A_1207, %add3A_1208 : vector<16xi32>
      %shift_right_logical3A_1210 = arith.constant 7 : i32
      %shift_right_logical3A_1211 = vector.broadcast %shift_right_logical3A_1210 : i32 to vector<16xi32>
      %shift_right_logical3A_1212 = arith.shrui %add3A_1209, %shift_right_logical3A_1211 : vector<16xi32>
      %shift_left3A_1213 = arith.constant 10 : i32
      %shift_left3A_1214 = vector.broadcast %shift_left3A_1213 : i32 to vector<16xi32>
      %shift_left3A_1215 = arith.shli %shift_right_logical3A_1212, %shift_left3A_1214 : vector<16xi32>
      %and3A_1216 = arith.constant 127 : i32
      %and3A_1217 = vector.broadcast %and3A_1216 : i32 to vector<16xi32>
      %and3A_1218 = arith.andi %add3A_1209, %and3A_1217 : vector<16xi32>
      %add3A_1219 = arith.addi %shift_left3A_1215, %and3A_1218 : vector<16xi32>
      %add3A_1220 = arith.constant 0 : i32
      %add3A_1221 = vector.broadcast %add3A_1220 : i32 to vector<16xi32>
      %add3A_1222 = arith.addi %add3A_1219, %add3A_1221 : vector<16xi32>
      %add3A_1223 = arith.constant 0 : i32
      %add3A_1224 = arith.addi %mul3A_522, %add3A_1223 : i32
      %add3A_1225 = arith.constant 0 : i32
      %add3A_1226 = arith.addi %add3A_1224, %add3A_1225 : i32
      %add3A_1227 = arith.constant 48 : i32
      %add3A_1228 = arith.addi %add3A_1226, %add3A_1227 : i32
      %swap3A_1229 = arith.index_cast %add3A_1228 : i32 to index
      %swap3A_1230 = tpu.vector_load %arg6[%swap3A_1229] {strides = array<i32>} : memref<32768xi32, #tpu.memory_space<vmem>>, vector<16xi32>,
      %swap3A_1231 = vector.shape_cast %swap3A_1230 : vector<16xi32> to vector<16xi32>
      %swap3A_1232 = vector.shape_cast %add3A_1222 : vector<16xi32> to vector<16xi32>
      tpu.vector_store %arg6[%swap3A_1229], %swap3A_1232 {strides = array<i32>} : memref<32768xi32, #tpu.memory_space<vmem>>, vector<16xi32>,
      %add3A_1233 = arith.constant 128 : i32
      %add3A_1234 = vector.broadcast %add3A_1233 : i32 to vector<16xi32>
      %add3A_1235 = arith.addi %add3A_1219, %add3A_1234 : vector<16xi32>
      %add3A_1236 = arith.constant 0 : i32
      %add3A_1237 = arith.addi %mul3A_522, %add3A_1236 : i32
      %add3A_1238 = arith.constant 128 : i32
      %add3A_1239 = arith.addi %add3A_1237, %add3A_1238 : i32
      %add3A_1240 = arith.constant 48 : i32
      %add3A_1241 = arith.addi %add3A_1239, %add3A_1240 : i32
      %swap3A_1242 = arith.index_cast %add3A_1241 : i32 to index
      %swap3A_1243 = tpu.vector_load %arg6[%swap3A_1242] {strides = array<i32>} : memref<32768xi32, #tpu.memory_space<vmem>>, vector<16xi32>,
      %swap3A_1244 = vector.shape_cast %swap3A_1243 : vector<16xi32> to vector<16xi32>
      %swap3A_1245 = vector.shape_cast %add3A_1235 : vector<16xi32> to vector<16xi32>
      tpu.vector_store %arg6[%swap3A_1242], %swap3A_1245 {strides = array<i32>} : memref<32768xi32, #tpu.memory_space<vmem>>, vector<16xi32>,
      %add3A_1246 = arith.constant 256 : i32
      %add3A_1247 = vector.broadcast %add3A_1246 : i32 to vector<16xi32>
      %add3A_1248 = arith.addi %add3A_1219, %add3A_1247 : vector<16xi32>
      %add3A_1249 = arith.constant 0 : i32
      %add3A_1250 = arith.addi %mul3A_522, %add3A_1249 : i32
      %add3A_1251 = arith.constant 256 : i32
      %add3A_1252 = arith.addi %add3A_1250, %add3A_1251 : i32
      %add3A_1253 = arith.constant 48 : i32
      %add3A_1254 = arith.addi %add3A_1252, %add3A_1253 : i32
      %swap3A_1255 = arith.index_cast %add3A_1254 : i32 to index
      %swap3A_1256 = tpu.vector_load %arg6[%swap3A_1255] {strides = array<i32>} : memref<32768xi32, #tpu.memory_space<vmem>>, vector<16xi32>,
      %swap3A_1257 = vector.shape_cast %swap3A_1256 : vector<16xi32> to vector<16xi32>
      %swap3A_1258 = vector.shape_cast %add3A_1248 : vector<16xi32> to vector<16xi32>
      tpu.vector_store %arg6[%swap3A_1255], %swap3A_1258 {strides = array<i32>} : memref<32768xi32, #tpu.memory_space<vmem>>, vector<16xi32>,
      %add3A_1259 = arith.constant 384 : i32
      %add3A_1260 = vector.broadcast %add3A_1259 : i32 to vector<16xi32>
      %add3A_1261 = arith.addi %add3A_1219, %add3A_1260 : vector<16xi32>
      %add3A_1262 = arith.constant 0 : i32
      %add3A_1263 = arith.addi %mul3A_522, %add3A_1262 : i32
      %add3A_1264 = arith.constant 384 : i32
      %add3A_1265 = arith.addi %add3A_1263, %add3A_1264 : i32
      %add3A_1266 = arith.constant 48 : i32
      %add3A_1267 = arith.addi %add3A_1265, %add3A_1266 : i32
      %swap3A_1268 = arith.index_cast %add3A_1267 : i32 to index
      %swap3A_1269 = tpu.vector_load %arg6[%swap3A_1268] {strides = array<i32>} : memref<32768xi32, #tpu.memory_space<vmem>>, vector<16xi32>,
      %swap3A_1270 = vector.shape_cast %swap3A_1269 : vector<16xi32> to vector<16xi32>
      %swap3A_1271 = vector.shape_cast %add3A_1261 : vector<16xi32> to vector<16xi32>
      tpu.vector_store %arg6[%swap3A_1268], %swap3A_1271 {strides = array<i32>} : memref<32768xi32, #tpu.memory_space<vmem>>, vector<16xi32>,
      %add3A_1272 = arith.constant 512 : i32
      %add3A_1273 = vector.broadcast %add3A_1272 : i32 to vector<16xi32>
      %add3A_1274 = arith.addi %add3A_1219, %add3A_1273 : vector<16xi32>
      %add3A_1275 = arith.constant 0 : i32
      %add3A_1276 = arith.addi %mul3A_522, %add3A_1275 : i32
      %add3A_1277 = arith.constant 512 : i32
      %add3A_1278 = arith.addi %add3A_1276, %add3A_1277 : i32
      %add3A_1279 = arith.constant 48 : i32
      %add3A_1280 = arith.addi %add3A_1278, %add3A_1279 : i32
      %swap3A_1281 = arith.index_cast %add3A_1280 : i32 to index
      %swap3A_1282 = tpu.vector_load %arg6[%swap3A_1281] {strides = array<i32>} : memref<32768xi32, #tpu.memory_space<vmem>>, vector<16xi32>,
      %swap3A_1283 = vector.shape_cast %swap3A_1282 : vector<16xi32> to vector<16xi32>
      %swap3A_1284 = vector.shape_cast %add3A_1274 : vector<16xi32> to vector<16xi32>
      tpu.vector_store %arg6[%swap3A_1281], %swap3A_1284 {strides = array<i32>} : memref<32768xi32, #tpu.memory_space<vmem>>, vector<16xi32>,
      %add3A_1285 = arith.constant 640 : i32
      %add3A_1286 = vector.broadcast %add3A_1285 : i32 to vector<16xi32>
      %add3A_1287 = arith.addi %add3A_1219, %add3A_1286 : vector<16xi32>
      %add3A_1288 = arith.constant 0 : i32
      %add3A_1289 = arith.addi %mul3A_522, %add3A_1288 : i32
      %add3A_1290 = arith.constant 640 : i32
      %add3A_1291 = arith.addi %add3A_1289, %add3A_1290 : i32
      %add3A_1292 = arith.constant 48 : i32
      %add3A_1293 = arith.addi %add3A_1291, %add3A_1292 : i32
      %swap3A_1294 = arith.index_cast %add3A_1293 : i32 to index
      %swap3A_1295 = tpu.vector_load %arg6[%swap3A_1294] {strides = array<i32>} : memref<32768xi32, #tpu.memory_space<vmem>>, vector<16xi32>,
      %swap3A_1296 = vector.shape_cast %swap3A_1295 : vector<16xi32> to vector<16xi32>
      %swap3A_1297 = vector.shape_cast %add3A_1287 : vector<16xi32> to vector<16xi32>
      tpu.vector_store %arg6[%swap3A_1294], %swap3A_1297 {strides = array<i32>} : memref<32768xi32, #tpu.memory_space<vmem>>, vector<16xi32>,
      %add3A_1298 = arith.constant 768 : i32
      %add3A_1299 = vector.broadcast %add3A_1298 : i32 to vector<16xi32>
      %add3A_1300 = arith.addi %add3A_1219, %add3A_1299 : vector<16xi32>
      %add3A_1301 = arith.constant 0 : i32
      %add3A_1302 = arith.addi %mul3A_522, %add3A_1301 : i32
      %add3A_1303 = arith.constant 768 : i32
      %add3A_1304 = arith.addi %add3A_1302, %add3A_1303 : i32
      %add3A_1305 = arith.constant 48 : i32
      %add3A_1306 = arith.addi %add3A_1304, %add3A_1305 : i32
      %swap3A_1307 = arith.index_cast %add3A_1306 : i32 to index
      %swap3A_1308 = tpu.vector_load %arg6[%swap3A_1307] {strides = array<i32>} : memref<32768xi32, #tpu.memory_space<vmem>>, vector<16xi32>,
      %swap3A_1309 = vector.shape_cast %swap3A_1308 : vector<16xi32> to vector<16xi32>
      %swap3A_1310 = vector.shape_cast %add3A_1300 : vector<16xi32> to vector<16xi32>
      tpu.vector_store %arg6[%swap3A_1307], %swap3A_1310 {strides = array<i32>} : memref<32768xi32, #tpu.memory_space<vmem>>, vector<16xi32>,
      %add3A_1311 = arith.constant 896 : i32
      %add3A_1312 = vector.broadcast %add3A_1311 : i32 to vector<16xi32>
      %add3A_1313 = arith.addi %add3A_1219, %add3A_1312 : vector<16xi32>
      %add3A_1314 = arith.constant 0 : i32
      %add3A_1315 = arith.addi %mul3A_522, %add3A_1314 : i32
      %add3A_1316 = arith.constant 896 : i32
      %add3A_1317 = arith.addi %add3A_1315, %add3A_1316 : i32
      %add3A_1318 = arith.constant 48 : i32
      %add3A_1319 = arith.addi %add3A_1317, %add3A_1318 : i32
      %swap3A_1320 = arith.index_cast %add3A_1319 : i32 to index
      %swap3A_1321 = tpu.vector_load %arg6[%swap3A_1320] {strides = array<i32>} : memref<32768xi32, #tpu.memory_space<vmem>>, vector<16xi32>,
      %swap3A_1322 = vector.shape_cast %swap3A_1321 : vector<16xi32> to vector<16xi32>
      %swap3A_1323 = vector.shape_cast %add3A_1313 : vector<16xi32> to vector<16xi32>
      tpu.vector_store %arg6[%swap3A_1320], %swap3A_1323 {strides = array<i32>} : memref<32768xi32, #tpu.memory_space<vmem>>, vector<16xi32>,
      %add3A_1324 = arith.constant 8320000 : i32
      %add3A_1325 = vector.broadcast %add3A_1324 : i32 to vector<16xi32>
      %add3A_1326 = arith.addi %add3A_1219, %add3A_1325 : vector<16xi32>
      %add3A_1327 = arith.constant 1024 : i32
      %add3A_1328 = arith.addi %mul3A_522, %add3A_1327 : i32
      %add3A_1329 = arith.constant 0 : i32
      %add3A_1330 = arith.addi %add3A_1328, %add3A_1329 : i32
      %add3A_1331 = arith.constant 48 : i32
      %add3A_1332 = arith.addi %add3A_1330, %add3A_1331 : i32
      %swap3A_1333 = arith.index_cast %add3A_1332 : i32 to index
      %swap3A_1334 = tpu.vector_load %arg6[%swap3A_1333] {strides = array<i32>} : memref<32768xi32, #tpu.memory_space<vmem>>, vector<16xi32>,
      %swap3A_1335 = vector.shape_cast %swap3A_1334 : vector<16xi32> to vector<16xi32>
      %swap3A_1336 = vector.shape_cast %add3A_1326 : vector<16xi32> to vector<16xi32>
      tpu.vector_store %arg6[%swap3A_1333], %swap3A_1336 {strides = array<i32>} : memref<32768xi32, #tpu.memory_space<vmem>>, vector<16xi32>,
      %add3A_1337 = arith.constant 8320128 : i32
      %add3A_1338 = vector.broadcast %add3A_1337 : i32 to vector<16xi32>
      %add3A_1339 = arith.addi %add3A_1219, %add3A_1338 : vector<16xi32>
      %add3A_1340 = arith.constant 1024 : i32
      %add3A_1341 = arith.addi %mul3A_522, %add3A_1340 : i32
      %add3A_1342 = arith.constant 128 : i32
      %add3A_1343 = arith.addi %add3A_1341, %add3A_1342 : i32
      %add3A_1344 = arith.constant 48 : i32
      %add3A_1345 = arith.addi %add3A_1343, %add3A_1344 : i32
      %swap3A_1346 = arith.index_cast %add3A_1345 : i32 to index
      %swap3A_1347 = tpu.vector_load %arg6[%swap3A_1346] {strides = array<i32>} : memref<32768xi32, #tpu.memory_space<vmem>>, vector<16xi32>,
      %swap3A_1348 = vector.shape_cast %swap3A_1347 : vector<16xi32> to vector<16xi32>
      %swap3A_1349 = vector.shape_cast %add3A_1339 : vector<16xi32> to vector<16xi32>
      tpu.vector_store %arg6[%swap3A_1346], %swap3A_1349 {strides = array<i32>} : memref<32768xi32, #tpu.memory_space<vmem>>, vector<16xi32>,
      %add3A_1350 = arith.constant 8320256 : i32
      %add3A_1351 = vector.broadcast %add3A_1350 : i32 to vector<16xi32>
      %add3A_1352 = arith.addi %add3A_1219, %add3A_1351 : vector<16xi32>
      %add3A_1353 = arith.constant 1024 : i32
      %add3A_1354 = arith.addi %mul3A_522, %add3A_1353 : i32
      %add3A_1355 = arith.constant 256 : i32
      %add3A_1356 = arith.addi %add3A_1354, %add3A_1355 : i32
      %add3A_1357 = arith.constant 48 : i32
      %add3A_1358 = arith.addi %add3A_1356, %add3A_1357 : i32
      %swap3A_1359 = arith.index_cast %add3A_1358 : i32 to index
      %swap3A_1360 = tpu.vector_load %arg6[%swap3A_1359] {strides = array<i32>} : memref<32768xi32, #tpu.memory_space<vmem>>, vector<16xi32>,
      %swap3A_1361 = vector.shape_cast %swap3A_1360 : vector<16xi32> to vector<16xi32>
      %swap3A_1362 = vector.shape_cast %add3A_1352 : vector<16xi32> to vector<16xi32>
      tpu.vector_store %arg6[%swap3A_1359], %swap3A_1362 {strides = array<i32>} : memref<32768xi32, #tpu.memory_space<vmem>>, vector<16xi32>,
      %add3A_1363 = arith.constant 8320384 : i32
      %add3A_1364 = vector.broadcast %add3A_1363 : i32 to vector<16xi32>
      %add3A_1365 = arith.addi %add3A_1219, %add3A_1364 : vector<16xi32>
      %add3A_1366 = arith.constant 1024 : i32
      %add3A_1367 = arith.addi %mul3A_522, %add3A_1366 : i32
      %add3A_1368 = arith.constant 384 : i32
      %add3A_1369 = arith.addi %add3A_1367, %add3A_1368 : i32
      %add3A_1370 = arith.constant 48 : i32
      %add3A_1371 = arith.addi %add3A_1369, %add3A_1370 : i32
      %swap3A_1372 = arith.index_cast %add3A_1371 : i32 to index
      %swap3A_1373 = tpu.vector_load %arg6[%swap3A_1372] {strides = array<i32>} : memref<32768xi32, #tpu.memory_space<vmem>>, vector<16xi32>,
      %swap3A_1374 = vector.shape_cast %swap3A_1373 : vector<16xi32> to vector<16xi32>
      %swap3A_1375 = vector.shape_cast %add3A_1365 : vector<16xi32> to vector<16xi32>
      tpu.vector_store %arg6[%swap3A_1372], %swap3A_1375 {strides = array<i32>} : memref<32768xi32, #tpu.memory_space<vmem>>, vector<16xi32>,
      %add3A_1376 = arith.constant 8320512 : i32
      %add3A_1377 = vector.broadcast %add3A_1376 : i32 to vector<16xi32>
      %add3A_1378 = arith.addi %add3A_1219, %add3A_1377 : vector<16xi32>
      %add3A_1379 = arith.constant 1024 : i32
      %add3A_1380 = arith.addi %mul3A_522, %add3A_1379 : i32
      %add3A_1381 = arith.constant 512 : i32
      %add3A_1382 = arith.addi %add3A_1380, %add3A_1381 : i32
      %add3A_1383 = arith.constant 48 : i32
      %add3A_1384 = arith.addi %add3A_1382, %add3A_1383 : i32
      %swap3A_1385 = arith.index_cast %add3A_1384 : i32 to index
      %swap3A_1386 = tpu.vector_load %arg6[%swap3A_1385] {strides = array<i32>} : memref<32768xi32, #tpu.memory_space<vmem>>, vector<16xi32>,
      %swap3A_1387 = vector.shape_cast %swap3A_1386 : vector<16xi32> to vector<16xi32>
      %swap3A_1388 = vector.shape_cast %add3A_1378 : vector<16xi32> to vector<16xi32>
      tpu.vector_store %arg6[%swap3A_1385], %swap3A_1388 {strides = array<i32>} : memref<32768xi32, #tpu.memory_space<vmem>>, vector<16xi32>,
      %add3A_1389 = arith.constant 8320640 : i32
      %add3A_1390 = vector.broadcast %add3A_1389 : i32 to vector<16xi32>
      %add3A_1391 = arith.addi %add3A_1219, %add3A_1390 : vector<16xi32>
      %add3A_1392 = arith.constant 1024 : i32
      %add3A_1393 = arith.addi %mul3A_522, %add3A_1392 : i32
      %add3A_1394 = arith.constant 640 : i32
      %add3A_1395 = arith.addi %add3A_1393, %add3A_1394 : i32
      %add3A_1396 = arith.constant 48 : i32
      %add3A_1397 = arith.addi %add3A_1395, %add3A_1396 : i32
      %swap3A_1398 = arith.index_cast %add3A_1397 : i32 to index
      %swap3A_1399 = tpu.vector_load %arg6[%swap3A_1398] {strides = array<i32>} : memref<32768xi32, #tpu.memory_space<vmem>>, vector<16xi32>,
      %swap3A_1400 = vector.shape_cast %swap3A_1399 : vector<16xi32> to vector<16xi32>
      %swap3A_1401 = vector.shape_cast %add3A_1391 : vector<16xi32> to vector<16xi32>
      tpu.vector_store %arg6[%swap3A_1398], %swap3A_1401 {strides = array<i32>} : memref<32768xi32, #tpu.memory_space<vmem>>, vector<16xi32>,
      %add3A_1402 = arith.constant 8320768 : i32
      %add3A_1403 = vector.broadcast %add3A_1402 : i32 to vector<16xi32>
      %add3A_1404 = arith.addi %add3A_1219, %add3A_1403 : vector<16xi32>
      %add3A_1405 = arith.constant 1024 : i32
      %add3A_1406 = arith.addi %mul3A_522, %add3A_1405 : i32
      %add3A_1407 = arith.constant 768 : i32
      %add3A_1408 = arith.addi %add3A_1406, %add3A_1407 : i32
      %add3A_1409 = arith.constant 48 : i32
      %add3A_1410 = arith.addi %add3A_1408, %add3A_1409 : i32
      %swap3A_1411 = arith.index_cast %add3A_1410 : i32 to index
      %swap3A_1412 = tpu.vector_load %arg6[%swap3A_1411] {strides = array<i32>} : memref<32768xi32, #tpu.memory_space<vmem>>, vector<16xi32>,
      %swap3A_1413 = vector.shape_cast %swap3A_1412 : vector<16xi32> to vector<16xi32>
      %swap3A_1414 = vector.shape_cast %add3A_1404 : vector<16xi32> to vector<16xi32>
      tpu.vector_store %arg6[%swap3A_1411], %swap3A_1414 {strides = array<i32>} : memref<32768xi32, #tpu.memory_space<vmem>>, vector<16xi32>,
      %add3A_1415 = arith.constant 8320896 : i32
      %add3A_1416 = vector.broadcast %add3A_1415 : i32 to vector<16xi32>
      %add3A_1417 = arith.addi %add3A_1219, %add3A_1416 : vector<16xi32>
      %add3A_1418 = arith.constant 1024 : i32
      %add3A_1419 = arith.addi %mul3A_522, %add3A_1418 : i32
      %add3A_1420 = arith.constant 896 : i32
      %add3A_1421 = arith.addi %add3A_1419, %add3A_1420 : i32
      %add3A_1422 = arith.constant 48 : i32
      %add3A_1423 = arith.addi %add3A_1421, %add3A_1422 : i32
      %swap3A_1424 = arith.index_cast %add3A_1423 : i32 to index
      %swap3A_1425 = tpu.vector_load %arg6[%swap3A_1424] {strides = array<i32>} : memref<32768xi32, #tpu.memory_space<vmem>>, vector<16xi32>,
      %swap3A_1426 = vector.shape_cast %swap3A_1425 : vector<16xi32> to vector<16xi32>
      %swap3A_1427 = vector.shape_cast %add3A_1417 : vector<16xi32> to vector<16xi32>
      tpu.vector_store %arg6[%swap3A_1424], %swap3A_1427 {strides = array<i32>} : memref<32768xi32, #tpu.memory_space<vmem>>, vector<16xi32>,
      %mul3A_1428 = arith.constant 128 : i32
      %mul3A_1429 = arith.muli %add3A_513, %mul3A_1428 : i32
      %add3A_1430 = arith.constant 64 : i32
      %add3A_1431 = arith.addi %mul3A_1429, %add3A_1430 : i32
      %get3A_1432 = arith.index_cast %add3A_1431 : i32 to index
      %get3A_1433 = tpu.vector_load %arg5[%get3A_1432] {strides = array<i32>} : memref<13312xi32, #tpu.memory_space<vmem>>, vector<16xi32>,
      %get3A_1434 = vector.shape_cast %get3A_1433 : vector<16xi32> to vector<16xi32>
      %add3A_1435 = vector.broadcast %mul3A_518 : i32 to vector<16xi32>
      %add3A_1436 = arith.addi %get3A_1434, %add3A_1435 : vector<16xi32>
      %shift_right_logical3A_1437 = arith.constant 7 : i32
      %shift_right_logical3A_1438 = vector.broadcast %shift_right_logical3A_1437 : i32 to vector<16xi32>
      %shift_right_logical3A_1439 = arith.shrui %add3A_1436, %shift_right_logical3A_1438 : vector<16xi32>
      %shift_left3A_1440 = arith.constant 10 : i32
      %shift_left3A_1441 = vector.broadcast %shift_left3A_1440 : i32 to vector<16xi32>
      %shift_left3A_1442 = arith.shli %shift_right_logical3A_1439, %shift_left3A_1441 : vector<16xi32>
      %and3A_1443 = arith.constant 127 : i32
      %and3A_1444 = vector.broadcast %and3A_1443 : i32 to vector<16xi32>
      %and3A_1445 = arith.andi %add3A_1436, %and3A_1444 : vector<16xi32>
      %add3A_1446 = arith.addi %shift_left3A_1442, %and3A_1445 : vector<16xi32>
      %add3A_1447 = arith.constant 0 : i32
      %add3A_1448 = vector.broadcast %add3A_1447 : i32 to vector<16xi32>
      %add3A_1449 = arith.addi %add3A_1446, %add3A_1448 : vector<16xi32>
      %add3A_1450 = arith.constant 0 : i32
      %add3A_1451 = arith.addi %mul3A_522, %add3A_1450 : i32
      %add3A_1452 = arith.constant 0 : i32
      %add3A_1453 = arith.addi %add3A_1451, %add3A_1452 : i32
      %add3A_1454 = arith.constant 64 : i32
      %add3A_1455 = arith.addi %add3A_1453, %add3A_1454 : i32
      %swap3A_1456 = arith.index_cast %add3A_1455 : i32 to index
      %swap3A_1457 = tpu.vector_load %arg6[%swap3A_1456] {strides = array<i32>} : memref<32768xi32, #tpu.memory_space<vmem>>, vector<16xi32>,
      %swap3A_1458 = vector.shape_cast %swap3A_1457 : vector<16xi32> to vector<16xi32>
      %swap3A_1459 = vector.shape_cast %add3A_1449 : vector<16xi32> to vector<16xi32>
      tpu.vector_store %arg6[%swap3A_1456], %swap3A_1459 {strides = array<i32>} : memref<32768xi32, #tpu.memory_space<vmem>>, vector<16xi32>,
      %add3A_1460 = arith.constant 128 : i32
      %add3A_1461 = vector.broadcast %add3A_1460 : i32 to vector<16xi32>
      %add3A_1462 = arith.addi %add3A_1446, %add3A_1461 : vector<16xi32>
      %add3A_1463 = arith.constant 0 : i32
      %add3A_1464 = arith.addi %mul3A_522, %add3A_1463 : i32
      %add3A_1465 = arith.constant 128 : i32
      %add3A_1466 = arith.addi %add3A_1464, %add3A_1465 : i32
      %add3A_1467 = arith.constant 64 : i32
      %add3A_1468 = arith.addi %add3A_1466, %add3A_1467 : i32
      %swap3A_1469 = arith.index_cast %add3A_1468 : i32 to index
      %swap3A_1470 = tpu.vector_load %arg6[%swap3A_1469] {strides = array<i32>} : memref<32768xi32, #tpu.memory_space<vmem>>, vector<16xi32>,
      %swap3A_1471 = vector.shape_cast %swap3A_1470 : vector<16xi32> to vector<16xi32>
      %swap3A_1472 = vector.shape_cast %add3A_1462 : vector<16xi32> to vector<16xi32>
      tpu.vector_store %arg6[%swap3A_1469], %swap3A_1472 {strides = array<i32>} : memref<32768xi32, #tpu.memory_space<vmem>>, vector<16xi32>,
      %add3A_1473 = arith.constant 256 : i32
      %add3A_1474 = vector.broadcast %add3A_1473 : i32 to vector<16xi32>
      %add3A_1475 = arith.addi %add3A_1446, %add3A_1474 : vector<16xi32>
      %add3A_1476 = arith.constant 0 : i32
      %add3A_1477 = arith.addi %mul3A_522, %add3A_1476 : i32
      %add3A_1478 = arith.constant 256 : i32
      %add3A_1479 = arith.addi %add3A_1477, %add3A_1478 : i32
      %add3A_1480 = arith.constant 64 : i32
      %add3A_1481 = arith.addi %add3A_1479, %add3A_1480 : i32
      %swap3A_1482 = arith.index_cast %add3A_1481 : i32 to index
      %swap3A_1483 = tpu.vector_load %arg6[%swap3A_1482] {strides = array<i32>} : memref<32768xi32, #tpu.memory_space<vmem>>, vector<16xi32>,
      %swap3A_1484 = vector.shape_cast %swap3A_1483 : vector<16xi32> to vector<16xi32>
      %swap3A_1485 = vector.shape_cast %add3A_1475 : vector<16xi32> to vector<16xi32>
      tpu.vector_store %arg6[%swap3A_1482], %swap3A_1485 {strides = array<i32>} : memref<32768xi32, #tpu.memory_space<vmem>>, vector<16xi32>,
      %add3A_1486 = arith.constant 384 : i32
      %add3A_1487 = vector.broadcast %add3A_1486 : i32 to vector<16xi32>
      %add3A_1488 = arith.addi %add3A_1446, %add3A_1487 : vector<16xi32>
      %add3A_1489 = arith.constant 0 : i32
      %add3A_1490 = arith.addi %mul3A_522, %add3A_1489 : i32
      %add3A_1491 = arith.constant 384 : i32
      %add3A_1492 = arith.addi %add3A_1490, %add3A_1491 : i32
      %add3A_1493 = arith.constant 64 : i32
      %add3A_1494 = arith.addi %add3A_1492, %add3A_1493 : i32
      %swap3A_1495 = arith.index_cast %add3A_1494 : i32 to index
      %swap3A_1496 = tpu.vector_load %arg6[%swap3A_1495] {strides = array<i32>} : memref<32768xi32, #tpu.memory_space<vmem>>, vector<16xi32>,
      %swap3A_1497 = vector.shape_cast %swap3A_1496 : vector<16xi32> to vector<16xi32>
      %swap3A_1498 = vector.shape_cast %add3A_1488 : vector<16xi32> to vector<16xi32>
      tpu.vector_store %arg6[%swap3A_1495], %swap3A_1498 {strides = array<i32>} : memref<32768xi32, #tpu.memory_space<vmem>>, vector<16xi32>,
      %add3A_1499 = arith.constant 512 : i32
      %add3A_1500 = vector.broadcast %add3A_1499 : i32 to vector<16xi32>
      %add3A_1501 = arith.addi %add3A_1446, %add3A_1500 : vector<16xi32>
      %add3A_1502 = arith.constant 0 : i32
      %add3A_1503 = arith.addi %mul3A_522, %add3A_1502 : i32
      %add3A_1504 = arith.constant 512 : i32
      %add3A_1505 = arith.addi %add3A_1503, %add3A_1504 : i32
      %add3A_1506 = arith.constant 64 : i32
      %add3A_1507 = arith.addi %add3A_1505, %add3A_1506 : i32
      %swap3A_1508 = arith.index_cast %add3A_1507 : i32 to index
      %swap3A_1509 = tpu.vector_load %arg6[%swap3A_1508] {strides = array<i32>} : memref<32768xi32, #tpu.memory_space<vmem>>, vector<16xi32>,
      %swap3A_1510 = vector.shape_cast %swap3A_1509 : vector<16xi32> to vector<16xi32>
      %swap3A_1511 = vector.shape_cast %add3A_1501 : vector<16xi32> to vector<16xi32>
      tpu.vector_store %arg6[%swap3A_1508], %swap3A_1511 {strides = array<i32>} : memref<32768xi32, #tpu.memory_space<vmem>>, vector<16xi32>,
      %add3A_1512 = arith.constant 640 : i32
      %add3A_1513 = vector.broadcast %add3A_1512 : i32 to vector<16xi32>
      %add3A_1514 = arith.addi %add3A_1446, %add3A_1513 : vector<16xi32>
      %add3A_1515 = arith.constant 0 : i32
      %add3A_1516 = arith.addi %mul3A_522, %add3A_1515 : i32
      %add3A_1517 = arith.constant 640 : i32
      %add3A_1518 = arith.addi %add3A_1516, %add3A_1517 : i32
      %add3A_1519 = arith.constant 64 : i32
      %add3A_1520 = arith.addi %add3A_1518, %add3A_1519 : i32
      %swap3A_1521 = arith.index_cast %add3A_1520 : i32 to index
      %swap3A_1522 = tpu.vector_load %arg6[%swap3A_1521] {strides = array<i32>} : memref<32768xi32, #tpu.memory_space<vmem>>, vector<16xi32>,
      %swap3A_1523 = vector.shape_cast %swap3A_1522 : vector<16xi32> to vector<16xi32>
      %swap3A_1524 = vector.shape_cast %add3A_1514 : vector<16xi32> to vector<16xi32>
      tpu.vector_store %arg6[%swap3A_1521], %swap3A_1524 {strides = array<i32>} : memref<32768xi32, #tpu.memory_space<vmem>>, vector<16xi32>,
      %add3A_1525 = arith.constant 768 : i32
      %add3A_1526 = vector.broadcast %add3A_1525 : i32 to vector<16xi32>
      %add3A_1527 = arith.addi %add3A_1446, %add3A_1526 : vector<16xi32>
      %add3A_1528 = arith.constant 0 : i32
      %add3A_1529 = arith.addi %mul3A_522, %add3A_1528 : i32
      %add3A_1530 = arith.constant 768 : i32
      %add3A_1531 = arith.addi %add3A_1529, %add3A_1530 : i32
      %add3A_1532 = arith.constant 64 : i32
      %add3A_1533 = arith.addi %add3A_1531, %add3A_1532 : i32
      %swap3A_1534 = arith.index_cast %add3A_1533 : i32 to index
      %swap3A_1535 = tpu.vector_load %arg6[%swap3A_1534] {strides = array<i32>} : memref<32768xi32, #tpu.memory_space<vmem>>, vector<16xi32>,
      %swap3A_1536 = vector.shape_cast %swap3A_1535 : vector<16xi32> to vector<16xi32>
      %swap3A_1537 = vector.shape_cast %add3A_1527 : vector<16xi32> to vector<16xi32>
      tpu.vector_store %arg6[%swap3A_1534], %swap3A_1537 {strides = array<i32>} : memref<32768xi32, #tpu.memory_space<vmem>>, vector<16xi32>,
      %add3A_1538 = arith.constant 896 : i32
      %add3A_1539 = vector.broadcast %add3A_1538 : i32 to vector<16xi32>
      %add3A_1540 = arith.addi %add3A_1446, %add3A_1539 : vector<16xi32>
      %add3A_1541 = arith.constant 0 : i32
      %add3A_1542 = arith.addi %mul3A_522, %add3A_1541 : i32
      %add3A_1543 = arith.constant 896 : i32
      %add3A_1544 = arith.addi %add3A_1542, %add3A_1543 : i32
      %add3A_1545 = arith.constant 64 : i32
      %add3A_1546 = arith.addi %add3A_1544, %add3A_1545 : i32
      %swap3A_1547 = arith.index_cast %add3A_1546 : i32 to index
      %swap3A_1548 = tpu.vector_load %arg6[%swap3A_1547] {strides = array<i32>} : memref<32768xi32, #tpu.memory_space<vmem>>, vector<16xi32>,
      %swap3A_1549 = vector.shape_cast %swap3A_1548 : vector<16xi32> to vector<16xi32>
      %swap3A_1550 = vector.shape_cast %add3A_1540 : vector<16xi32> to vector<16xi32>
      tpu.vector_store %arg6[%swap3A_1547], %swap3A_1550 {strides = array<i32>} : memref<32768xi32, #tpu.memory_space<vmem>>, vector<16xi32>,
      %add3A_1551 = arith.constant 8320000 : i32
      %add3A_1552 = vector.broadcast %add3A_1551 : i32 to vector<16xi32>
      %add3A_1553 = arith.addi %add3A_1446, %add3A_1552 : vector<16xi32>
      %add3A_1554 = arith.constant 1024 : i32
      %add3A_1555 = arith.addi %mul3A_522, %add3A_1554 : i32
      %add3A_1556 = arith.constant 0 : i32
      %add3A_1557 = arith.addi %add3A_1555, %add3A_1556 : i32
      %add3A_1558 = arith.constant 64 : i32
      %add3A_1559 = arith.addi %add3A_1557, %add3A_1558 : i32
      %swap3A_1560 = arith.index_cast %add3A_1559 : i32 to index
      %swap3A_1561 = tpu.vector_load %arg6[%swap3A_1560] {strides = array<i32>} : memref<32768xi32, #tpu.memory_space<vmem>>, vector<16xi32>,
      %swap3A_1562 = vector.shape_cast %swap3A_1561 : vector<16xi32> to vector<16xi32>
      %swap3A_1563 = vector.shape_cast %add3A_1553 : vector<16xi32> to vector<16xi32>
      tpu.vector_store %arg6[%swap3A_1560], %swap3A_1563 {strides = array<i32>} : memref<32768xi32, #tpu.memory_space<vmem>>, vector<16xi32>,
      %add3A_1564 = arith.constant 8320128 : i32
      %add3A_1565 = vector.broadcast %add3A_1564 : i32 to vector<16xi32>
      %add3A_1566 = arith.addi %add3A_1446, %add3A_1565 : vector<16xi32>
      %add3A_1567 = arith.constant 1024 : i32
      %add3A_1568 = arith.addi %mul3A_522, %add3A_1567 : i32
      %add3A_1569 = arith.constant 128 : i32
      %add3A_1570 = arith.addi %add3A_1568, %add3A_1569 : i32
      %add3A_1571 = arith.constant 64 : i32
      %add3A_1572 = arith.addi %add3A_1570, %add3A_1571 : i32
      %swap3A_1573 = arith.index_cast %add3A_1572 : i32 to index
      %swap3A_1574 = tpu.vector_load %arg6[%swap3A_1573] {strides = array<i32>} : memref<32768xi32, #tpu.memory_space<vmem>>, vector<16xi32>,
      %swap3A_1575 = vector.shape_cast %swap3A_1574 : vector<16xi32> to vector<16xi32>
      %swap3A_1576 = vector.shape_cast %add3A_1566 : vector<16xi32> to vector<16xi32>
      tpu.vector_store %arg6[%swap3A_1573], %swap3A_1576 {strides = array<i32>} : memref<32768xi32, #tpu.memory_space<vmem>>, vector<16xi32>,
      %add3A_1577 = arith.constant 8320256 : i32
      %add3A_1578 = vector.broadcast %add3A_1577 : i32 to vector<16xi32>
      %add3A_1579 = arith.addi %add3A_1446, %add3A_1578 : vector<16xi32>
      %add3A_1580 = arith.constant 1024 : i32
      %add3A_1581 = arith.addi %mul3A_522, %add3A_1580 : i32
      %add3A_1582 = arith.constant 256 : i32
      %add3A_1583 = arith.addi %add3A_1581, %add3A_1582 : i32
      %add3A_1584 = arith.constant 64 : i32
      %add3A_1585 = arith.addi %add3A_1583, %add3A_1584 : i32
      %swap3A_1586 = arith.index_cast %add3A_1585 : i32 to index
      %swap3A_1587 = tpu.vector_load %arg6[%swap3A_1586] {strides = array<i32>} : memref<32768xi32, #tpu.memory_space<vmem>>, vector<16xi32>,
      %swap3A_1588 = vector.shape_cast %swap3A_1587 : vector<16xi32> to vector<16xi32>
      %swap3A_1589 = vector.shape_cast %add3A_1579 : vector<16xi32> to vector<16xi32>
      tpu.vector_store %arg6[%swap3A_1586], %swap3A_1589 {strides = array<i32>} : memref<32768xi32, #tpu.memory_space<vmem>>, vector<16xi32>,
      %add3A_1590 = arith.constant 8320384 : i32
      %add3A_1591 = vector.broadcast %add3A_1590 : i32 to vector<16xi32>
      %add3A_1592 = arith.addi %add3A_1446, %add3A_1591 : vector<16xi32>
      %add3A_1593 = arith.constant 1024 : i32
      %add3A_1594 = arith.addi %mul3A_522, %add3A_1593 : i32
      %add3A_1595 = arith.constant 384 : i32
      %add3A_1596 = arith.addi %add3A_1594, %add3A_1595 : i32
      %add3A_1597 = arith.constant 64 : i32
      %add3A_1598 = arith.addi %add3A_1596, %add3A_1597 : i32
      %swap3A_1599 = arith.index_cast %add3A_1598 : i32 to index
      %swap3A_1600 = tpu.vector_load %arg6[%swap3A_1599] {strides = array<i32>} : memref<32768xi32, #tpu.memory_space<vmem>>, vector<16xi32>,
      %swap3A_1601 = vector.shape_cast %swap3A_1600 : vector<16xi32> to vector<16xi32>
      %swap3A_1602 = vector.shape_cast %add3A_1592 : vector<16xi32> to vector<16xi32>
      tpu.vector_store %arg6[%swap3A_1599], %swap3A_1602 {strides = array<i32>} : memref<32768xi32, #tpu.memory_space<vmem>>, vector<16xi32>,
      %add3A_1603 = arith.constant 8320512 : i32
      %add3A_1604 = vector.broadcast %add3A_1603 : i32 to vector<16xi32>
      %add3A_1605 = arith.addi %add3A_1446, %add3A_1604 : vector<16xi32>
      %add3A_1606 = arith.constant 1024 : i32
      %add3A_1607 = arith.addi %mul3A_522, %add3A_1606 : i32
      %add3A_1608 = arith.constant 512 : i32
      %add3A_1609 = arith.addi %add3A_1607, %add3A_1608 : i32
      %add3A_1610 = arith.constant 64 : i32
      %add3A_1611 = arith.addi %add3A_1609, %add3A_1610 : i32
      %swap3A_1612 = arith.index_cast %add3A_1611 : i32 to index
      %swap3A_1613 = tpu.vector_load %arg6[%swap3A_1612] {strides = array<i32>} : memref<32768xi32, #tpu.memory_space<vmem>>, vector<16xi32>,
      %swap3A_1614 = vector.shape_cast %swap3A_1613 : vector<16xi32> to vector<16xi32>
      %swap3A_1615 = vector.shape_cast %add3A_1605 : vector<16xi32> to vector<16xi32>
      tpu.vector_store %arg6[%swap3A_1612], %swap3A_1615 {strides = array<i32>} : memref<32768xi32, #tpu.memory_space<vmem>>, vector<16xi32>,
      %add3A_1616 = arith.constant 8320640 : i32
      %add3A_1617 = vector.broadcast %add3A_1616 : i32 to vector<16xi32>
      %add3A_1618 = arith.addi %add3A_1446, %add3A_1617 : vector<16xi32>
      %add3A_1619 = arith.constant 1024 : i32
      %add3A_1620 = arith.addi %mul3A_522, %add3A_1619 : i32
      %add3A_1621 = arith.constant 640 : i32
      %add3A_1622 = arith.addi %add3A_1620, %add3A_1621 : i32
      %add3A_1623 = arith.constant 64 : i32
      %add3A_1624 = arith.addi %add3A_1622, %add3A_1623 : i32
      %swap3A_1625 = arith.index_cast %add3A_1624 : i32 to index
      %swap3A_1626 = tpu.vector_load %arg6[%swap3A_1625] {strides = array<i32>} : memref<32768xi32, #tpu.memory_space<vmem>>, vector<16xi32>,
      %swap3A_1627 = vector.shape_cast %swap3A_1626 : vector<16xi32> to vector<16xi32>
      %swap3A_1628 = vector.shape_cast %add3A_1618 : vector<16xi32> to vector<16xi32>
      tpu.vector_store %arg6[%swap3A_1625], %swap3A_1628 {strides = array<i32>} : memref<32768xi32, #tpu.memory_space<vmem>>, vector<16xi32>,
      %add3A_1629 = arith.constant 8320768 : i32
      %add3A_1630 = vector.broadcast %add3A_1629 : i32 to vector<16xi32>
      %add3A_1631 = arith.addi %add3A_1446, %add3A_1630 : vector<16xi32>
      %add3A_1632 = arith.constant 1024 : i32
      %add3A_1633 = arith.addi %mul3A_522, %add3A_1632 : i32
      %add3A_1634 = arith.constant 768 : i32
      %add3A_1635 = arith.addi %add3A_1633, %add3A_1634 : i32
      %add3A_1636 = arith.constant 64 : i32
      %add3A_1637 = arith.addi %add3A_1635, %add3A_1636 : i32
      %swap3A_1638 = arith.index_cast %add3A_1637 : i32 to index
      %swap3A_1639 = tpu.vector_load %arg6[%swap3A_1638] {strides = array<i32>} : memref<32768xi32, #tpu.memory_space<vmem>>, vector<16xi32>,
      %swap3A_1640 = vector.shape_cast %swap3A_1639 : vector<16xi32> to vector<16xi32>
      %swap3A_1641 = vector.shape_cast %add3A_1631 : vector<16xi32> to vector<16xi32>
      tpu.vector_store %arg6[%swap3A_1638], %swap3A_1641 {strides = array<i32>} : memref<32768xi32, #tpu.memory_space<vmem>>, vector<16xi32>,
      %add3A_1642 = arith.constant 8320896 : i32
      %add3A_1643 = vector.broadcast %add3A_1642 : i32 to vector<16xi32>
      %add3A_1644 = arith.addi %add3A_1446, %add3A_1643 : vector<16xi32>
      %add3A_1645 = arith.constant 1024 : i32
      %add3A_1646 = arith.addi %mul3A_522, %add3A_1645 : i32
      %add3A_1647 = arith.constant 896 : i32
      %add3A_1648 = arith.addi %add3A_1646, %add3A_1647 : i32
      %add3A_1649 = arith.constant 64 : i32
      %add3A_1650 = arith.addi %add3A_1648, %add3A_1649 : i32
      %swap3A_1651 = arith.index_cast %add3A_1650 : i32 to index
      %swap3A_1652 = tpu.vector_load %arg6[%swap3A_1651] {strides = array<i32>} : memref<32768xi32, #tpu.memory_space<vmem>>, vector<16xi32>,
      %swap3A_1653 = vector.shape_cast %swap3A_1652 : vector<16xi32> to vector<16xi32>
      %swap3A_1654 = vector.shape_cast %add3A_1644 : vector<16xi32> to vector<16xi32>
      tpu.vector_store %arg6[%swap3A_1651], %swap3A_1654 {strides = array<i32>} : memref<32768xi32, #tpu.memory_space<vmem>>, vector<16xi32>,
      %mul3A_1655 = arith.constant 128 : i32
      %mul3A_1656 = arith.muli %add3A_513, %mul3A_1655 : i32
      %add3A_1657 = arith.constant 80 : i32
      %add3A_1658 = arith.addi %mul3A_1656, %add3A_1657 : i32
      %get3A_1659 = arith.index_cast %add3A_1658 : i32 to index
      %get3A_1660 = tpu.vector_load %arg5[%get3A_1659] {strides = array<i32>} : memref<13312xi32, #tpu.memory_space<vmem>>, vector<16xi32>,
      %get3A_1661 = vector.shape_cast %get3A_1660 : vector<16xi32> to vector<16xi32>
      %add3A_1662 = vector.broadcast %mul3A_518 : i32 to vector<16xi32>
      %add3A_1663 = arith.addi %get3A_1661, %add3A_1662 : vector<16xi32>
      %shift_right_logical3A_1664 = arith.constant 7 : i32
      %shift_right_logical3A_1665 = vector.broadcast %shift_right_logical3A_1664 : i32 to vector<16xi32>
      %shift_right_logical3A_1666 = arith.shrui %add3A_1663, %shift_right_logical3A_1665 : vector<16xi32>
      %shift_left3A_1667 = arith.constant 10 : i32
      %shift_left3A_1668 = vector.broadcast %shift_left3A_1667 : i32 to vector<16xi32>
      %shift_left3A_1669 = arith.shli %shift_right_logical3A_1666, %shift_left3A_1668 : vector<16xi32>
      %and3A_1670 = arith.constant 127 : i32
      %and3A_1671 = vector.broadcast %and3A_1670 : i32 to vector<16xi32>
      %and3A_1672 = arith.andi %add3A_1663, %and3A_1671 : vector<16xi32>
      %add3A_1673 = arith.addi %shift_left3A_1669, %and3A_1672 : vector<16xi32>
      %add3A_1674 = arith.constant 0 : i32
      %add3A_1675 = vector.broadcast %add3A_1674 : i32 to vector<16xi32>
      %add3A_1676 = arith.addi %add3A_1673, %add3A_1675 : vector<16xi32>
      %add3A_1677 = arith.constant 0 : i32
      %add3A_1678 = arith.addi %mul3A_522, %add3A_1677 : i32
      %add3A_1679 = arith.constant 0 : i32
      %add3A_1680 = arith.addi %add3A_1678, %add3A_1679 : i32
      %add3A_1681 = arith.constant 80 : i32
      %add3A_1682 = arith.addi %add3A_1680, %add3A_1681 : i32
      %swap3A_1683 = arith.index_cast %add3A_1682 : i32 to index
      %swap3A_1684 = tpu.vector_load %arg6[%swap3A_1683] {strides = array<i32>} : memref<32768xi32, #tpu.memory_space<vmem>>, vector<16xi32>,
      %swap3A_1685 = vector.shape_cast %swap3A_1684 : vector<16xi32> to vector<16xi32>
      %swap3A_1686 = vector.shape_cast %add3A_1676 : vector<16xi32> to vector<16xi32>
      tpu.vector_store %arg6[%swap3A_1683], %swap3A_1686 {strides = array<i32>} : memref<32768xi32, #tpu.memory_space<vmem>>, vector<16xi32>,
      %add3A_1687 = arith.constant 128 : i32
      %add3A_1688 = vector.broadcast %add3A_1687 : i32 to vector<16xi32>
      %add3A_1689 = arith.addi %add3A_1673, %add3A_1688 : vector<16xi32>
      %add3A_1690 = arith.constant 0 : i32
      %add3A_1691 = arith.addi %mul3A_522, %add3A_1690 : i32
      %add3A_1692 = arith.constant 128 : i32
      %add3A_1693 = arith.addi %add3A_1691, %add3A_1692 : i32
      %add3A_1694 = arith.constant 80 : i32
      %add3A_1695 = arith.addi %add3A_1693, %add3A_1694 : i32
      %swap3A_1696 = arith.index_cast %add3A_1695 : i32 to index
      %swap3A_1697 = tpu.vector_load %arg6[%swap3A_1696] {strides = array<i32>} : memref<32768xi32, #tpu.memory_space<vmem>>, vector<16xi32>,
      %swap3A_1698 = vector.shape_cast %swap3A_1697 : vector<16xi32> to vector<16xi32>
      %swap3A_1699 = vector.shape_cast %add3A_1689 : vector<16xi32> to vector<16xi32>
      tpu.vector_store %arg6[%swap3A_1696], %swap3A_1699 {strides = array<i32>} : memref<32768xi32, #tpu.memory_space<vmem>>, vector<16xi32>,
      %add3A_1700 = arith.constant 256 : i32
      %add3A_1701 = vector.broadcast %add3A_1700 : i32 to vector<16xi32>
      %add3A_1702 = arith.addi %add3A_1673, %add3A_1701 : vector<16xi32>
      %add3A_1703 = arith.constant 0 : i32
      %add3A_1704 = arith.addi %mul3A_522, %add3A_1703 : i32
      %add3A_1705 = arith.constant 256 : i32
      %add3A_1706 = arith.addi %add3A_1704, %add3A_1705 : i32
      %add3A_1707 = arith.constant 80 : i32
      %add3A_1708 = arith.addi %add3A_1706, %add3A_1707 : i32
      %swap3A_1709 = arith.index_cast %add3A_1708 : i32 to index
      %swap3A_1710 = tpu.vector_load %arg6[%swap3A_1709] {strides = array<i32>} : memref<32768xi32, #tpu.memory_space<vmem>>, vector<16xi32>,
      %swap3A_1711 = vector.shape_cast %swap3A_1710 : vector<16xi32> to vector<16xi32>
      %swap3A_1712 = vector.shape_cast %add3A_1702 : vector<16xi32> to vector<16xi32>
      tpu.vector_store %arg6[%swap3A_1709], %swap3A_1712 {strides = array<i32>} : memref<32768xi32, #tpu.memory_space<vmem>>, vector<16xi32>,
      %add3A_1713 = arith.constant 384 : i32
      %add3A_1714 = vector.broadcast %add3A_1713 : i32 to vector<16xi32>
      %add3A_1715 = arith.addi %add3A_1673, %add3A_1714 : vector<16xi32>
      %add3A_1716 = arith.constant 0 : i32
      %add3A_1717 = arith.addi %mul3A_522, %add3A_1716 : i32
      %add3A_1718 = arith.constant 384 : i32
      %add3A_1719 = arith.addi %add3A_1717, %add3A_1718 : i32
      %add3A_1720 = arith.constant 80 : i32
      %add3A_1721 = arith.addi %add3A_1719, %add3A_1720 : i32
      %swap3A_1722 = arith.index_cast %add3A_1721 : i32 to index
      %swap3A_1723 = tpu.vector_load %arg6[%swap3A_1722] {strides = array<i32>} : memref<32768xi32, #tpu.memory_space<vmem>>, vector<16xi32>,
      %swap3A_1724 = vector.shape_cast %swap3A_1723 : vector<16xi32> to vector<16xi32>
      %swap3A_1725 = vector.shape_cast %add3A_1715 : vector<16xi32> to vector<16xi32>
      tpu.vector_store %arg6[%swap3A_1722], %swap3A_1725 {strides = array<i32>} : memref<32768xi32, #tpu.memory_space<vmem>>, vector<16xi32>,
      %add3A_1726 = arith.constant 512 : i32
      %add3A_1727 = vector.broadcast %add3A_1726 : i32 to vector<16xi32>
      %add3A_1728 = arith.addi %add3A_1673, %add3A_1727 : vector<16xi32>
      %add3A_1729 = arith.constant 0 : i32
      %add3A_1730 = arith.addi %mul3A_522, %add3A_1729 : i32
      %add3A_1731 = arith.constant 512 : i32
      %add3A_1732 = arith.addi %add3A_1730, %add3A_1731 : i32
      %add3A_1733 = arith.constant 80 : i32
      %add3A_1734 = arith.addi %add3A_1732, %add3A_1733 : i32
      %swap3A_1735 = arith.index_cast %add3A_1734 : i32 to index
      %swap3A_1736 = tpu.vector_load %arg6[%swap3A_1735] {strides = array<i32>} : memref<32768xi32, #tpu.memory_space<vmem>>, vector<16xi32>,
      %swap3A_1737 = vector.shape_cast %swap3A_1736 : vector<16xi32> to vector<16xi32>
      %swap3A_1738 = vector.shape_cast %add3A_1728 : vector<16xi32> to vector<16xi32>
      tpu.vector_store %arg6[%swap3A_1735], %swap3A_1738 {strides = array<i32>} : memref<32768xi32, #tpu.memory_space<vmem>>, vector<16xi32>,
      %add3A_1739 = arith.constant 640 : i32
      %add3A_1740 = vector.broadcast %add3A_1739 : i32 to vector<16xi32>
      %add3A_1741 = arith.addi %add3A_1673, %add3A_1740 : vector<16xi32>
      %add3A_1742 = arith.constant 0 : i32
      %add3A_1743 = arith.addi %mul3A_522, %add3A_1742 : i32
      %add3A_1744 = arith.constant 640 : i32
      %add3A_1745 = arith.addi %add3A_1743, %add3A_1744 : i32
      %add3A_1746 = arith.constant 80 : i32
      %add3A_1747 = arith.addi %add3A_1745, %add3A_1746 : i32
      %swap3A_1748 = arith.index_cast %add3A_1747 : i32 to index
      %swap3A_1749 = tpu.vector_load %arg6[%swap3A_1748] {strides = array<i32>} : memref<32768xi32, #tpu.memory_space<vmem>>, vector<16xi32>,
      %swap3A_1750 = vector.shape_cast %swap3A_1749 : vector<16xi32> to vector<16xi32>
      %swap3A_1751 = vector.shape_cast %add3A_1741 : vector<16xi32> to vector<16xi32>
      tpu.vector_store %arg6[%swap3A_1748], %swap3A_1751 {strides = array<i32>} : memref<32768xi32, #tpu.memory_space<vmem>>, vector<16xi32>,
      %add3A_1752 = arith.constant 768 : i32
      %add3A_1753 = vector.broadcast %add3A_1752 : i32 to vector<16xi32>
      %add3A_1754 = arith.addi %add3A_1673, %add3A_1753 : vector<16xi32>
      %add3A_1755 = arith.constant 0 : i32
      %add3A_1756 = arith.addi %mul3A_522, %add3A_1755 : i32
      %add3A_1757 = arith.constant 768 : i32
      %add3A_1758 = arith.addi %add3A_1756, %add3A_1757 : i32
      %add3A_1759 = arith.constant 80 : i32
      %add3A_1760 = arith.addi %add3A_1758, %add3A_1759 : i32
      %swap3A_1761 = arith.index_cast %add3A_1760 : i32 to index
      %swap3A_1762 = tpu.vector_load %arg6[%swap3A_1761] {strides = array<i32>} : memref<32768xi32, #tpu.memory_space<vmem>>, vector<16xi32>,
      %swap3A_1763 = vector.shape_cast %swap3A_1762 : vector<16xi32> to vector<16xi32>
      %swap3A_1764 = vector.shape_cast %add3A_1754 : vector<16xi32> to vector<16xi32>
      tpu.vector_store %arg6[%swap3A_1761], %swap3A_1764 {strides = array<i32>} : memref<32768xi32, #tpu.memory_space<vmem>>, vector<16xi32>,
      %add3A_1765 = arith.constant 896 : i32
      %add3A_1766 = vector.broadcast %add3A_1765 : i32 to vector<16xi32>
      %add3A_1767 = arith.addi %add3A_1673, %add3A_1766 : vector<16xi32>
      %add3A_1768 = arith.constant 0 : i32
      %add3A_1769 = arith.addi %mul3A_522, %add3A_1768 : i32
      %add3A_1770 = arith.constant 896 : i32
      %add3A_1771 = arith.addi %add3A_1769, %add3A_1770 : i32
      %add3A_1772 = arith.constant 80 : i32
      %add3A_1773 = arith.addi %add3A_1771, %add3A_1772 : i32
      %swap3A_1774 = arith.index_cast %add3A_1773 : i32 to index
      %swap3A_1775 = tpu.vector_load %arg6[%swap3A_1774] {strides = array<i32>} : memref<32768xi32, #tpu.memory_space<vmem>>, vector<16xi32>,
      %swap3A_1776 = vector.shape_cast %swap3A_1775 : vector<16xi32> to vector<16xi32>
      %swap3A_1777 = vector.shape_cast %add3A_1767 : vector<16xi32> to vector<16xi32>
      tpu.vector_store %arg6[%swap3A_1774], %swap3A_1777 {strides = array<i32>} : memref<32768xi32, #tpu.memory_space<vmem>>, vector<16xi32>,
      %add3A_1778 = arith.constant 8320000 : i32
      %add3A_1779 = vector.broadcast %add3A_1778 : i32 to vector<16xi32>
      %add3A_1780 = arith.addi %add3A_1673, %add3A_1779 : vector<16xi32>
      %add3A_1781 = arith.constant 1024 : i32
      %add3A_1782 = arith.addi %mul3A_522, %add3A_1781 : i32
      %add3A_1783 = arith.constant 0 : i32
      %add3A_1784 = arith.addi %add3A_1782, %add3A_1783 : i32
      %add3A_1785 = arith.constant 80 : i32
      %add3A_1786 = arith.addi %add3A_1784, %add3A_1785 : i32
      %swap3A_1787 = arith.index_cast %add3A_1786 : i32 to index
      %swap3A_1788 = tpu.vector_load %arg6[%swap3A_1787] {strides = array<i32>} : memref<32768xi32, #tpu.memory_space<vmem>>, vector<16xi32>,
      %swap3A_1789 = vector.shape_cast %swap3A_1788 : vector<16xi32> to vector<16xi32>
      %swap3A_1790 = vector.shape_cast %add3A_1780 : vector<16xi32> to vector<16xi32>
      tpu.vector_store %arg6[%swap3A_1787], %swap3A_1790 {strides = array<i32>} : memref<32768xi32, #tpu.memory_space<vmem>>, vector<16xi32>,
      %add3A_1791 = arith.constant 8320128 : i32
      %add3A_1792 = vector.broadcast %add3A_1791 : i32 to vector<16xi32>
      %add3A_1793 = arith.addi %add3A_1673, %add3A_1792 : vector<16xi32>
      %add3A_1794 = arith.constant 1024 : i32
      %add3A_1795 = arith.addi %mul3A_522, %add3A_1794 : i32
      %add3A_1796 = arith.constant 128 : i32
      %add3A_1797 = arith.addi %add3A_1795, %add3A_1796 : i32
      %add3A_1798 = arith.constant 80 : i32
      %add3A_1799 = arith.addi %add3A_1797, %add3A_1798 : i32
      %swap3A_1800 = arith.index_cast %add3A_1799 : i32 to index
      %swap3A_1801 = tpu.vector_load %arg6[%swap3A_1800] {strides = array<i32>} : memref<32768xi32, #tpu.memory_space<vmem>>, vector<16xi32>,
      %swap3A_1802 = vector.shape_cast %swap3A_1801 : vector<16xi32> to vector<16xi32>
      %swap3A_1803 = vector.shape_cast %add3A_1793 : vector<16xi32> to vector<16xi32>
      tpu.vector_store %arg6[%swap3A_1800], %swap3A_1803 {strides = array<i32>} : memref<32768xi32, #tpu.memory_space<vmem>>, vector<16xi32>,
      %add3A_1804 = arith.constant 8320256 : i32
      %add3A_1805 = vector.broadcast %add3A_1804 : i32 to vector<16xi32>
      %add3A_1806 = arith.addi %add3A_1673, %add3A_1805 : vector<16xi32>
      %add3A_1807 = arith.constant 1024 : i32
      %add3A_1808 = arith.addi %mul3A_522, %add3A_1807 : i32
      %add3A_1809 = arith.constant 256 : i32
      %add3A_1810 = arith.addi %add3A_1808, %add3A_1809 : i32
      %add3A_1811 = arith.constant 80 : i32
      %add3A_1812 = arith.addi %add3A_1810, %add3A_1811 : i32
      %swap3A_1813 = arith.index_cast %add3A_1812 : i32 to index
      %swap3A_1814 = tpu.vector_load %arg6[%swap3A_1813] {strides = array<i32>} : memref<32768xi32, #tpu.memory_space<vmem>>, vector<16xi32>,
      %swap3A_1815 = vector.shape_cast %swap3A_1814 : vector<16xi32> to vector<16xi32>
      %swap3A_1816 = vector.shape_cast %add3A_1806 : vector<16xi32> to vector<16xi32>
      tpu.vector_store %arg6[%swap3A_1813], %swap3A_1816 {strides = array<i32>} : memref<32768xi32, #tpu.memory_space<vmem>>, vector<16xi32>,
      %add3A_1817 = arith.constant 8320384 : i32
      %add3A_1818 = vector.broadcast %add3A_1817 : i32 to vector<16xi32>
      %add3A_1819 = arith.addi %add3A_1673, %add3A_1818 : vector<16xi32>
      %add3A_1820 = arith.constant 1024 : i32
      %add3A_1821 = arith.addi %mul3A_522, %add3A_1820 : i32
      %add3A_1822 = arith.constant 384 : i32
      %add3A_1823 = arith.addi %add3A_1821, %add3A_1822 : i32
      %add3A_1824 = arith.constant 80 : i32
      %add3A_1825 = arith.addi %add3A_1823, %add3A_1824 : i32
      %swap3A_1826 = arith.index_cast %add3A_1825 : i32 to index
      %swap3A_1827 = tpu.vector_load %arg6[%swap3A_1826] {strides = array<i32>} : memref<32768xi32, #tpu.memory_space<vmem>>, vector<16xi32>,
      %swap3A_1828 = vector.shape_cast %swap3A_1827 : vector<16xi32> to vector<16xi32>
      %swap3A_1829 = vector.shape_cast %add3A_1819 : vector<16xi32> to vector<16xi32>
      tpu.vector_store %arg6[%swap3A_1826], %swap3A_1829 {strides = array<i32>} : memref<32768xi32, #tpu.memory_space<vmem>>, vector<16xi32>,
      %add3A_1830 = arith.constant 8320512 : i32
      %add3A_1831 = vector.broadcast %add3A_1830 : i32 to vector<16xi32>
      %add3A_1832 = arith.addi %add3A_1673, %add3A_1831 : vector<16xi32>
      %add3A_1833 = arith.constant 1024 : i32
      %add3A_1834 = arith.addi %mul3A_522, %add3A_1833 : i32
      %add3A_1835 = arith.constant 512 : i32
      %add3A_1836 = arith.addi %add3A_1834, %add3A_1835 : i32
      %add3A_1837 = arith.constant 80 : i32
      %add3A_1838 = arith.addi %add3A_1836, %add3A_1837 : i32
      %swap3A_1839 = arith.index_cast %add3A_1838 : i32 to index
      %swap3A_1840 = tpu.vector_load %arg6[%swap3A_1839] {strides = array<i32>} : memref<32768xi32, #tpu.memory_space<vmem>>, vector<16xi32>,
      %swap3A_1841 = vector.shape_cast %swap3A_1840 : vector<16xi32> to vector<16xi32>
      %swap3A_1842 = vector.shape_cast %add3A_1832 : vector<16xi32> to vector<16xi32>
      tpu.vector_store %arg6[%swap3A_1839], %swap3A_1842 {strides = array<i32>} : memref<32768xi32, #tpu.memory_space<vmem>>, vector<16xi32>,
      %add3A_1843 = arith.constant 8320640 : i32
      %add3A_1844 = vector.broadcast %add3A_1843 : i32 to vector<16xi32>
      %add3A_1845 = arith.addi %add3A_1673, %add3A_1844 : vector<16xi32>
      %add3A_1846 = arith.constant 1024 : i32
      %add3A_1847 = arith.addi %mul3A_522, %add3A_1846 : i32
      %add3A_1848 = arith.constant 640 : i32
      %add3A_1849 = arith.addi %add3A_1847, %add3A_1848 : i32
      %add3A_1850 = arith.constant 80 : i32
      %add3A_1851 = arith.addi %add3A_1849, %add3A_1850 : i32
      %swap3A_1852 = arith.index_cast %add3A_1851 : i32 to index
      %swap3A_1853 = tpu.vector_load %arg6[%swap3A_1852] {strides = array<i32>} : memref<32768xi32, #tpu.memory_space<vmem>>, vector<16xi32>,
      %swap3A_1854 = vector.shape_cast %swap3A_1853 : vector<16xi32> to vector<16xi32>
      %swap3A_1855 = vector.shape_cast %add3A_1845 : vector<16xi32> to vector<16xi32>
      tpu.vector_store %arg6[%swap3A_1852], %swap3A_1855 {strides = array<i32>} : memref<32768xi32, #tpu.memory_space<vmem>>, vector<16xi32>,
      %add3A_1856 = arith.constant 8320768 : i32
      %add3A_1857 = vector.broadcast %add3A_1856 : i32 to vector<16xi32>
      %add3A_1858 = arith.addi %add3A_1673, %add3A_1857 : vector<16xi32>
      %add3A_1859 = arith.constant 1024 : i32
      %add3A_1860 = arith.addi %mul3A_522, %add3A_1859 : i32
      %add3A_1861 = arith.constant 768 : i32
      %add3A_1862 = arith.addi %add3A_1860, %add3A_1861 : i32
      %add3A_1863 = arith.constant 80 : i32
      %add3A_1864 = arith.addi %add3A_1862, %add3A_1863 : i32
      %swap3A_1865 = arith.index_cast %add3A_1864 : i32 to index
      %swap3A_1866 = tpu.vector_load %arg6[%swap3A_1865] {strides = array<i32>} : memref<32768xi32, #tpu.memory_space<vmem>>, vector<16xi32>,
      %swap3A_1867 = vector.shape_cast %swap3A_1866 : vector<16xi32> to vector<16xi32>
      %swap3A_1868 = vector.shape_cast %add3A_1858 : vector<16xi32> to vector<16xi32>
      tpu.vector_store %arg6[%swap3A_1865], %swap3A_1868 {strides = array<i32>} : memref<32768xi32, #tpu.memory_space<vmem>>, vector<16xi32>,
      %add3A_1869 = arith.constant 8320896 : i32
      %add3A_1870 = vector.broadcast %add3A_1869 : i32 to vector<16xi32>
      %add3A_1871 = arith.addi %add3A_1673, %add3A_1870 : vector<16xi32>
      %add3A_1872 = arith.constant 1024 : i32
      %add3A_1873 = arith.addi %mul3A_522, %add3A_1872 : i32
      %add3A_1874 = arith.constant 896 : i32
      %add3A_1875 = arith.addi %add3A_1873, %add3A_1874 : i32
      %add3A_1876 = arith.constant 80 : i32
      %add3A_1877 = arith.addi %add3A_1875, %add3A_1876 : i32
      %swap3A_1878 = arith.index_cast %add3A_1877 : i32 to index
      %swap3A_1879 = tpu.vector_load %arg6[%swap3A_1878] {strides = array<i32>} : memref<32768xi32, #tpu.memory_space<vmem>>, vector<16xi32>,
      %swap3A_1880 = vector.shape_cast %swap3A_1879 : vector<16xi32> to vector<16xi32>
      %swap3A_1881 = vector.shape_cast %add3A_1871 : vector<16xi32> to vector<16xi32>
      tpu.vector_store %arg6[%swap3A_1878], %swap3A_1881 {strides = array<i32>} : memref<32768xi32, #tpu.memory_space<vmem>>, vector<16xi32>,
      %mul3A_1882 = arith.constant 128 : i32
      %mul3A_1883 = arith.muli %add3A_513, %mul3A_1882 : i32
      %add3A_1884 = arith.constant 96 : i32
      %add3A_1885 = arith.addi %mul3A_1883, %add3A_1884 : i32
      %get3A_1886 = arith.index_cast %add3A_1885 : i32 to index
      %get3A_1887 = tpu.vector_load %arg5[%get3A_1886] {strides = array<i32>} : memref<13312xi32, #tpu.memory_space<vmem>>, vector<16xi32>,
      %get3A_1888 = vector.shape_cast %get3A_1887 : vector<16xi32> to vector<16xi32>
      %add3A_1889 = vector.broadcast %mul3A_518 : i32 to vector<16xi32>
      %add3A_1890 = arith.addi %get3A_1888, %add3A_1889 : vector<16xi32>
      %shift_right_logical3A_1891 = arith.constant 7 : i32
      %shift_right_logical3A_1892 = vector.broadcast %shift_right_logical3A_1891 : i32 to vector<16xi32>
      %shift_right_logical3A_1893 = arith.shrui %add3A_1890, %shift_right_logical3A_1892 : vector<16xi32>
      %shift_left3A_1894 = arith.constant 10 : i32
      %shift_left3A_1895 = vector.broadcast %shift_left3A_1894 : i32 to vector<16xi32>
      %shift_left3A_1896 = arith.shli %shift_right_logical3A_1893, %shift_left3A_1895 : vector<16xi32>
      %and3A_1897 = arith.constant 127 : i32
      %and3A_1898 = vector.broadcast %and3A_1897 : i32 to vector<16xi32>
      %and3A_1899 = arith.andi %add3A_1890, %and3A_1898 : vector<16xi32>
      %add3A_1900 = arith.addi %shift_left3A_1896, %and3A_1899 : vector<16xi32>
      %add3A_1901 = arith.constant 0 : i32
      %add3A_1902 = vector.broadcast %add3A_1901 : i32 to vector<16xi32>
      %add3A_1903 = arith.addi %add3A_1900, %add3A_1902 : vector<16xi32>
      %add3A_1904 = arith.constant 0 : i32
      %add3A_1905 = arith.addi %mul3A_522, %add3A_1904 : i32
      %add3A_1906 = arith.constant 0 : i32
      %add3A_1907 = arith.addi %add3A_1905, %add3A_1906 : i32
      %add3A_1908 = arith.constant 96 : i32
      %add3A_1909 = arith.addi %add3A_1907, %add3A_1908 : i32
      %swap3A_1910 = arith.index_cast %add3A_1909 : i32 to index
      %swap3A_1911 = tpu.vector_load %arg6[%swap3A_1910] {strides = array<i32>} : memref<32768xi32, #tpu.memory_space<vmem>>, vector<16xi32>,
      %swap3A_1912 = vector.shape_cast %swap3A_1911 : vector<16xi32> to vector<16xi32>
      %swap3A_1913 = vector.shape_cast %add3A_1903 : vector<16xi32> to vector<16xi32>
      tpu.vector_store %arg6[%swap3A_1910], %swap3A_1913 {strides = array<i32>} : memref<32768xi32, #tpu.memory_space<vmem>>, vector<16xi32>,
      %add3A_1914 = arith.constant 128 : i32
      %add3A_1915 = vector.broadcast %add3A_1914 : i32 to vector<16xi32>
      %add3A_1916 = arith.addi %add3A_1900, %add3A_1915 : vector<16xi32>
      %add3A_1917 = arith.constant 0 : i32
      %add3A_1918 = arith.addi %mul3A_522, %add3A_1917 : i32
      %add3A_1919 = arith.constant 128 : i32
      %add3A_1920 = arith.addi %add3A_1918, %add3A_1919 : i32
      %add3A_1921 = arith.constant 96 : i32
      %add3A_1922 = arith.addi %add3A_1920, %add3A_1921 : i32
      %swap3A_1923 = arith.index_cast %add3A_1922 : i32 to index
      %swap3A_1924 = tpu.vector_load %arg6[%swap3A_1923] {strides = array<i32>} : memref<32768xi32, #tpu.memory_space<vmem>>, vector<16xi32>,
      %swap3A_1925 = vector.shape_cast %swap3A_1924 : vector<16xi32> to vector<16xi32>
      %swap3A_1926 = vector.shape_cast %add3A_1916 : vector<16xi32> to vector<16xi32>
      tpu.vector_store %arg6[%swap3A_1923], %swap3A_1926 {strides = array<i32>} : memref<32768xi32, #tpu.memory_space<vmem>>, vector<16xi32>,
      %add3A_1927 = arith.constant 256 : i32
      %add3A_1928 = vector.broadcast %add3A_1927 : i32 to vector<16xi32>
      %add3A_1929 = arith.addi %add3A_1900, %add3A_1928 : vector<16xi32>
      %add3A_1930 = arith.constant 0 : i32
      %add3A_1931 = arith.addi %mul3A_522, %add3A_1930 : i32
      %add3A_1932 = arith.constant 256 : i32
      %add3A_1933 = arith.addi %add3A_1931, %add3A_1932 : i32
      %add3A_1934 = arith.constant 96 : i32
      %add3A_1935 = arith.addi %add3A_1933, %add3A_1934 : i32
      %swap3A_1936 = arith.index_cast %add3A_1935 : i32 to index
      %swap3A_1937 = tpu.vector_load %arg6[%swap3A_1936] {strides = array<i32>} : memref<32768xi32, #tpu.memory_space<vmem>>, vector<16xi32>,
      %swap3A_1938 = vector.shape_cast %swap3A_1937 : vector<16xi32> to vector<16xi32>
      %swap3A_1939 = vector.shape_cast %add3A_1929 : vector<16xi32> to vector<16xi32>
      tpu.vector_store %arg6[%swap3A_1936], %swap3A_1939 {strides = array<i32>} : memref<32768xi32, #tpu.memory_space<vmem>>, vector<16xi32>,
      %add3A_1940 = arith.constant 384 : i32
      %add3A_1941 = vector.broadcast %add3A_1940 : i32 to vector<16xi32>
      %add3A_1942 = arith.addi %add3A_1900, %add3A_1941 : vector<16xi32>
      %add3A_1943 = arith.constant 0 : i32
      %add3A_1944 = arith.addi %mul3A_522, %add3A_1943 : i32
      %add3A_1945 = arith.constant 384 : i32
      %add3A_1946 = arith.addi %add3A_1944, %add3A_1945 : i32
      %add3A_1947 = arith.constant 96 : i32
      %add3A_1948 = arith.addi %add3A_1946, %add3A_1947 : i32
      %swap3A_1949 = arith.index_cast %add3A_1948 : i32 to index
      %swap3A_1950 = tpu.vector_load %arg6[%swap3A_1949] {strides = array<i32>} : memref<32768xi32, #tpu.memory_space<vmem>>, vector<16xi32>,
      %swap3A_1951 = vector.shape_cast %swap3A_1950 : vector<16xi32> to vector<16xi32>
      %swap3A_1952 = vector.shape_cast %add3A_1942 : vector<16xi32> to vector<16xi32>
      tpu.vector_store %arg6[%swap3A_1949], %swap3A_1952 {strides = array<i32>} : memref<32768xi32, #tpu.memory_space<vmem>>, vector<16xi32>,
      %add3A_1953 = arith.constant 512 : i32
      %add3A_1954 = vector.broadcast %add3A_1953 : i32 to vector<16xi32>
      %add3A_1955 = arith.addi %add3A_1900, %add3A_1954 : vector<16xi32>
      %add3A_1956 = arith.constant 0 : i32
      %add3A_1957 = arith.addi %mul3A_522, %add3A_1956 : i32
      %add3A_1958 = arith.constant 512 : i32
      %add3A_1959 = arith.addi %add3A_1957, %add3A_1958 : i32
      %add3A_1960 = arith.constant 96 : i32
      %add3A_1961 = arith.addi %add3A_1959, %add3A_1960 : i32
      %swap3A_1962 = arith.index_cast %add3A_1961 : i32 to index
      %swap3A_1963 = tpu.vector_load %arg6[%swap3A_1962] {strides = array<i32>} : memref<32768xi32, #tpu.memory_space<vmem>>, vector<16xi32>,
      %swap3A_1964 = vector.shape_cast %swap3A_1963 : vector<16xi32> to vector<16xi32>
      %swap3A_1965 = vector.shape_cast %add3A_1955 : vector<16xi32> to vector<16xi32>
      tpu.vector_store %arg6[%swap3A_1962], %swap3A_1965 {strides = array<i32>} : memref<32768xi32, #tpu.memory_space<vmem>>, vector<16xi32>,
      %add3A_1966 = arith.constant 640 : i32
      %add3A_1967 = vector.broadcast %add3A_1966 : i32 to vector<16xi32>
      %add3A_1968 = arith.addi %add3A_1900, %add3A_1967 : vector<16xi32>
      %add3A_1969 = arith.constant 0 : i32
      %add3A_1970 = arith.addi %mul3A_522, %add3A_1969 : i32
      %add3A_1971 = arith.constant 640 : i32
      %add3A_1972 = arith.addi %add3A_1970, %add3A_1971 : i32
      %add3A_1973 = arith.constant 96 : i32
      %add3A_1974 = arith.addi %add3A_1972, %add3A_1973 : i32
      %swap3A_1975 = arith.index_cast %add3A_1974 : i32 to index
      %swap3A_1976 = tpu.vector_load %arg6[%swap3A_1975] {strides = array<i32>} : memref<32768xi32, #tpu.memory_space<vmem>>, vector<16xi32>,
      %swap3A_1977 = vector.shape_cast %swap3A_1976 : vector<16xi32> to vector<16xi32>
      %swap3A_1978 = vector.shape_cast %add3A_1968 : vector<16xi32> to vector<16xi32>
      tpu.vector_store %arg6[%swap3A_1975], %swap3A_1978 {strides = array<i32>} : memref<32768xi32, #tpu.memory_space<vmem>>, vector<16xi32>,
      %add3A_1979 = arith.constant 768 : i32
      %add3A_1980 = vector.broadcast %add3A_1979 : i32 to vector<16xi32>
      %add3A_1981 = arith.addi %add3A_1900, %add3A_1980 : vector<16xi32>
      %add3A_1982 = arith.constant 0 : i32
      %add3A_1983 = arith.addi %mul3A_522, %add3A_1982 : i32
      %add3A_1984 = arith.constant 768 : i32
      %add3A_1985 = arith.addi %add3A_1983, %add3A_1984 : i32
      %add3A_1986 = arith.constant 96 : i32
      %add3A_1987 = arith.addi %add3A_1985, %add3A_1986 : i32
      %swap3A_1988 = arith.index_cast %add3A_1987 : i32 to index
      %swap3A_1989 = tpu.vector_load %arg6[%swap3A_1988] {strides = array<i32>} : memref<32768xi32, #tpu.memory_space<vmem>>, vector<16xi32>,
      %swap3A_1990 = vector.shape_cast %swap3A_1989 : vector<16xi32> to vector<16xi32>
      %swap3A_1991 = vector.shape_cast %add3A_1981 : vector<16xi32> to vector<16xi32>
      tpu.vector_store %arg6[%swap3A_1988], %swap3A_1991 {strides = array<i32>} : memref<32768xi32, #tpu.memory_space<vmem>>, vector<16xi32>,
      %add3A_1992 = arith.constant 896 : i32
      %add3A_1993 = vector.broadcast %add3A_1992 : i32 to vector<16xi32>
      %add3A_1994 = arith.addi %add3A_1900, %add3A_1993 : vector<16xi32>
      %add3A_1995 = arith.constant 0 : i32
      %add3A_1996 = arith.addi %mul3A_522, %add3A_1995 : i32
      %add3A_1997 = arith.constant 896 : i32
      %add3A_1998 = arith.addi %add3A_1996, %add3A_1997 : i32
      %add3A_1999 = arith.constant 96 : i32
      %add3A_2000 = arith.addi %add3A_1998, %add3A_1999 : i32
      %swap3A_2001 = arith.index_cast %add3A_2000 : i32 to index
      %swap3A_2002 = tpu.vector_load %arg6[%swap3A_2001] {strides = array<i32>} : memref<32768xi32, #tpu.memory_space<vmem>>, vector<16xi32>,
      %swap3A_2003 = vector.shape_cast %swap3A_2002 : vector<16xi32> to vector<16xi32>
      %swap3A_2004 = vector.shape_cast %add3A_1994 : vector<16xi32> to vector<16xi32>
      tpu.vector_store %arg6[%swap3A_2001], %swap3A_2004 {strides = array<i32>} : memref<32768xi32, #tpu.memory_space<vmem>>, vector<16xi32>,
      %add3A_2005 = arith.constant 8320000 : i32
      %add3A_2006 = vector.broadcast %add3A_2005 : i32 to vector<16xi32>
      %add3A_2007 = arith.addi %add3A_1900, %add3A_2006 : vector<16xi32>
      %add3A_2008 = arith.constant 1024 : i32
      %add3A_2009 = arith.addi %mul3A_522, %add3A_2008 : i32
      %add3A_2010 = arith.constant 0 : i32
      %add3A_2011 = arith.addi %add3A_2009, %add3A_2010 : i32
      %add3A_2012 = arith.constant 96 : i32
      %add3A_2013 = arith.addi %add3A_2011, %add3A_2012 : i32
      %swap3A_2014 = arith.index_cast %add3A_2013 : i32 to index
      %swap3A_2015 = tpu.vector_load %arg6[%swap3A_2014] {strides = array<i32>} : memref<32768xi32, #tpu.memory_space<vmem>>, vector<16xi32>,
      %swap3A_2016 = vector.shape_cast %swap3A_2015 : vector<16xi32> to vector<16xi32>
      %swap3A_2017 = vector.shape_cast %add3A_2007 : vector<16xi32> to vector<16xi32>
      tpu.vector_store %arg6[%swap3A_2014], %swap3A_2017 {strides = array<i32>} : memref<32768xi32, #tpu.memory_space<vmem>>, vector<16xi32>,
      %add3A_2018 = arith.constant 8320128 : i32
      %add3A_2019 = vector.broadcast %add3A_2018 : i32 to vector<16xi32>
      %add3A_2020 = arith.addi %add3A_1900, %add3A_2019 : vector<16xi32>
      %add3A_2021 = arith.constant 1024 : i32
      %add3A_2022 = arith.addi %mul3A_522, %add3A_2021 : i32
      %add3A_2023 = arith.constant 128 : i32
      %add3A_2024 = arith.addi %add3A_2022, %add3A_2023 : i32
      %add3A_2025 = arith.constant 96 : i32
      %add3A_2026 = arith.addi %add3A_2024, %add3A_2025 : i32
      %swap3A_2027 = arith.index_cast %add3A_2026 : i32 to index
      %swap3A_2028 = tpu.vector_load %arg6[%swap3A_2027] {strides = array<i32>} : memref<32768xi32, #tpu.memory_space<vmem>>, vector<16xi32>,
      %swap3A_2029 = vector.shape_cast %swap3A_2028 : vector<16xi32> to vector<16xi32>
      %swap3A_2030 = vector.shape_cast %add3A_2020 : vector<16xi32> to vector<16xi32>
      tpu.vector_store %arg6[%swap3A_2027], %swap3A_2030 {strides = array<i32>} : memref<32768xi32, #tpu.memory_space<vmem>>, vector<16xi32>,
      %add3A_2031 = arith.constant 8320256 : i32
      %add3A_2032 = vector.broadcast %add3A_2031 : i32 to vector<16xi32>
      %add3A_2033 = arith.addi %add3A_1900, %add3A_2032 : vector<16xi32>
      %add3A_2034 = arith.constant 1024 : i32
      %add3A_2035 = arith.addi %mul3A_522, %add3A_2034 : i32
      %add3A_2036 = arith.constant 256 : i32
      %add3A_2037 = arith.addi %add3A_2035, %add3A_2036 : i32
      %add3A_2038 = arith.constant 96 : i32
      %add3A_2039 = arith.addi %add3A_2037, %add3A_2038 : i32
      %swap3A_2040 = arith.index_cast %add3A_2039 : i32 to index
      %swap3A_2041 = tpu.vector_load %arg6[%swap3A_2040] {strides = array<i32>} : memref<32768xi32, #tpu.memory_space<vmem>>, vector<16xi32>,
      %swap3A_2042 = vector.shape_cast %swap3A_2041 : vector<16xi32> to vector<16xi32>
      %swap3A_2043 = vector.shape_cast %add3A_2033 : vector<16xi32> to vector<16xi32>
      tpu.vector_store %arg6[%swap3A_2040], %swap3A_2043 {strides = array<i32>} : memref<32768xi32, #tpu.memory_space<vmem>>, vector<16xi32>,
      %add3A_2044 = arith.constant 8320384 : i32
      %add3A_2045 = vector.broadcast %add3A_2044 : i32 to vector<16xi32>
      %add3A_2046 = arith.addi %add3A_1900, %add3A_2045 : vector<16xi32>
      %add3A_2047 = arith.constant 1024 : i32
      %add3A_2048 = arith.addi %mul3A_522, %add3A_2047 : i32
      %add3A_2049 = arith.constant 384 : i32
      %add3A_2050 = arith.addi %add3A_2048, %add3A_2049 : i32
      %add3A_2051 = arith.constant 96 : i32
      %add3A_2052 = arith.addi %add3A_2050, %add3A_2051 : i32
      %swap3A_2053 = arith.index_cast %add3A_2052 : i32 to index
      %swap3A_2054 = tpu.vector_load %arg6[%swap3A_2053] {strides = array<i32>} : memref<32768xi32, #tpu.memory_space<vmem>>, vector<16xi32>,
      %swap3A_2055 = vector.shape_cast %swap3A_2054 : vector<16xi32> to vector<16xi32>
      %swap3A_2056 = vector.shape_cast %add3A_2046 : vector<16xi32> to vector<16xi32>
      tpu.vector_store %arg6[%swap3A_2053], %swap3A_2056 {strides = array<i32>} : memref<32768xi32, #tpu.memory_space<vmem>>, vector<16xi32>,
      %add3A_2057 = arith.constant 8320512 : i32
      %add3A_2058 = vector.broadcast %add3A_2057 : i32 to vector<16xi32>
      %add3A_2059 = arith.addi %add3A_1900, %add3A_2058 : vector<16xi32>
      %add3A_2060 = arith.constant 1024 : i32
      %add3A_2061 = arith.addi %mul3A_522, %add3A_2060 : i32
      %add3A_2062 = arith.constant 512 : i32
      %add3A_2063 = arith.addi %add3A_2061, %add3A_2062 : i32
      %add3A_2064 = arith.constant 96 : i32
      %add3A_2065 = arith.addi %add3A_2063, %add3A_2064 : i32
      %swap3A_2066 = arith.index_cast %add3A_2065 : i32 to index
      %swap3A_2067 = tpu.vector_load %arg6[%swap3A_2066] {strides = array<i32>} : memref<32768xi32, #tpu.memory_space<vmem>>, vector<16xi32>,
      %swap3A_2068 = vector.shape_cast %swap3A_2067 : vector<16xi32> to vector<16xi32>
      %swap3A_2069 = vector.shape_cast %add3A_2059 : vector<16xi32> to vector<16xi32>
      tpu.vector_store %arg6[%swap3A_2066], %swap3A_2069 {strides = array<i32>} : memref<32768xi32, #tpu.memory_space<vmem>>, vector<16xi32>,
      %add3A_2070 = arith.constant 8320640 : i32
      %add3A_2071 = vector.broadcast %add3A_2070 : i32 to vector<16xi32>
      %add3A_2072 = arith.addi %add3A_1900, %add3A_2071 : vector<16xi32>
      %add3A_2073 = arith.constant 1024 : i32
      %add3A_2074 = arith.addi %mul3A_522, %add3A_2073 : i32
      %add3A_2075 = arith.constant 640 : i32
      %add3A_2076 = arith.addi %add3A_2074, %add3A_2075 : i32
      %add3A_2077 = arith.constant 96 : i32
      %add3A_2078 = arith.addi %add3A_2076, %add3A_2077 : i32
      %swap3A_2079 = arith.index_cast %add3A_2078 : i32 to index
      %swap3A_2080 = tpu.vector_load %arg6[%swap3A_2079] {strides = array<i32>} : memref<32768xi32, #tpu.memory_space<vmem>>, vector<16xi32>,
      %swap3A_2081 = vector.shape_cast %swap3A_2080 : vector<16xi32> to vector<16xi32>
      %swap3A_2082 = vector.shape_cast %add3A_2072 : vector<16xi32> to vector<16xi32>
      tpu.vector_store %arg6[%swap3A_2079], %swap3A_2082 {strides = array<i32>} : memref<32768xi32, #tpu.memory_space<vmem>>, vector<16xi32>,
      %add3A_2083 = arith.constant 8320768 : i32
      %add3A_2084 = vector.broadcast %add3A_2083 : i32 to vector<16xi32>
      %add3A_2085 = arith.addi %add3A_1900, %add3A_2084 : vector<16xi32>
      %add3A_2086 = arith.constant 1024 : i32
      %add3A_2087 = arith.addi %mul3A_522, %add3A_2086 : i32
      %add3A_2088 = arith.constant 768 : i32
      %add3A_2089 = arith.addi %add3A_2087, %add3A_2088 : i32
      %add3A_2090 = arith.constant 96 : i32
      %add3A_2091 = arith.addi %add3A_2089, %add3A_2090 : i32
      %swap3A_2092 = arith.index_cast %add3A_2091 : i32 to index
      %swap3A_2093 = tpu.vector_load %arg6[%swap3A_2092] {strides = array<i32>} : memref<32768xi32, #tpu.memory_space<vmem>>, vector<16xi32>,
      %swap3A_2094 = vector.shape_cast %swap3A_2093 : vector<16xi32> to vector<16xi32>
      %swap3A_2095 = vector.shape_cast %add3A_2085 : vector<16xi32> to vector<16xi32>
      tpu.vector_store %arg6[%swap3A_2092], %swap3A_2095 {strides = array<i32>} : memref<32768xi32, #tpu.memory_space<vmem>>, vector<16xi32>,
      %add3A_2096 = arith.constant 8320896 : i32
      %add3A_2097 = vector.broadcast %add3A_2096 : i32 to vector<16xi32>
      %add3A_2098 = arith.addi %add3A_1900, %add3A_2097 : vector<16xi32>
      %add3A_2099 = arith.constant 1024 : i32
      %add3A_2100 = arith.addi %mul3A_522, %add3A_2099 : i32
      %add3A_2101 = arith.constant 896 : i32
      %add3A_2102 = arith.addi %add3A_2100, %add3A_2101 : i32
      %add3A_2103 = arith.constant 96 : i32
      %add3A_2104 = arith.addi %add3A_2102, %add3A_2103 : i32
      %swap3A_2105 = arith.index_cast %add3A_2104 : i32 to index
      %swap3A_2106 = tpu.vector_load %arg6[%swap3A_2105] {strides = array<i32>} : memref<32768xi32, #tpu.memory_space<vmem>>, vector<16xi32>,
      %swap3A_2107 = vector.shape_cast %swap3A_2106 : vector<16xi32> to vector<16xi32>
      %swap3A_2108 = vector.shape_cast %add3A_2098 : vector<16xi32> to vector<16xi32>
      tpu.vector_store %arg6[%swap3A_2105], %swap3A_2108 {strides = array<i32>} : memref<32768xi32, #tpu.memory_space<vmem>>, vector<16xi32>,
      %mul3A_2109 = arith.constant 128 : i32
      %mul3A_2110 = arith.muli %add3A_513, %mul3A_2109 : i32
      %add3A_2111 = arith.constant 112 : i32
      %add3A_2112 = arith.addi %mul3A_2110, %add3A_2111 : i32
      %get3A_2113 = arith.index_cast %add3A_2112 : i32 to index
      %get3A_2114 = tpu.vector_load %arg5[%get3A_2113] {strides = array<i32>} : memref<13312xi32, #tpu.memory_space<vmem>>, vector<16xi32>,
      %get3A_2115 = vector.shape_cast %get3A_2114 : vector<16xi32> to vector<16xi32>
      %add3A_2116 = vector.broadcast %mul3A_518 : i32 to vector<16xi32>
      %add3A_2117 = arith.addi %get3A_2115, %add3A_2116 : vector<16xi32>
      %shift_right_logical3A_2118 = arith.constant 7 : i32
      %shift_right_logical3A_2119 = vector.broadcast %shift_right_logical3A_2118 : i32 to vector<16xi32>
      %shift_right_logical3A_2120 = arith.shrui %add3A_2117, %shift_right_logical3A_2119 : vector<16xi32>
      %shift_left3A_2121 = arith.constant 10 : i32
      %shift_left3A_2122 = vector.broadcast %shift_left3A_2121 : i32 to vector<16xi32>
      %shift_left3A_2123 = arith.shli %shift_right_logical3A_2120, %shift_left3A_2122 : vector<16xi32>
      %and3A_2124 = arith.constant 127 : i32
      %and3A_2125 = vector.broadcast %and3A_2124 : i32 to vector<16xi32>
      %and3A_2126 = arith.andi %add3A_2117, %and3A_2125 : vector<16xi32>
      %add3A_2127 = arith.addi %shift_left3A_2123, %and3A_2126 : vector<16xi32>
      %add3A_2128 = arith.constant 0 : i32
      %add3A_2129 = vector.broadcast %add3A_2128 : i32 to vector<16xi32>
      %add3A_2130 = arith.addi %add3A_2127, %add3A_2129 : vector<16xi32>
      %add3A_2131 = arith.constant 0 : i32
      %add3A_2132 = arith.addi %mul3A_522, %add3A_2131 : i32
      %add3A_2133 = arith.constant 0 : i32
      %add3A_2134 = arith.addi %add3A_2132, %add3A_2133 : i32
      %add3A_2135 = arith.constant 112 : i32
      %add3A_2136 = arith.addi %add3A_2134, %add3A_2135 : i32
      %swap3A_2137 = arith.index_cast %add3A_2136 : i32 to index
      %swap3A_2138 = tpu.vector_load %arg6[%swap3A_2137] {strides = array<i32>} : memref<32768xi32, #tpu.memory_space<vmem>>, vector<16xi32>,
      %swap3A_2139 = vector.shape_cast %swap3A_2138 : vector<16xi32> to vector<16xi32>
      %swap3A_2140 = vector.shape_cast %add3A_2130 : vector<16xi32> to vector<16xi32>
      tpu.vector_store %arg6[%swap3A_2137], %swap3A_2140 {strides = array<i32>} : memref<32768xi32, #tpu.memory_space<vmem>>, vector<16xi32>,
      %add3A_2141 = arith.constant 128 : i32
      %add3A_2142 = vector.broadcast %add3A_2141 : i32 to vector<16xi32>
      %add3A_2143 = arith.addi %add3A_2127, %add3A_2142 : vector<16xi32>
      %add3A_2144 = arith.constant 0 : i32
      %add3A_2145 = arith.addi %mul3A_522, %add3A_2144 : i32
      %add3A_2146 = arith.constant 128 : i32
      %add3A_2147 = arith.addi %add3A_2145, %add3A_2146 : i32
      %add3A_2148 = arith.constant 112 : i32
      %add3A_2149 = arith.addi %add3A_2147, %add3A_2148 : i32
      %swap3A_2150 = arith.index_cast %add3A_2149 : i32 to index
      %swap3A_2151 = tpu.vector_load %arg6[%swap3A_2150] {strides = array<i32>} : memref<32768xi32, #tpu.memory_space<vmem>>, vector<16xi32>,
      %swap3A_2152 = vector.shape_cast %swap3A_2151 : vector<16xi32> to vector<16xi32>
      %swap3A_2153 = vector.shape_cast %add3A_2143 : vector<16xi32> to vector<16xi32>
      tpu.vector_store %arg6[%swap3A_2150], %swap3A_2153 {strides = array<i32>} : memref<32768xi32, #tpu.memory_space<vmem>>, vector<16xi32>,
      %add3A_2154 = arith.constant 256 : i32
      %add3A_2155 = vector.broadcast %add3A_2154 : i32 to vector<16xi32>
      %add3A_2156 = arith.addi %add3A_2127, %add3A_2155 : vector<16xi32>
      %add3A_2157 = arith.constant 0 : i32
      %add3A_2158 = arith.addi %mul3A_522, %add3A_2157 : i32
      %add3A_2159 = arith.constant 256 : i32
      %add3A_2160 = arith.addi %add3A_2158, %add3A_2159 : i32
      %add3A_2161 = arith.constant 112 : i32
      %add3A_2162 = arith.addi %add3A_2160, %add3A_2161 : i32
      %swap3A_2163 = arith.index_cast %add3A_2162 : i32 to index
      %swap3A_2164 = tpu.vector_load %arg6[%swap3A_2163] {strides = array<i32>} : memref<32768xi32, #tpu.memory_space<vmem>>, vector<16xi32>,
      %swap3A_2165 = vector.shape_cast %swap3A_2164 : vector<16xi32> to vector<16xi32>
      %swap3A_2166 = vector.shape_cast %add3A_2156 : vector<16xi32> to vector<16xi32>
      tpu.vector_store %arg6[%swap3A_2163], %swap3A_2166 {strides = array<i32>} : memref<32768xi32, #tpu.memory_space<vmem>>, vector<16xi32>,
      %add3A_2167 = arith.constant 384 : i32
      %add3A_2168 = vector.broadcast %add3A_2167 : i32 to vector<16xi32>
      %add3A_2169 = arith.addi %add3A_2127, %add3A_2168 : vector<16xi32>
      %add3A_2170 = arith.constant 0 : i32
      %add3A_2171 = arith.addi %mul3A_522, %add3A_2170 : i32
      %add3A_2172 = arith.constant 384 : i32
      %add3A_2173 = arith.addi %add3A_2171, %add3A_2172 : i32
      %add3A_2174 = arith.constant 112 : i32
      %add3A_2175 = arith.addi %add3A_2173, %add3A_2174 : i32
      %swap3A_2176 = arith.index_cast %add3A_2175 : i32 to index
      %swap3A_2177 = tpu.vector_load %arg6[%swap3A_2176] {strides = array<i32>} : memref<32768xi32, #tpu.memory_space<vmem>>, vector<16xi32>,
      %swap3A_2178 = vector.shape_cast %swap3A_2177 : vector<16xi32> to vector<16xi32>
      %swap3A_2179 = vector.shape_cast %add3A_2169 : vector<16xi32> to vector<16xi32>
      tpu.vector_store %arg6[%swap3A_2176], %swap3A_2179 {strides = array<i32>} : memref<32768xi32, #tpu.memory_space<vmem>>, vector<16xi32>,
      %add3A_2180 = arith.constant 512 : i32
      %add3A_2181 = vector.broadcast %add3A_2180 : i32 to vector<16xi32>
      %add3A_2182 = arith.addi %add3A_2127, %add3A_2181 : vector<16xi32>
      %add3A_2183 = arith.constant 0 : i32
      %add3A_2184 = arith.addi %mul3A_522, %add3A_2183 : i32
      %add3A_2185 = arith.constant 512 : i32
      %add3A_2186 = arith.addi %add3A_2184, %add3A_2185 : i32
      %add3A_2187 = arith.constant 112 : i32
      %add3A_2188 = arith.addi %add3A_2186, %add3A_2187 : i32
      %swap3A_2189 = arith.index_cast %add3A_2188 : i32 to index
      %swap3A_2190 = tpu.vector_load %arg6[%swap3A_2189] {strides = array<i32>} : memref<32768xi32, #tpu.memory_space<vmem>>, vector<16xi32>,
      %swap3A_2191 = vector.shape_cast %swap3A_2190 : vector<16xi32> to vector<16xi32>
      %swap3A_2192 = vector.shape_cast %add3A_2182 : vector<16xi32> to vector<16xi32>
      tpu.vector_store %arg6[%swap3A_2189], %swap3A_2192 {strides = array<i32>} : memref<32768xi32, #tpu.memory_space<vmem>>, vector<16xi32>,
      %add3A_2193 = arith.constant 640 : i32
      %add3A_2194 = vector.broadcast %add3A_2193 : i32 to vector<16xi32>
      %add3A_2195 = arith.addi %add3A_2127, %add3A_2194 : vector<16xi32>
      %add3A_2196 = arith.constant 0 : i32
      %add3A_2197 = arith.addi %mul3A_522, %add3A_2196 : i32
      %add3A_2198 = arith.constant 640 : i32
      %add3A_2199 = arith.addi %add3A_2197, %add3A_2198 : i32
      %add3A_2200 = arith.constant 112 : i32
      %add3A_2201 = arith.addi %add3A_2199, %add3A_2200 : i32
      %swap3A_2202 = arith.index_cast %add3A_2201 : i32 to index
      %swap3A_2203 = tpu.vector_load %arg6[%swap3A_2202] {strides = array<i32>} : memref<32768xi32, #tpu.memory_space<vmem>>, vector<16xi32>,
      %swap3A_2204 = vector.shape_cast %swap3A_2203 : vector<16xi32> to vector<16xi32>
      %swap3A_2205 = vector.shape_cast %add3A_2195 : vector<16xi32> to vector<16xi32>
      tpu.vector_store %arg6[%swap3A_2202], %swap3A_2205 {strides = array<i32>} : memref<32768xi32, #tpu.memory_space<vmem>>, vector<16xi32>,
      %add3A_2206 = arith.constant 768 : i32
      %add3A_2207 = vector.broadcast %add3A_2206 : i32 to vector<16xi32>
      %add3A_2208 = arith.addi %add3A_2127, %add3A_2207 : vector<16xi32>
      %add3A_2209 = arith.constant 0 : i32
      %add3A_2210 = arith.addi %mul3A_522, %add3A_2209 : i32
      %add3A_2211 = arith.constant 768 : i32
      %add3A_2212 = arith.addi %add3A_2210, %add3A_2211 : i32
      %add3A_2213 = arith.constant 112 : i32
      %add3A_2214 = arith.addi %add3A_2212, %add3A_2213 : i32
      %swap3A_2215 = arith.index_cast %add3A_2214 : i32 to index
      %swap3A_2216 = tpu.vector_load %arg6[%swap3A_2215] {strides = array<i32>} : memref<32768xi32, #tpu.memory_space<vmem>>, vector<16xi32>,
      %swap3A_2217 = vector.shape_cast %swap3A_2216 : vector<16xi32> to vector<16xi32>
      %swap3A_2218 = vector.shape_cast %add3A_2208 : vector<16xi32> to vector<16xi32>
      tpu.vector_store %arg6[%swap3A_2215], %swap3A_2218 {strides = array<i32>} : memref<32768xi32, #tpu.memory_space<vmem>>, vector<16xi32>,
      %add3A_2219 = arith.constant 896 : i32
      %add3A_2220 = vector.broadcast %add3A_2219 : i32 to vector<16xi32>
      %add3A_2221 = arith.addi %add3A_2127, %add3A_2220 : vector<16xi32>
      %add3A_2222 = arith.constant 0 : i32
      %add3A_2223 = arith.addi %mul3A_522, %add3A_2222 : i32
      %add3A_2224 = arith.constant 896 : i32
      %add3A_2225 = arith.addi %add3A_2223, %add3A_2224 : i32
      %add3A_2226 = arith.constant 112 : i32
      %add3A_2227 = arith.addi %add3A_2225, %add3A_2226 : i32
      %swap3A_2228 = arith.index_cast %add3A_2227 : i32 to index
      %swap3A_2229 = tpu.vector_load %arg6[%swap3A_2228] {strides = array<i32>} : memref<32768xi32, #tpu.memory_space<vmem>>, vector<16xi32>,
      %swap3A_2230 = vector.shape_cast %swap3A_2229 : vector<16xi32> to vector<16xi32>
      %swap3A_2231 = vector.shape_cast %add3A_2221 : vector<16xi32> to vector<16xi32>
      tpu.vector_store %arg6[%swap3A_2228], %swap3A_2231 {strides = array<i32>} : memref<32768xi32, #tpu.memory_space<vmem>>, vector<16xi32>,
      %add3A_2232 = arith.constant 8320000 : i32
      %add3A_2233 = vector.broadcast %add3A_2232 : i32 to vector<16xi32>
      %add3A_2234 = arith.addi %add3A_2127, %add3A_2233 : vector<16xi32>
      %add3A_2235 = arith.constant 1024 : i32
      %add3A_2236 = arith.addi %mul3A_522, %add3A_2235 : i32
      %add3A_2237 = arith.constant 0 : i32
      %add3A_2238 = arith.addi %add3A_2236, %add3A_2237 : i32
      %add3A_2239 = arith.constant 112 : i32
      %add3A_2240 = arith.addi %add3A_2238, %add3A_2239 : i32
      %swap3A_2241 = arith.index_cast %add3A_2240 : i32 to index
      %swap3A_2242 = tpu.vector_load %arg6[%swap3A_2241] {strides = array<i32>} : memref<32768xi32, #tpu.memory_space<vmem>>, vector<16xi32>,
      %swap3A_2243 = vector.shape_cast %swap3A_2242 : vector<16xi32> to vector<16xi32>
      %swap3A_2244 = vector.shape_cast %add3A_2234 : vector<16xi32> to vector<16xi32>
      tpu.vector_store %arg6[%swap3A_2241], %swap3A_2244 {strides = array<i32>} : memref<32768xi32, #tpu.memory_space<vmem>>, vector<16xi32>,
      %add3A_2245 = arith.constant 8320128 : i32
      %add3A_2246 = vector.broadcast %add3A_2245 : i32 to vector<16xi32>
      %add3A_2247 = arith.addi %add3A_2127, %add3A_2246 : vector<16xi32>
      %add3A_2248 = arith.constant 1024 : i32
      %add3A_2249 = arith.addi %mul3A_522, %add3A_2248 : i32
      %add3A_2250 = arith.constant 128 : i32
      %add3A_2251 = arith.addi %add3A_2249, %add3A_2250 : i32
      %add3A_2252 = arith.constant 112 : i32
      %add3A_2253 = arith.addi %add3A_2251, %add3A_2252 : i32
      %swap3A_2254 = arith.index_cast %add3A_2253 : i32 to index
      %swap3A_2255 = tpu.vector_load %arg6[%swap3A_2254] {strides = array<i32>} : memref<32768xi32, #tpu.memory_space<vmem>>, vector<16xi32>,
      %swap3A_2256 = vector.shape_cast %swap3A_2255 : vector<16xi32> to vector<16xi32>
      %swap3A_2257 = vector.shape_cast %add3A_2247 : vector<16xi32> to vector<16xi32>
      tpu.vector_store %arg6[%swap3A_2254], %swap3A_2257 {strides = array<i32>} : memref<32768xi32, #tpu.memory_space<vmem>>, vector<16xi32>,
      %add3A_2258 = arith.constant 8320256 : i32
      %add3A_2259 = vector.broadcast %add3A_2258 : i32 to vector<16xi32>
      %add3A_2260 = arith.addi %add3A_2127, %add3A_2259 : vector<16xi32>
      %add3A_2261 = arith.constant 1024 : i32
      %add3A_2262 = arith.addi %mul3A_522, %add3A_2261 : i32
      %add3A_2263 = arith.constant 256 : i32
      %add3A_2264 = arith.addi %add3A_2262, %add3A_2263 : i32
      %add3A_2265 = arith.constant 112 : i32
      %add3A_2266 = arith.addi %add3A_2264, %add3A_2265 : i32
      %swap3A_2267 = arith.index_cast %add3A_2266 : i32 to index
      %swap3A_2268 = tpu.vector_load %arg6[%swap3A_2267] {strides = array<i32>} : memref<32768xi32, #tpu.memory_space<vmem>>, vector<16xi32>,
      %swap3A_2269 = vector.shape_cast %swap3A_2268 : vector<16xi32> to vector<16xi32>
      %swap3A_2270 = vector.shape_cast %add3A_2260 : vector<16xi32> to vector<16xi32>
      tpu.vector_store %arg6[%swap3A_2267], %swap3A_2270 {strides = array<i32>} : memref<32768xi32, #tpu.memory_space<vmem>>, vector<16xi32>,
      %add3A_2271 = arith.constant 8320384 : i32
      %add3A_2272 = vector.broadcast %add3A_2271 : i32 to vector<16xi32>
      %add3A_2273 = arith.addi %add3A_2127, %add3A_2272 : vector<16xi32>
      %add3A_2274 = arith.constant 1024 : i32
      %add3A_2275 = arith.addi %mul3A_522, %add3A_2274 : i32
      %add3A_2276 = arith.constant 384 : i32
      %add3A_2277 = arith.addi %add3A_2275, %add3A_2276 : i32
      %add3A_2278 = arith.constant 112 : i32
      %add3A_2279 = arith.addi %add3A_2277, %add3A_2278 : i32
      %swap3A_2280 = arith.index_cast %add3A_2279 : i32 to index
      %swap3A_2281 = tpu.vector_load %arg6[%swap3A_2280] {strides = array<i32>} : memref<32768xi32, #tpu.memory_space<vmem>>, vector<16xi32>,
      %swap3A_2282 = vector.shape_cast %swap3A_2281 : vector<16xi32> to vector<16xi32>
      %swap3A_2283 = vector.shape_cast %add3A_2273 : vector<16xi32> to vector<16xi32>
      tpu.vector_store %arg6[%swap3A_2280], %swap3A_2283 {strides = array<i32>} : memref<32768xi32, #tpu.memory_space<vmem>>, vector<16xi32>,
      %add3A_2284 = arith.constant 8320512 : i32
      %add3A_2285 = vector.broadcast %add3A_2284 : i32 to vector<16xi32>
      %add3A_2286 = arith.addi %add3A_2127, %add3A_2285 : vector<16xi32>
      %add3A_2287 = arith.constant 1024 : i32
      %add3A_2288 = arith.addi %mul3A_522, %add3A_2287 : i32
      %add3A_2289 = arith.constant 512 : i32
      %add3A_2290 = arith.addi %add3A_2288, %add3A_2289 : i32
      %add3A_2291 = arith.constant 112 : i32
      %add3A_2292 = arith.addi %add3A_2290, %add3A_2291 : i32
      %swap3A_2293 = arith.index_cast %add3A_2292 : i32 to index
      %swap3A_2294 = tpu.vector_load %arg6[%swap3A_2293] {strides = array<i32>} : memref<32768xi32, #tpu.memory_space<vmem>>, vector<16xi32>,
      %swap3A_2295 = vector.shape_cast %swap3A_2294 : vector<16xi32> to vector<16xi32>
      %swap3A_2296 = vector.shape_cast %add3A_2286 : vector<16xi32> to vector<16xi32>
      tpu.vector_store %arg6[%swap3A_2293], %swap3A_2296 {strides = array<i32>} : memref<32768xi32, #tpu.memory_space<vmem>>, vector<16xi32>,
      %add3A_2297 = arith.constant 8320640 : i32
      %add3A_2298 = vector.broadcast %add3A_2297 : i32 to vector<16xi32>
      %add3A_2299 = arith.addi %add3A_2127, %add3A_2298 : vector<16xi32>
      %add3A_2300 = arith.constant 1024 : i32
      %add3A_2301 = arith.addi %mul3A_522, %add3A_2300 : i32
      %add3A_2302 = arith.constant 640 : i32
      %add3A_2303 = arith.addi %add3A_2301, %add3A_2302 : i32
      %add3A_2304 = arith.constant 112 : i32
      %add3A_2305 = arith.addi %add3A_2303, %add3A_2304 : i32
      %swap3A_2306 = arith.index_cast %add3A_2305 : i32 to index
      %swap3A_2307 = tpu.vector_load %arg6[%swap3A_2306] {strides = array<i32>} : memref<32768xi32, #tpu.memory_space<vmem>>, vector<16xi32>,
      %swap3A_2308 = vector.shape_cast %swap3A_2307 : vector<16xi32> to vector<16xi32>
      %swap3A_2309 = vector.shape_cast %add3A_2299 : vector<16xi32> to vector<16xi32>
      tpu.vector_store %arg6[%swap3A_2306], %swap3A_2309 {strides = array<i32>} : memref<32768xi32, #tpu.memory_space<vmem>>, vector<16xi32>,
      %add3A_2310 = arith.constant 8320768 : i32
      %add3A_2311 = vector.broadcast %add3A_2310 : i32 to vector<16xi32>
      %add3A_2312 = arith.addi %add3A_2127, %add3A_2311 : vector<16xi32>
      %add3A_2313 = arith.constant 1024 : i32
      %add3A_2314 = arith.addi %mul3A_522, %add3A_2313 : i32
      %add3A_2315 = arith.constant 768 : i32
      %add3A_2316 = arith.addi %add3A_2314, %add3A_2315 : i32
      %add3A_2317 = arith.constant 112 : i32
      %add3A_2318 = arith.addi %add3A_2316, %add3A_2317 : i32
      %swap3A_2319 = arith.index_cast %add3A_2318 : i32 to index
      %swap3A_2320 = tpu.vector_load %arg6[%swap3A_2319] {strides = array<i32>} : memref<32768xi32, #tpu.memory_space<vmem>>, vector<16xi32>,
      %swap3A_2321 = vector.shape_cast %swap3A_2320 : vector<16xi32> to vector<16xi32>
      %swap3A_2322 = vector.shape_cast %add3A_2312 : vector<16xi32> to vector<16xi32>
      tpu.vector_store %arg6[%swap3A_2319], %swap3A_2322 {strides = array<i32>} : memref<32768xi32, #tpu.memory_space<vmem>>, vector<16xi32>,
      %add3A_2323 = arith.constant 8320896 : i32
      %add3A_2324 = vector.broadcast %add3A_2323 : i32 to vector<16xi32>
      %add3A_2325 = arith.addi %add3A_2127, %add3A_2324 : vector<16xi32>
      %add3A_2326 = arith.constant 1024 : i32
      %add3A_2327 = arith.addi %mul3A_522, %add3A_2326 : i32
      %add3A_2328 = arith.constant 896 : i32
      %add3A_2329 = arith.addi %add3A_2327, %add3A_2328 : i32
      %add3A_2330 = arith.constant 112 : i32
      %add3A_2331 = arith.addi %add3A_2329, %add3A_2330 : i32
      %swap3A_2332 = arith.index_cast %add3A_2331 : i32 to index
      %swap3A_2333 = tpu.vector_load %arg6[%swap3A_2332] {strides = array<i32>} : memref<32768xi32, #tpu.memory_space<vmem>>, vector<16xi32>,
      %swap3A_2334 = vector.shape_cast %swap3A_2333 : vector<16xi32> to vector<16xi32>
      %swap3A_2335 = vector.shape_cast %add3A_2325 : vector<16xi32> to vector<16xi32>
      tpu.vector_store %arg6[%swap3A_2332], %swap3A_2335 {strides = array<i32>} : memref<32768xi32, #tpu.memory_space<vmem>>, vector<16xi32>,
      %ge3A = arith.constant 12 : i32
      %ge3A_2336 = arith.cmpi sge, %add3A_513, %ge3A : i32
      %convert_element_type3A = arith.extui %ge3A_2336 : i1 to i32
      %cond3A = arith.constant 0 : i32
      %cond3A_2337 = arith.cmpi ne, %convert_element_type3A, %cond3A : i32
      scf.if %cond3A_2337 {
        %dma_wait3A_2380 = arith.constant 0 : i32
        %dma_wait3A_2381 = tpu.memref_slice %arg7[%dma_wait3A_2380] : memref<32768xf32, #tpu.memory_space<vmem>> -> memref<2048xf32, #tpu.memory_space<vmem>>
        %dma_wait3A_2382 = arith.constant 0 : i32
        %dma_wait3A_2383 = tpu.memref_slice %arg3[%dma_wait3A_2382] : memref<16640000xf32, #tpu.memory_space<hbm>> -> memref<2048xf32, #tpu.memory_space<hbm>>
        %dma_wait3A_2384 = arith.constant 0 : i32
        %dma_wait3A_2385 = tpu.memref_slice %arg7[%dma_wait3A_2384] : memref<32768xf32, #tpu.memory_space<vmem>> -> memref<2048xf32, #tpu.memory_space<vmem>>
        %dma_wait3A_2386 = arith.constant 0 : i32
        %dma_wait3A_2387 = tpu.memref_slice %arg3[%dma_wait3A_2386] : memref<16640000xf32, #tpu.memory_space<hbm>> -> memref<2048xf32, #tpu.memory_space<hbm>>
        tpu.wait_dma2 semaphore(%arg9 : memref<!tpu.dma_semaphore, #tpu.memory_space<semaphore_mem>>) src(%dma_wait3A_2387 : memref<2048xf32, #tpu.memory_space<hbm>>) dst(%dma_wait3A_2385 : memref<2048xf32, #tpu.memory_space<vmem>>)
      } else {
      }
      %ge3A_2338 = arith.constant 16 : i32
      %ge3A_2339 = arith.cmpi sge, %add3A_513, %ge3A_2338 : i32
      %convert_element_type3A_2340 = arith.extui %ge3A_2339 : i1 to i32
      %cond3A_2341 = arith.constant 0 : i32
      %cond3A_2342 = arith.cmpi ne, %convert_element_type3A_2340, %cond3A_2341 : i32
      scf.if %cond3A_2342 {
        %dma_wait3A_2380 = arith.constant 0 : i32
        %dma_wait3A_2381 = tpu.memref_slice %arg7[%dma_wait3A_2380] : memref<32768xf32, #tpu.memory_space<vmem>> -> memref<2048xf32, #tpu.memory_space<vmem>>
        %dma_wait3A_2382 = arith.constant 0 : i32
        %dma_wait3A_2383 = tpu.memref_slice %arg3[%dma_wait3A_2382] : memref<16640000xf32, #tpu.memory_space<hbm>> -> memref<2048xf32, #tpu.memory_space<hbm>>
        %dma_wait3A_2384 = arith.constant 0 : i32
        %dma_wait3A_2385 = tpu.memref_slice %arg7[%dma_wait3A_2384] : memref<32768xf32, #tpu.memory_space<vmem>> -> memref<2048xf32, #tpu.memory_space<vmem>>
        %dma_wait3A_2386 = arith.constant 0 : i32
        %dma_wait3A_2387 = tpu.memref_slice %arg3[%dma_wait3A_2386] : memref<16640000xf32, #tpu.memory_space<hbm>> -> memref<2048xf32, #tpu.memory_space<hbm>>
        tpu.wait_dma2 semaphore(%arg10 : memref<!tpu.dma_semaphore, #tpu.memory_space<semaphore_mem>>) src(%dma_wait3A_2387 : memref<2048xf32, #tpu.memory_space<hbm>>) dst(%dma_wait3A_2385 : memref<2048xf32, #tpu.memory_space<vmem>>)
      } else {
      }
      %add3A_2343 = arith.constant 0 : i32
      %add3A_2344 = arith.addi %mul3A_522, %add3A_2343 : i32
      %add3A_2345 = arith.constant 0 : i32
      %add3A_2346 = arith.addi %add3A_2344, %add3A_2345 : i32
      %dma_start3A_2347 = tpu.memref_slice %arg7[%add3A_2346] : memref<32768xf32, #tpu.memory_space<vmem>> -> memref<512xf32, #tpu.memory_space<vmem>>
      %dma_start3A_2348 = tpu.memref_slice %arg6[%add3A_2346] : memref<32768xi32, #tpu.memory_space<vmem>> -> memref<512xi32, #tpu.memory_space<vmem>>
      %dma_start3A_2349 = arith.constant 0 : i32
      %dma_start3A_2350 = tpu.memref_slice %arg3[%dma_start3A_2349] : memref<16640000xf32, #tpu.memory_space<hbm>> -> memref<16640000xf32, #tpu.memory_space<hbm>>
      tpu.enqueue_indirect_dma source(%dma_start3A_2350 : memref<16640000xf32, #tpu.memory_space<hbm>>) target(%dma_start3A_2347 : memref<512xf32, #tpu.memory_space<vmem>>) offsets(%dma_start3A_2348 : memref<512xi32, #tpu.memory_space<vmem>>) semaphore(%arg9 : memref<!tpu.dma_semaphore, #tpu.memory_space<semaphore_mem>>)
      %add3A_2351 = arith.constant 0 : i32
      %add3A_2352 = arith.addi %mul3A_522, %add3A_2351 : i32
      %add3A_2353 = arith.constant 512 : i32
      %add3A_2354 = arith.addi %add3A_2352, %add3A_2353 : i32
      %dma_start3A_2355 = tpu.memref_slice %arg7[%add3A_2354] : memref<32768xf32, #tpu.memory_space<vmem>> -> memref<512xf32, #tpu.memory_space<vmem>>
      %dma_start3A_2356 = tpu.memref_slice %arg6[%add3A_2354] : memref<32768xi32, #tpu.memory_space<vmem>> -> memref<512xi32, #tpu.memory_space<vmem>>
      %dma_start3A_2357 = arith.constant 0 : i32
      %dma_start3A_2358 = tpu.memref_slice %arg3[%dma_start3A_2357] : memref<16640000xf32, #tpu.memory_space<hbm>> -> memref<16640000xf32, #tpu.memory_space<hbm>>
      tpu.enqueue_indirect_dma source(%dma_start3A_2358 : memref<16640000xf32, #tpu.memory_space<hbm>>) target(%dma_start3A_2355 : memref<512xf32, #tpu.memory_space<vmem>>) offsets(%dma_start3A_2356 : memref<512xi32, #tpu.memory_space<vmem>>) semaphore(%arg9 : memref<!tpu.dma_semaphore, #tpu.memory_space<semaphore_mem>>)
      %add3A_2359 = arith.constant 1024 : i32
      %add3A_2360 = arith.addi %mul3A_522, %add3A_2359 : i32
      %add3A_2361 = arith.constant 0 : i32
      %add3A_2362 = arith.addi %add3A_2360, %add3A_2361 : i32
      %dma_start3A_2363 = tpu.memref_slice %arg7[%add3A_2362] : memref<32768xf32, #tpu.memory_space<vmem>> -> memref<512xf32, #tpu.memory_space<vmem>>
      %dma_start3A_2364 = tpu.memref_slice %arg6[%add3A_2362] : memref<32768xi32, #tpu.memory_space<vmem>> -> memref<512xi32, #tpu.memory_space<vmem>>
      %dma_start3A_2365 = arith.constant 0 : i32
      %dma_start3A_2366 = tpu.memref_slice %arg3[%dma_start3A_2365] : memref<16640000xf32, #tpu.memory_space<hbm>> -> memref<16640000xf32, #tpu.memory_space<hbm>>
      tpu.enqueue_indirect_dma source(%dma_start3A_2366 : memref<16640000xf32, #tpu.memory_space<hbm>>) target(%dma_start3A_2363 : memref<512xf32, #tpu.memory_space<vmem>>) offsets(%dma_start3A_2364 : memref<512xi32, #tpu.memory_space<vmem>>) semaphore(%arg9 : memref<!tpu.dma_semaphore, #tpu.memory_space<semaphore_mem>>)
      %add3A_2367 = arith.constant 1024 : i32
      %add3A_2368 = arith.addi %mul3A_522, %add3A_2367 : i32
      %add3A_2369 = arith.constant 512 : i32
      %add3A_2370 = arith.addi %add3A_2368, %add3A_2369 : i32
      %dma_start3A_2371 = tpu.memref_slice %arg7[%add3A_2370] : memref<32768xf32, #tpu.memory_space<vmem>> -> memref<512xf32, #tpu.memory_space<vmem>>
      %dma_start3A_2372 = tpu.memref_slice %arg6[%add3A_2370] : memref<32768xi32, #tpu.memory_space<vmem>> -> memref<512xi32, #tpu.memory_space<vmem>>
      %dma_start3A_2373 = arith.constant 0 : i32
      %dma_start3A_2374 = tpu.memref_slice %arg3[%dma_start3A_2373] : memref<16640000xf32, #tpu.memory_space<hbm>> -> memref<16640000xf32, #tpu.memory_space<hbm>>
      tpu.enqueue_indirect_dma source(%dma_start3A_2374 : memref<16640000xf32, #tpu.memory_space<hbm>>) target(%dma_start3A_2371 : memref<512xf32, #tpu.memory_space<vmem>>) offsets(%dma_start3A_2372 : memref<512xi32, #tpu.memory_space<vmem>>) semaphore(%arg9 : memref<!tpu.dma_semaphore, #tpu.memory_space<semaphore_mem>>)
      %ge3A_2375 = arith.constant 12 : i32
      %ge3A_2376 = arith.cmpi sge, %add3A_513, %ge3A_2375 : i32
      %convert_element_type3A_2377 = arith.extui %ge3A_2376 : i1 to i32
      %cond3A_2378 = arith.constant 0 : i32
      %cond3A_2379 = arith.cmpi ne, %convert_element_type3A_2377, %cond3A_2378 : i32
      scf.if %cond3A_2379 {
        %sub3A = arith.constant 12 : i32
        %sub3A_2380 = arith.subi %add3A_513, %sub3A : i32
        %add3A_2381 = arith.addi %mul3A_2, %sub3A_2380 : i32
        %shift_right_logical3A_2382 = arith.constant 7 : i32
        %shift_right_logical3A_2383 = arith.shrui %add3A_2381, %shift_right_logical3A_2382 : i32
        %and3A_2384 = arith.constant 127 : i32
        %and3A_2385 = arith.andi %add3A_2381, %and3A_2384 : i32
        %and3A_2386 = arith.constant 15 : i32
        %and3A_2387 = arith.andi %sub3A_2380, %and3A_2386 : i32
        %mul3A_2388 = arith.constant 2048 : i32
        %mul3A_2389 = arith.muli %and3A_2387, %mul3A_2388 : i32
        %add3A_2390 = arith.constant 0 : i32
        %add3A_2391 = arith.addi %mul3A_2389, %add3A_2390 : i32
        %dma_start3A_2392 = arith.constant 0 : i32
        %dma_start3A_2393 = tpu.memref_slice %arg7[%add3A_2391] : memref<32768xf32, #tpu.memory_space<vmem>> -> memref<1024xf32, #tpu.memory_space<vmem>>
        %dma_start3A_2394 = arith.constant 0 : i32
        %dma_start3A_2395 = tpu.memref_slice %arg4[%shift_right_logical3A_2383, %dma_start3A_2392, %and3A_2385, %dma_start3A_2394] : memref<26x2x128x1024xf32, #tpu.memory_space<hbm>> -> memref<1x1x1x1024xf32, #tpu.memory_space<hbm>>
        %dma_start3A_2396 = tpu.memref_squeeze %dma_start3A_2395 : memref<1x1x1x1024xf32, #tpu.memory_space<hbm>> -> memref<1024xf32, #tpu.memory_space<hbm>>
        %dma_start3A_2397 = arith.constant 0 : i32
        %dma_start3A_2398 = tpu.memref_slice %arg4[%shift_right_logical3A_2383, %dma_start3A_2392, %and3A_2385, %dma_start3A_2397] : memref<26x2x128x1024xf32, #tpu.memory_space<hbm>> -> memref<1x1x1x1024xf32, #tpu.memory_space<hbm>>
        %dma_start3A_2399 = tpu.memref_squeeze %dma_start3A_2398 : memref<1x1x1x1024xf32, #tpu.memory_space<hbm>> -> memref<1024xf32, #tpu.memory_space<hbm>>
        %dma_start3A_2400 = tpu.memref_slice %arg7[%add3A_2391] : memref<32768xf32, #tpu.memory_space<vmem>> -> memref<1024xf32, #tpu.memory_space<vmem>>
        tpu.enqueue_dma source(%dma_start3A_2400 : memref<1024xf32, #tpu.memory_space<vmem>>) target(%dma_start3A_2399 : memref<1024xf32, #tpu.memory_space<hbm>>) target_semaphore(%arg10 : memref<!tpu.dma_semaphore, #tpu.memory_space<semaphore_mem>>)
        %add3A_2401 = arith.constant 1024 : i32
        %add3A_2402 = arith.addi %mul3A_2389, %add3A_2401 : i32
        %dma_start3A_2403 = arith.constant 1 : i32
        %dma_start3A_2404 = tpu.memref_slice %arg7[%add3A_2402] : memref<32768xf32, #tpu.memory_space<vmem>> -> memref<1024xf32, #tpu.memory_space<vmem>>
        %dma_start3A_2405 = arith.constant 0 : i32
        %dma_start3A_2406 = tpu.memref_slice %arg4[%shift_right_logical3A_2383, %dma_start3A_2403, %and3A_2385, %dma_start3A_2405] : memref<26x2x128x1024xf32, #tpu.memory_space<hbm>> -> memref<1x1x1x1024xf32, #tpu.memory_space<hbm>>
        %dma_start3A_2407 = tpu.memref_squeeze %dma_start3A_2406 : memref<1x1x1x1024xf32, #tpu.memory_space<hbm>> -> memref<1024xf32, #tpu.memory_space<hbm>>
        %dma_start3A_2408 = arith.constant 0 : i32
        %dma_start3A_2409 = tpu.memref_slice %arg4[%shift_right_logical3A_2383, %dma_start3A_2403, %and3A_2385, %dma_start3A_2408] : memref<26x2x128x1024xf32, #tpu.memory_space<hbm>> -> memref<1x1x1x1024xf32, #tpu.memory_space<hbm>>
        %dma_start3A_2410 = tpu.memref_squeeze %dma_start3A_2409 : memref<1x1x1x1024xf32, #tpu.memory_space<hbm>> -> memref<1024xf32, #tpu.memory_space<hbm>>
        %dma_start3A_2411 = tpu.memref_slice %arg7[%add3A_2402] : memref<32768xf32, #tpu.memory_space<vmem>> -> memref<1024xf32, #tpu.memory_space<vmem>>
        tpu.enqueue_dma source(%dma_start3A_2411 : memref<1024xf32, #tpu.memory_space<vmem>>) target(%dma_start3A_2410 : memref<1024xf32, #tpu.memory_space<hbm>>) target_semaphore(%arg10 : memref<!tpu.dma_semaphore, #tpu.memory_space<semaphore_mem>>)
      } else {
      }
    }
    %scan3A_10 = arith.constant 104 : i32
    %dma_wait3A_11 = arith.constant 0 : i32
    %dma_wait3A_12 = tpu.memref_slice %arg7[%dma_wait3A_11] : memref<32768xf32, #tpu.memory_space<vmem>> -> memref<2048xf32, #tpu.memory_space<vmem>>
    %dma_wait3A_13 = arith.constant 0 : i32
    %dma_wait3A_14 = tpu.memref_slice %arg3[%dma_wait3A_13] : memref<16640000xf32, #tpu.memory_space<hbm>> -> memref<2048xf32, #tpu.memory_space<hbm>>
    %dma_wait3A_15 = arith.constant 0 : i32
    %dma_wait3A_16 = tpu.memref_slice %arg7[%dma_wait3A_15] : memref<32768xf32, #tpu.memory_space<vmem>> -> memref<2048xf32, #tpu.memory_space<vmem>>
    %dma_wait3A_17 = arith.constant 0 : i32
    %dma_wait3A_18 = tpu.memref_slice %arg3[%dma_wait3A_17] : memref<16640000xf32, #tpu.memory_space<hbm>> -> memref<2048xf32, #tpu.memory_space<hbm>>
    tpu.wait_dma2 semaphore(%arg9 : memref<!tpu.dma_semaphore, #tpu.memory_space<semaphore_mem>>) src(%dma_wait3A_18 : memref<2048xf32, #tpu.memory_space<hbm>>) dst(%dma_wait3A_16 : memref<2048xf32, #tpu.memory_space<vmem>>)
    %add3A_19 = arith.constant 92 : i32
    %add3A_20 = arith.addi %mul3A_2, %add3A_19 : i32
    %shift_right_logical3A = arith.constant 7 : i32
    %shift_right_logical3A_21 = arith.shrui %add3A_20, %shift_right_logical3A : i32
    %and3A = arith.constant 127 : i32
    %and3A_22 = arith.andi %add3A_20, %and3A : i32
    %and3A_23 = arith.constant 92 : i32
    %and3A_24 = arith.constant 15 : i32
    %and3A_25 = arith.andi %and3A_23, %and3A_24 : i32
    %mul3A_26 = arith.constant 2048 : i32
    %mul3A_27 = arith.muli %and3A_25, %mul3A_26 : i32
    %add3A_28 = arith.constant 0 : i32
    %add3A_29 = arith.addi %mul3A_27, %add3A_28 : i32
    %dma_start3A_30 = arith.constant 0 : i32
    %dma_start3A_31 = tpu.memref_slice %arg7[%add3A_29] : memref<32768xf32, #tpu.memory_space<vmem>> -> memref<1024xf32, #tpu.memory_space<vmem>>
    %dma_start3A_32 = arith.constant 0 : i32
    %dma_start3A_33 = tpu.memref_slice %arg4[%shift_right_logical3A_21, %dma_start3A_30, %and3A_22, %dma_start3A_32] : memref<26x2x128x1024xf32, #tpu.memory_space<hbm>> -> memref<1x1x1x1024xf32, #tpu.memory_space<hbm>>
    %dma_start3A_34 = tpu.memref_squeeze %dma_start3A_33 : memref<1x1x1x1024xf32, #tpu.memory_space<hbm>> -> memref<1024xf32, #tpu.memory_space<hbm>>
    %dma_start3A_35 = arith.constant 0 : i32
    %dma_start3A_36 = tpu.memref_slice %arg4[%shift_right_logical3A_21, %dma_start3A_30, %and3A_22, %dma_start3A_35] : memref<26x2x128x1024xf32, #tpu.memory_space<hbm>> -> memref<1x1x1x1024xf32, #tpu.memory_space<hbm>>
    %dma_start3A_37 = tpu.memref_squeeze %dma_start3A_36 : memref<1x1x1x1024xf32, #tpu.memory_space<hbm>> -> memref<1024xf32, #tpu.memory_space<hbm>>
    %dma_start3A_38 = tpu.memref_slice %arg7[%add3A_29] : memref<32768xf32, #tpu.memory_space<vmem>> -> memref<1024xf32, #tpu.memory_space<vmem>>
    tpu.enqueue_dma source(%dma_start3A_38 : memref<1024xf32, #tpu.memory_space<vmem>>) target(%dma_start3A_37 : memref<1024xf32, #tpu.memory_space<hbm>>) target_semaphore(%arg10 : memref<!tpu.dma_semaphore, #tpu.memory_space<semaphore_mem>>)
    %add3A_39 = arith.constant 1024 : i32
    %add3A_40 = arith.addi %mul3A_27, %add3A_39 : i32
    %dma_start3A_41 = arith.constant 1 : i32
    %dma_start3A_42 = tpu.memref_slice %arg7[%add3A_40] : memref<32768xf32, #tpu.memory_space<vmem>> -> memref<1024xf32, #tpu.memory_space<vmem>>
    %dma_start3A_43 = arith.constant 0 : i32
    %dma_start3A_44 = tpu.memref_slice %arg4[%shift_right_logical3A_21, %dma_start3A_41, %and3A_22, %dma_start3A_43] : memref<26x2x128x1024xf32, #tpu.memory_space<hbm>> -> memref<1x1x1x1024xf32, #tpu.memory_space<hbm>>
    %dma_start3A_45 = tpu.memref_squeeze %dma_start3A_44 : memref<1x1x1x1024xf32, #tpu.memory_space<hbm>> -> memref<1024xf32, #tpu.memory_space<hbm>>
    %dma_start3A_46 = arith.constant 0 : i32
    %dma_start3A_47 = tpu.memref_slice %arg4[%shift_right_logical3A_21, %dma_start3A_41, %and3A_22, %dma_start3A_46] : memref<26x2x128x1024xf32, #tpu.memory_space<hbm>> -> memref<1x1x1x1024xf32, #tpu.memory_space<hbm>>
    %dma_start3A_48 = tpu.memref_squeeze %dma_start3A_47 : memref<1x1x1x1024xf32, #tpu.memory_space<hbm>> -> memref<1024xf32, #tpu.memory_space<hbm>>
    %dma_start3A_49 = tpu.memref_slice %arg7[%add3A_40] : memref<32768xf32, #tpu.memory_space<vmem>> -> memref<1024xf32, #tpu.memory_space<vmem>>
    tpu.enqueue_dma source(%dma_start3A_49 : memref<1024xf32, #tpu.memory_space<vmem>>) target(%dma_start3A_48 : memref<1024xf32, #tpu.memory_space<hbm>>) target_semaphore(%arg10 : memref<!tpu.dma_semaphore, #tpu.memory_space<semaphore_mem>>)
    %dma_wait3A_50 = arith.constant 0 : i32
    %dma_wait3A_51 = tpu.memref_slice %arg7[%dma_wait3A_50] : memref<32768xf32, #tpu.memory_space<vmem>> -> memref<2048xf32, #tpu.memory_space<vmem>>
    %dma_wait3A_52 = arith.constant 0 : i32
    %dma_wait3A_53 = tpu.memref_slice %arg3[%dma_wait3A_52] : memref<16640000xf32, #tpu.memory_space<hbm>> -> memref<2048xf32, #tpu.memory_space<hbm>>
    %dma_wait3A_54 = arith.constant 0 : i32
    %dma_wait3A_55 = tpu.memref_slice %arg7[%dma_wait3A_54] : memref<32768xf32, #tpu.memory_space<vmem>> -> memref<2048xf32, #tpu.memory_space<vmem>>
    %dma_wait3A_56 = arith.constant 0 : i32
    %dma_wait3A_57 = tpu.memref_slice %arg3[%dma_wait3A_56] : memref<16640000xf32, #tpu.memory_space<hbm>> -> memref<2048xf32, #tpu.memory_space<hbm>>
    tpu.wait_dma2 semaphore(%arg9 : memref<!tpu.dma_semaphore, #tpu.memory_space<semaphore_mem>>) src(%dma_wait3A_57 : memref<2048xf32, #tpu.memory_space<hbm>>) dst(%dma_wait3A_55 : memref<2048xf32, #tpu.memory_space<vmem>>)
    %add3A_58 = arith.constant 93 : i32
    %add3A_59 = arith.addi %mul3A_2, %add3A_58 : i32
    %shift_right_logical3A_60 = arith.constant 7 : i32
    %shift_right_logical3A_61 = arith.shrui %add3A_59, %shift_right_logical3A_60 : i32
    %and3A_62 = arith.constant 127 : i32
    %and3A_63 = arith.andi %add3A_59, %and3A_62 : i32
    %and3A_64 = arith.constant 93 : i32
    %and3A_65 = arith.constant 15 : i32
    %and3A_66 = arith.andi %and3A_64, %and3A_65 : i32
    %mul3A_67 = arith.constant 2048 : i32
    %mul3A_68 = arith.muli %and3A_66, %mul3A_67 : i32
    %add3A_69 = arith.constant 0 : i32
    %add3A_70 = arith.addi %mul3A_68, %add3A_69 : i32
    %dma_start3A_71 = arith.constant 0 : i32
    %dma_start3A_72 = tpu.memref_slice %arg7[%add3A_70] : memref<32768xf32, #tpu.memory_space<vmem>> -> memref<1024xf32, #tpu.memory_space<vmem>>
    %dma_start3A_73 = arith.constant 0 : i32
    %dma_start3A_74 = tpu.memref_slice %arg4[%shift_right_logical3A_61, %dma_start3A_71, %and3A_63, %dma_start3A_73] : memref<26x2x128x1024xf32, #tpu.memory_space<hbm>> -> memref<1x1x1x1024xf32, #tpu.memory_space<hbm>>
    %dma_start3A_75 = tpu.memref_squeeze %dma_start3A_74 : memref<1x1x1x1024xf32, #tpu.memory_space<hbm>> -> memref<1024xf32, #tpu.memory_space<hbm>>
    %dma_start3A_76 = arith.constant 0 : i32
    %dma_start3A_77 = tpu.memref_slice %arg4[%shift_right_logical3A_61, %dma_start3A_71, %and3A_63, %dma_start3A_76] : memref<26x2x128x1024xf32, #tpu.memory_space<hbm>> -> memref<1x1x1x1024xf32, #tpu.memory_space<hbm>>
    %dma_start3A_78 = tpu.memref_squeeze %dma_start3A_77 : memref<1x1x1x1024xf32, #tpu.memory_space<hbm>> -> memref<1024xf32, #tpu.memory_space<hbm>>
    %dma_start3A_79 = tpu.memref_slice %arg7[%add3A_70] : memref<32768xf32, #tpu.memory_space<vmem>> -> memref<1024xf32, #tpu.memory_space<vmem>>
    tpu.enqueue_dma source(%dma_start3A_79 : memref<1024xf32, #tpu.memory_space<vmem>>) target(%dma_start3A_78 : memref<1024xf32, #tpu.memory_space<hbm>>) target_semaphore(%arg10 : memref<!tpu.dma_semaphore, #tpu.memory_space<semaphore_mem>>)
    %add3A_80 = arith.constant 1024 : i32
    %add3A_81 = arith.addi %mul3A_68, %add3A_80 : i32
    %dma_start3A_82 = arith.constant 1 : i32
    %dma_start3A_83 = tpu.memref_slice %arg7[%add3A_81] : memref<32768xf32, #tpu.memory_space<vmem>> -> memref<1024xf32, #tpu.memory_space<vmem>>
    %dma_start3A_84 = arith.constant 0 : i32
    %dma_start3A_85 = tpu.memref_slice %arg4[%shift_right_logical3A_61, %dma_start3A_82, %and3A_63, %dma_start3A_84] : memref<26x2x128x1024xf32, #tpu.memory_space<hbm>> -> memref<1x1x1x1024xf32, #tpu.memory_space<hbm>>
    %dma_start3A_86 = tpu.memref_squeeze %dma_start3A_85 : memref<1x1x1x1024xf32, #tpu.memory_space<hbm>> -> memref<1024xf32, #tpu.memory_space<hbm>>
    %dma_start3A_87 = arith.constant 0 : i32
    %dma_start3A_88 = tpu.memref_slice %arg4[%shift_right_logical3A_61, %dma_start3A_82, %and3A_63, %dma_start3A_87] : memref<26x2x128x1024xf32, #tpu.memory_space<hbm>> -> memref<1x1x1x1024xf32, #tpu.memory_space<hbm>>
    %dma_start3A_89 = tpu.memref_squeeze %dma_start3A_88 : memref<1x1x1x1024xf32, #tpu.memory_space<hbm>> -> memref<1024xf32, #tpu.memory_space<hbm>>
    %dma_start3A_90 = tpu.memref_slice %arg7[%add3A_81] : memref<32768xf32, #tpu.memory_space<vmem>> -> memref<1024xf32, #tpu.memory_space<vmem>>
    tpu.enqueue_dma source(%dma_start3A_90 : memref<1024xf32, #tpu.memory_space<vmem>>) target(%dma_start3A_89 : memref<1024xf32, #tpu.memory_space<hbm>>) target_semaphore(%arg10 : memref<!tpu.dma_semaphore, #tpu.memory_space<semaphore_mem>>)
    %dma_wait3A_91 = arith.constant 0 : i32
    %dma_wait3A_92 = tpu.memref_slice %arg7[%dma_wait3A_91] : memref<32768xf32, #tpu.memory_space<vmem>> -> memref<2048xf32, #tpu.memory_space<vmem>>
    %dma_wait3A_93 = arith.constant 0 : i32
    %dma_wait3A_94 = tpu.memref_slice %arg3[%dma_wait3A_93] : memref<16640000xf32, #tpu.memory_space<hbm>> -> memref<2048xf32, #tpu.memory_space<hbm>>
    %dma_wait3A_95 = arith.constant 0 : i32
    %dma_wait3A_96 = tpu.memref_slice %arg7[%dma_wait3A_95] : memref<32768xf32, #tpu.memory_space<vmem>> -> memref<2048xf32, #tpu.memory_space<vmem>>
    %dma_wait3A_97 = arith.constant 0 : i32
    %dma_wait3A_98 = tpu.memref_slice %arg3[%dma_wait3A_97] : memref<16640000xf32, #tpu.memory_space<hbm>> -> memref<2048xf32, #tpu.memory_space<hbm>>
    tpu.wait_dma2 semaphore(%arg9 : memref<!tpu.dma_semaphore, #tpu.memory_space<semaphore_mem>>) src(%dma_wait3A_98 : memref<2048xf32, #tpu.memory_space<hbm>>) dst(%dma_wait3A_96 : memref<2048xf32, #tpu.memory_space<vmem>>)
    %add3A_99 = arith.constant 94 : i32
    %add3A_100 = arith.addi %mul3A_2, %add3A_99 : i32
    %shift_right_logical3A_101 = arith.constant 7 : i32
    %shift_right_logical3A_102 = arith.shrui %add3A_100, %shift_right_logical3A_101 : i32
    %and3A_103 = arith.constant 127 : i32
    %and3A_104 = arith.andi %add3A_100, %and3A_103 : i32
    %and3A_105 = arith.constant 94 : i32
    %and3A_106 = arith.constant 15 : i32
    %and3A_107 = arith.andi %and3A_105, %and3A_106 : i32
    %mul3A_108 = arith.constant 2048 : i32
    %mul3A_109 = arith.muli %and3A_107, %mul3A_108 : i32
    %add3A_110 = arith.constant 0 : i32
    %add3A_111 = arith.addi %mul3A_109, %add3A_110 : i32
    %dma_start3A_112 = arith.constant 0 : i32
    %dma_start3A_113 = tpu.memref_slice %arg7[%add3A_111] : memref<32768xf32, #tpu.memory_space<vmem>> -> memref<1024xf32, #tpu.memory_space<vmem>>
    %dma_start3A_114 = arith.constant 0 : i32
    %dma_start3A_115 = tpu.memref_slice %arg4[%shift_right_logical3A_102, %dma_start3A_112, %and3A_104, %dma_start3A_114] : memref<26x2x128x1024xf32, #tpu.memory_space<hbm>> -> memref<1x1x1x1024xf32, #tpu.memory_space<hbm>>
    %dma_start3A_116 = tpu.memref_squeeze %dma_start3A_115 : memref<1x1x1x1024xf32, #tpu.memory_space<hbm>> -> memref<1024xf32, #tpu.memory_space<hbm>>
    %dma_start3A_117 = arith.constant 0 : i32
    %dma_start3A_118 = tpu.memref_slice %arg4[%shift_right_logical3A_102, %dma_start3A_112, %and3A_104, %dma_start3A_117] : memref<26x2x128x1024xf32, #tpu.memory_space<hbm>> -> memref<1x1x1x1024xf32, #tpu.memory_space<hbm>>
    %dma_start3A_119 = tpu.memref_squeeze %dma_start3A_118 : memref<1x1x1x1024xf32, #tpu.memory_space<hbm>> -> memref<1024xf32, #tpu.memory_space<hbm>>
    %dma_start3A_120 = tpu.memref_slice %arg7[%add3A_111] : memref<32768xf32, #tpu.memory_space<vmem>> -> memref<1024xf32, #tpu.memory_space<vmem>>
    tpu.enqueue_dma source(%dma_start3A_120 : memref<1024xf32, #tpu.memory_space<vmem>>) target(%dma_start3A_119 : memref<1024xf32, #tpu.memory_space<hbm>>) target_semaphore(%arg10 : memref<!tpu.dma_semaphore, #tpu.memory_space<semaphore_mem>>)
    %add3A_121 = arith.constant 1024 : i32
    %add3A_122 = arith.addi %mul3A_109, %add3A_121 : i32
    %dma_start3A_123 = arith.constant 1 : i32
    %dma_start3A_124 = tpu.memref_slice %arg7[%add3A_122] : memref<32768xf32, #tpu.memory_space<vmem>> -> memref<1024xf32, #tpu.memory_space<vmem>>
    %dma_start3A_125 = arith.constant 0 : i32
    %dma_start3A_126 = tpu.memref_slice %arg4[%shift_right_logical3A_102, %dma_start3A_123, %and3A_104, %dma_start3A_125] : memref<26x2x128x1024xf32, #tpu.memory_space<hbm>> -> memref<1x1x1x1024xf32, #tpu.memory_space<hbm>>
    %dma_start3A_127 = tpu.memref_squeeze %dma_start3A_126 : memref<1x1x1x1024xf32, #tpu.memory_space<hbm>> -> memref<1024xf32, #tpu.memory_space<hbm>>
    %dma_start3A_128 = arith.constant 0 : i32
    %dma_start3A_129 = tpu.memref_slice %arg4[%shift_right_logical3A_102, %dma_start3A_123, %and3A_104, %dma_start3A_128] : memref<26x2x128x1024xf32, #tpu.memory_space<hbm>> -> memref<1x1x1x1024xf32, #tpu.memory_space<hbm>>
    %dma_start3A_130 = tpu.memref_squeeze %dma_start3A_129 : memref<1x1x1x1024xf32, #tpu.memory_space<hbm>> -> memref<1024xf32, #tpu.memory_space<hbm>>
    %dma_start3A_131 = tpu.memref_slice %arg7[%add3A_122] : memref<32768xf32, #tpu.memory_space<vmem>> -> memref<1024xf32, #tpu.memory_space<vmem>>
    tpu.enqueue_dma source(%dma_start3A_131 : memref<1024xf32, #tpu.memory_space<vmem>>) target(%dma_start3A_130 : memref<1024xf32, #tpu.memory_space<hbm>>) target_semaphore(%arg10 : memref<!tpu.dma_semaphore, #tpu.memory_space<semaphore_mem>>)
    %dma_wait3A_132 = arith.constant 0 : i32
    %dma_wait3A_133 = tpu.memref_slice %arg7[%dma_wait3A_132] : memref<32768xf32, #tpu.memory_space<vmem>> -> memref<2048xf32, #tpu.memory_space<vmem>>
    %dma_wait3A_134 = arith.constant 0 : i32
    %dma_wait3A_135 = tpu.memref_slice %arg3[%dma_wait3A_134] : memref<16640000xf32, #tpu.memory_space<hbm>> -> memref<2048xf32, #tpu.memory_space<hbm>>
    %dma_wait3A_136 = arith.constant 0 : i32
    %dma_wait3A_137 = tpu.memref_slice %arg7[%dma_wait3A_136] : memref<32768xf32, #tpu.memory_space<vmem>> -> memref<2048xf32, #tpu.memory_space<vmem>>
    %dma_wait3A_138 = arith.constant 0 : i32
    %dma_wait3A_139 = tpu.memref_slice %arg3[%dma_wait3A_138] : memref<16640000xf32, #tpu.memory_space<hbm>> -> memref<2048xf32, #tpu.memory_space<hbm>>
    tpu.wait_dma2 semaphore(%arg9 : memref<!tpu.dma_semaphore, #tpu.memory_space<semaphore_mem>>) src(%dma_wait3A_139 : memref<2048xf32, #tpu.memory_space<hbm>>) dst(%dma_wait3A_137 : memref<2048xf32, #tpu.memory_space<vmem>>)
    %add3A_140 = arith.constant 95 : i32
    %add3A_141 = arith.addi %mul3A_2, %add3A_140 : i32
    %shift_right_logical3A_142 = arith.constant 7 : i32
    %shift_right_logical3A_143 = arith.shrui %add3A_141, %shift_right_logical3A_142 : i32
    %and3A_144 = arith.constant 127 : i32
    %and3A_145 = arith.andi %add3A_141, %and3A_144 : i32
    %and3A_146 = arith.constant 95 : i32
    %and3A_147 = arith.constant 15 : i32
    %and3A_148 = arith.andi %and3A_146, %and3A_147 : i32
    %mul3A_149 = arith.constant 2048 : i32
    %mul3A_150 = arith.muli %and3A_148, %mul3A_149 : i32
    %add3A_151 = arith.constant 0 : i32
    %add3A_152 = arith.addi %mul3A_150, %add3A_151 : i32
    %dma_start3A_153 = arith.constant 0 : i32
    %dma_start3A_154 = tpu.memref_slice %arg7[%add3A_152] : memref<32768xf32, #tpu.memory_space<vmem>> -> memref<1024xf32, #tpu.memory_space<vmem>>
    %dma_start3A_155 = arith.constant 0 : i32
    %dma_start3A_156 = tpu.memref_slice %arg4[%shift_right_logical3A_143, %dma_start3A_153, %and3A_145, %dma_start3A_155] : memref<26x2x128x1024xf32, #tpu.memory_space<hbm>> -> memref<1x1x1x1024xf32, #tpu.memory_space<hbm>>
    %dma_start3A_157 = tpu.memref_squeeze %dma_start3A_156 : memref<1x1x1x1024xf32, #tpu.memory_space<hbm>> -> memref<1024xf32, #tpu.memory_space<hbm>>
    %dma_start3A_158 = arith.constant 0 : i32
    %dma_start3A_159 = tpu.memref_slice %arg4[%shift_right_logical3A_143, %dma_start3A_153, %and3A_145, %dma_start3A_158] : memref<26x2x128x1024xf32, #tpu.memory_space<hbm>> -> memref<1x1x1x1024xf32, #tpu.memory_space<hbm>>
    %dma_start3A_160 = tpu.memref_squeeze %dma_start3A_159 : memref<1x1x1x1024xf32, #tpu.memory_space<hbm>> -> memref<1024xf32, #tpu.memory_space<hbm>>
    %dma_start3A_161 = tpu.memref_slice %arg7[%add3A_152] : memref<32768xf32, #tpu.memory_space<vmem>> -> memref<1024xf32, #tpu.memory_space<vmem>>
    tpu.enqueue_dma source(%dma_start3A_161 : memref<1024xf32, #tpu.memory_space<vmem>>) target(%dma_start3A_160 : memref<1024xf32, #tpu.memory_space<hbm>>) target_semaphore(%arg10 : memref<!tpu.dma_semaphore, #tpu.memory_space<semaphore_mem>>)
    %add3A_162 = arith.constant 1024 : i32
    %add3A_163 = arith.addi %mul3A_150, %add3A_162 : i32
    %dma_start3A_164 = arith.constant 1 : i32
    %dma_start3A_165 = tpu.memref_slice %arg7[%add3A_163] : memref<32768xf32, #tpu.memory_space<vmem>> -> memref<1024xf32, #tpu.memory_space<vmem>>
    %dma_start3A_166 = arith.constant 0 : i32
    %dma_start3A_167 = tpu.memref_slice %arg4[%shift_right_logical3A_143, %dma_start3A_164, %and3A_145, %dma_start3A_166] : memref<26x2x128x1024xf32, #tpu.memory_space<hbm>> -> memref<1x1x1x1024xf32, #tpu.memory_space<hbm>>
    %dma_start3A_168 = tpu.memref_squeeze %dma_start3A_167 : memref<1x1x1x1024xf32, #tpu.memory_space<hbm>> -> memref<1024xf32, #tpu.memory_space<hbm>>
    %dma_start3A_169 = arith.constant 0 : i32
    %dma_start3A_170 = tpu.memref_slice %arg4[%shift_right_logical3A_143, %dma_start3A_164, %and3A_145, %dma_start3A_169] : memref<26x2x128x1024xf32, #tpu.memory_space<hbm>> -> memref<1x1x1x1024xf32, #tpu.memory_space<hbm>>
    %dma_start3A_171 = tpu.memref_squeeze %dma_start3A_170 : memref<1x1x1x1024xf32, #tpu.memory_space<hbm>> -> memref<1024xf32, #tpu.memory_space<hbm>>
    %dma_start3A_172 = tpu.memref_slice %arg7[%add3A_163] : memref<32768xf32, #tpu.memory_space<vmem>> -> memref<1024xf32, #tpu.memory_space<vmem>>
    tpu.enqueue_dma source(%dma_start3A_172 : memref<1024xf32, #tpu.memory_space<vmem>>) target(%dma_start3A_171 : memref<1024xf32, #tpu.memory_space<hbm>>) target_semaphore(%arg10 : memref<!tpu.dma_semaphore, #tpu.memory_space<semaphore_mem>>)
    %dma_wait3A_173 = arith.constant 0 : i32
    %dma_wait3A_174 = tpu.memref_slice %arg7[%dma_wait3A_173] : memref<32768xf32, #tpu.memory_space<vmem>> -> memref<2048xf32, #tpu.memory_space<vmem>>
    %dma_wait3A_175 = arith.constant 0 : i32
    %dma_wait3A_176 = tpu.memref_slice %arg3[%dma_wait3A_175] : memref<16640000xf32, #tpu.memory_space<hbm>> -> memref<2048xf32, #tpu.memory_space<hbm>>
    %dma_wait3A_177 = arith.constant 0 : i32
    %dma_wait3A_178 = tpu.memref_slice %arg7[%dma_wait3A_177] : memref<32768xf32, #tpu.memory_space<vmem>> -> memref<2048xf32, #tpu.memory_space<vmem>>
    %dma_wait3A_179 = arith.constant 0 : i32
    %dma_wait3A_180 = tpu.memref_slice %arg3[%dma_wait3A_179] : memref<16640000xf32, #tpu.memory_space<hbm>> -> memref<2048xf32, #tpu.memory_space<hbm>>
    tpu.wait_dma2 semaphore(%arg9 : memref<!tpu.dma_semaphore, #tpu.memory_space<semaphore_mem>>) src(%dma_wait3A_180 : memref<2048xf32, #tpu.memory_space<hbm>>) dst(%dma_wait3A_178 : memref<2048xf32, #tpu.memory_space<vmem>>)
    %add3A_181 = arith.constant 96 : i32
    %add3A_182 = arith.addi %mul3A_2, %add3A_181 : i32
    %shift_right_logical3A_183 = arith.constant 7 : i32
    %shift_right_logical3A_184 = arith.shrui %add3A_182, %shift_right_logical3A_183 : i32
    %and3A_185 = arith.constant 127 : i32
    %and3A_186 = arith.andi %add3A_182, %and3A_185 : i32
    %and3A_187 = arith.constant 96 : i32
    %and3A_188 = arith.constant 15 : i32
    %and3A_189 = arith.andi %and3A_187, %and3A_188 : i32
    %mul3A_190 = arith.constant 2048 : i32
    %mul3A_191 = arith.muli %and3A_189, %mul3A_190 : i32
    %add3A_192 = arith.constant 0 : i32
    %add3A_193 = arith.addi %mul3A_191, %add3A_192 : i32
    %dma_start3A_194 = arith.constant 0 : i32
    %dma_start3A_195 = tpu.memref_slice %arg7[%add3A_193] : memref<32768xf32, #tpu.memory_space<vmem>> -> memref<1024xf32, #tpu.memory_space<vmem>>
    %dma_start3A_196 = arith.constant 0 : i32
    %dma_start3A_197 = tpu.memref_slice %arg4[%shift_right_logical3A_184, %dma_start3A_194, %and3A_186, %dma_start3A_196] : memref<26x2x128x1024xf32, #tpu.memory_space<hbm>> -> memref<1x1x1x1024xf32, #tpu.memory_space<hbm>>
    %dma_start3A_198 = tpu.memref_squeeze %dma_start3A_197 : memref<1x1x1x1024xf32, #tpu.memory_space<hbm>> -> memref<1024xf32, #tpu.memory_space<hbm>>
    %dma_start3A_199 = arith.constant 0 : i32
    %dma_start3A_200 = tpu.memref_slice %arg4[%shift_right_logical3A_184, %dma_start3A_194, %and3A_186, %dma_start3A_199] : memref<26x2x128x1024xf32, #tpu.memory_space<hbm>> -> memref<1x1x1x1024xf32, #tpu.memory_space<hbm>>
    %dma_start3A_201 = tpu.memref_squeeze %dma_start3A_200 : memref<1x1x1x1024xf32, #tpu.memory_space<hbm>> -> memref<1024xf32, #tpu.memory_space<hbm>>
    %dma_start3A_202 = tpu.memref_slice %arg7[%add3A_193] : memref<32768xf32, #tpu.memory_space<vmem>> -> memref<1024xf32, #tpu.memory_space<vmem>>
    tpu.enqueue_dma source(%dma_start3A_202 : memref<1024xf32, #tpu.memory_space<vmem>>) target(%dma_start3A_201 : memref<1024xf32, #tpu.memory_space<hbm>>) target_semaphore(%arg10 : memref<!tpu.dma_semaphore, #tpu.memory_space<semaphore_mem>>)
    %add3A_203 = arith.constant 1024 : i32
    %add3A_204 = arith.addi %mul3A_191, %add3A_203 : i32
    %dma_start3A_205 = arith.constant 1 : i32
    %dma_start3A_206 = tpu.memref_slice %arg7[%add3A_204] : memref<32768xf32, #tpu.memory_space<vmem>> -> memref<1024xf32, #tpu.memory_space<vmem>>
    %dma_start3A_207 = arith.constant 0 : i32
    %dma_start3A_208 = tpu.memref_slice %arg4[%shift_right_logical3A_184, %dma_start3A_205, %and3A_186, %dma_start3A_207] : memref<26x2x128x1024xf32, #tpu.memory_space<hbm>> -> memref<1x1x1x1024xf32, #tpu.memory_space<hbm>>
    %dma_start3A_209 = tpu.memref_squeeze %dma_start3A_208 : memref<1x1x1x1024xf32, #tpu.memory_space<hbm>> -> memref<1024xf32, #tpu.memory_space<hbm>>
    %dma_start3A_210 = arith.constant 0 : i32
    %dma_start3A_211 = tpu.memref_slice %arg4[%shift_right_logical3A_184, %dma_start3A_205, %and3A_186, %dma_start3A_210] : memref<26x2x128x1024xf32, #tpu.memory_space<hbm>> -> memref<1x1x1x1024xf32, #tpu.memory_space<hbm>>
    %dma_start3A_212 = tpu.memref_squeeze %dma_start3A_211 : memref<1x1x1x1024xf32, #tpu.memory_space<hbm>> -> memref<1024xf32, #tpu.memory_space<hbm>>
    %dma_start3A_213 = tpu.memref_slice %arg7[%add3A_204] : memref<32768xf32, #tpu.memory_space<vmem>> -> memref<1024xf32, #tpu.memory_space<vmem>>
    tpu.enqueue_dma source(%dma_start3A_213 : memref<1024xf32, #tpu.memory_space<vmem>>) target(%dma_start3A_212 : memref<1024xf32, #tpu.memory_space<hbm>>) target_semaphore(%arg10 : memref<!tpu.dma_semaphore, #tpu.memory_space<semaphore_mem>>)
    %dma_wait3A_214 = arith.constant 0 : i32
    %dma_wait3A_215 = tpu.memref_slice %arg7[%dma_wait3A_214] : memref<32768xf32, #tpu.memory_space<vmem>> -> memref<2048xf32, #tpu.memory_space<vmem>>
    %dma_wait3A_216 = arith.constant 0 : i32
    %dma_wait3A_217 = tpu.memref_slice %arg3[%dma_wait3A_216] : memref<16640000xf32, #tpu.memory_space<hbm>> -> memref<2048xf32, #tpu.memory_space<hbm>>
    %dma_wait3A_218 = arith.constant 0 : i32
    %dma_wait3A_219 = tpu.memref_slice %arg7[%dma_wait3A_218] : memref<32768xf32, #tpu.memory_space<vmem>> -> memref<2048xf32, #tpu.memory_space<vmem>>
    %dma_wait3A_220 = arith.constant 0 : i32
    %dma_wait3A_221 = tpu.memref_slice %arg3[%dma_wait3A_220] : memref<16640000xf32, #tpu.memory_space<hbm>> -> memref<2048xf32, #tpu.memory_space<hbm>>
    tpu.wait_dma2 semaphore(%arg9 : memref<!tpu.dma_semaphore, #tpu.memory_space<semaphore_mem>>) src(%dma_wait3A_221 : memref<2048xf32, #tpu.memory_space<hbm>>) dst(%dma_wait3A_219 : memref<2048xf32, #tpu.memory_space<vmem>>)
    %add3A_222 = arith.constant 97 : i32
    %add3A_223 = arith.addi %mul3A_2, %add3A_222 : i32
    %shift_right_logical3A_224 = arith.constant 7 : i32
    %shift_right_logical3A_225 = arith.shrui %add3A_223, %shift_right_logical3A_224 : i32
    %and3A_226 = arith.constant 127 : i32
    %and3A_227 = arith.andi %add3A_223, %and3A_226 : i32
    %and3A_228 = arith.constant 97 : i32
    %and3A_229 = arith.constant 15 : i32
    %and3A_230 = arith.andi %and3A_228, %and3A_229 : i32
    %mul3A_231 = arith.constant 2048 : i32
    %mul3A_232 = arith.muli %and3A_230, %mul3A_231 : i32
    %add3A_233 = arith.constant 0 : i32
    %add3A_234 = arith.addi %mul3A_232, %add3A_233 : i32
    %dma_start3A_235 = arith.constant 0 : i32
    %dma_start3A_236 = tpu.memref_slice %arg7[%add3A_234] : memref<32768xf32, #tpu.memory_space<vmem>> -> memref<1024xf32, #tpu.memory_space<vmem>>
    %dma_start3A_237 = arith.constant 0 : i32
    %dma_start3A_238 = tpu.memref_slice %arg4[%shift_right_logical3A_225, %dma_start3A_235, %and3A_227, %dma_start3A_237] : memref<26x2x128x1024xf32, #tpu.memory_space<hbm>> -> memref<1x1x1x1024xf32, #tpu.memory_space<hbm>>
    %dma_start3A_239 = tpu.memref_squeeze %dma_start3A_238 : memref<1x1x1x1024xf32, #tpu.memory_space<hbm>> -> memref<1024xf32, #tpu.memory_space<hbm>>
    %dma_start3A_240 = arith.constant 0 : i32
    %dma_start3A_241 = tpu.memref_slice %arg4[%shift_right_logical3A_225, %dma_start3A_235, %and3A_227, %dma_start3A_240] : memref<26x2x128x1024xf32, #tpu.memory_space<hbm>> -> memref<1x1x1x1024xf32, #tpu.memory_space<hbm>>
    %dma_start3A_242 = tpu.memref_squeeze %dma_start3A_241 : memref<1x1x1x1024xf32, #tpu.memory_space<hbm>> -> memref<1024xf32, #tpu.memory_space<hbm>>
    %dma_start3A_243 = tpu.memref_slice %arg7[%add3A_234] : memref<32768xf32, #tpu.memory_space<vmem>> -> memref<1024xf32, #tpu.memory_space<vmem>>
    tpu.enqueue_dma source(%dma_start3A_243 : memref<1024xf32, #tpu.memory_space<vmem>>) target(%dma_start3A_242 : memref<1024xf32, #tpu.memory_space<hbm>>) target_semaphore(%arg10 : memref<!tpu.dma_semaphore, #tpu.memory_space<semaphore_mem>>)
    %add3A_244 = arith.constant 1024 : i32
    %add3A_245 = arith.addi %mul3A_232, %add3A_244 : i32
    %dma_start3A_246 = arith.constant 1 : i32
    %dma_start3A_247 = tpu.memref_slice %arg7[%add3A_245] : memref<32768xf32, #tpu.memory_space<vmem>> -> memref<1024xf32, #tpu.memory_space<vmem>>
    %dma_start3A_248 = arith.constant 0 : i32
    %dma_start3A_249 = tpu.memref_slice %arg4[%shift_right_logical3A_225, %dma_start3A_246, %and3A_227, %dma_start3A_248] : memref<26x2x128x1024xf32, #tpu.memory_space<hbm>> -> memref<1x1x1x1024xf32, #tpu.memory_space<hbm>>
    %dma_start3A_250 = tpu.memref_squeeze %dma_start3A_249 : memref<1x1x1x1024xf32, #tpu.memory_space<hbm>> -> memref<1024xf32, #tpu.memory_space<hbm>>
    %dma_start3A_251 = arith.constant 0 : i32
    %dma_start3A_252 = tpu.memref_slice %arg4[%shift_right_logical3A_225, %dma_start3A_246, %and3A_227, %dma_start3A_251] : memref<26x2x128x1024xf32, #tpu.memory_space<hbm>> -> memref<1x1x1x1024xf32, #tpu.memory_space<hbm>>
    %dma_start3A_253 = tpu.memref_squeeze %dma_start3A_252 : memref<1x1x1x1024xf32, #tpu.memory_space<hbm>> -> memref<1024xf32, #tpu.memory_space<hbm>>
    %dma_start3A_254 = tpu.memref_slice %arg7[%add3A_245] : memref<32768xf32, #tpu.memory_space<vmem>> -> memref<1024xf32, #tpu.memory_space<vmem>>
    tpu.enqueue_dma source(%dma_start3A_254 : memref<1024xf32, #tpu.memory_space<vmem>>) target(%dma_start3A_253 : memref<1024xf32, #tpu.memory_space<hbm>>) target_semaphore(%arg10 : memref<!tpu.dma_semaphore, #tpu.memory_space<semaphore_mem>>)
    %dma_wait3A_255 = arith.constant 0 : i32
    %dma_wait3A_256 = tpu.memref_slice %arg7[%dma_wait3A_255] : memref<32768xf32, #tpu.memory_space<vmem>> -> memref<2048xf32, #tpu.memory_space<vmem>>
    %dma_wait3A_257 = arith.constant 0 : i32
    %dma_wait3A_258 = tpu.memref_slice %arg3[%dma_wait3A_257] : memref<16640000xf32, #tpu.memory_space<hbm>> -> memref<2048xf32, #tpu.memory_space<hbm>>
    %dma_wait3A_259 = arith.constant 0 : i32
    %dma_wait3A_260 = tpu.memref_slice %arg7[%dma_wait3A_259] : memref<32768xf32, #tpu.memory_space<vmem>> -> memref<2048xf32, #tpu.memory_space<vmem>>
    %dma_wait3A_261 = arith.constant 0 : i32
    %dma_wait3A_262 = tpu.memref_slice %arg3[%dma_wait3A_261] : memref<16640000xf32, #tpu.memory_space<hbm>> -> memref<2048xf32, #tpu.memory_space<hbm>>
    tpu.wait_dma2 semaphore(%arg9 : memref<!tpu.dma_semaphore, #tpu.memory_space<semaphore_mem>>) src(%dma_wait3A_262 : memref<2048xf32, #tpu.memory_space<hbm>>) dst(%dma_wait3A_260 : memref<2048xf32, #tpu.memory_space<vmem>>)
    %add3A_263 = arith.constant 98 : i32
    %add3A_264 = arith.addi %mul3A_2, %add3A_263 : i32
    %shift_right_logical3A_265 = arith.constant 7 : i32
    %shift_right_logical3A_266 = arith.shrui %add3A_264, %shift_right_logical3A_265 : i32
    %and3A_267 = arith.constant 127 : i32
    %and3A_268 = arith.andi %add3A_264, %and3A_267 : i32
    %and3A_269 = arith.constant 98 : i32
    %and3A_270 = arith.constant 15 : i32
    %and3A_271 = arith.andi %and3A_269, %and3A_270 : i32
    %mul3A_272 = arith.constant 2048 : i32
    %mul3A_273 = arith.muli %and3A_271, %mul3A_272 : i32
    %add3A_274 = arith.constant 0 : i32
    %add3A_275 = arith.addi %mul3A_273, %add3A_274 : i32
    %dma_start3A_276 = arith.constant 0 : i32
    %dma_start3A_277 = tpu.memref_slice %arg7[%add3A_275] : memref<32768xf32, #tpu.memory_space<vmem>> -> memref<1024xf32, #tpu.memory_space<vmem>>
    %dma_start3A_278 = arith.constant 0 : i32
    %dma_start3A_279 = tpu.memref_slice %arg4[%shift_right_logical3A_266, %dma_start3A_276, %and3A_268, %dma_start3A_278] : memref<26x2x128x1024xf32, #tpu.memory_space<hbm>> -> memref<1x1x1x1024xf32, #tpu.memory_space<hbm>>
    %dma_start3A_280 = tpu.memref_squeeze %dma_start3A_279 : memref<1x1x1x1024xf32, #tpu.memory_space<hbm>> -> memref<1024xf32, #tpu.memory_space<hbm>>
    %dma_start3A_281 = arith.constant 0 : i32
    %dma_start3A_282 = tpu.memref_slice %arg4[%shift_right_logical3A_266, %dma_start3A_276, %and3A_268, %dma_start3A_281] : memref<26x2x128x1024xf32, #tpu.memory_space<hbm>> -> memref<1x1x1x1024xf32, #tpu.memory_space<hbm>>
    %dma_start3A_283 = tpu.memref_squeeze %dma_start3A_282 : memref<1x1x1x1024xf32, #tpu.memory_space<hbm>> -> memref<1024xf32, #tpu.memory_space<hbm>>
    %dma_start3A_284 = tpu.memref_slice %arg7[%add3A_275] : memref<32768xf32, #tpu.memory_space<vmem>> -> memref<1024xf32, #tpu.memory_space<vmem>>
    tpu.enqueue_dma source(%dma_start3A_284 : memref<1024xf32, #tpu.memory_space<vmem>>) target(%dma_start3A_283 : memref<1024xf32, #tpu.memory_space<hbm>>) target_semaphore(%arg10 : memref<!tpu.dma_semaphore, #tpu.memory_space<semaphore_mem>>)
    %add3A_285 = arith.constant 1024 : i32
    %add3A_286 = arith.addi %mul3A_273, %add3A_285 : i32
    %dma_start3A_287 = arith.constant 1 : i32
    %dma_start3A_288 = tpu.memref_slice %arg7[%add3A_286] : memref<32768xf32, #tpu.memory_space<vmem>> -> memref<1024xf32, #tpu.memory_space<vmem>>
    %dma_start3A_289 = arith.constant 0 : i32
    %dma_start3A_290 = tpu.memref_slice %arg4[%shift_right_logical3A_266, %dma_start3A_287, %and3A_268, %dma_start3A_289] : memref<26x2x128x1024xf32, #tpu.memory_space<hbm>> -> memref<1x1x1x1024xf32, #tpu.memory_space<hbm>>
    %dma_start3A_291 = tpu.memref_squeeze %dma_start3A_290 : memref<1x1x1x1024xf32, #tpu.memory_space<hbm>> -> memref<1024xf32, #tpu.memory_space<hbm>>
    %dma_start3A_292 = arith.constant 0 : i32
    %dma_start3A_293 = tpu.memref_slice %arg4[%shift_right_logical3A_266, %dma_start3A_287, %and3A_268, %dma_start3A_292] : memref<26x2x128x1024xf32, #tpu.memory_space<hbm>> -> memref<1x1x1x1024xf32, #tpu.memory_space<hbm>>
    %dma_start3A_294 = tpu.memref_squeeze %dma_start3A_293 : memref<1x1x1x1024xf32, #tpu.memory_space<hbm>> -> memref<1024xf32, #tpu.memory_space<hbm>>
    %dma_start3A_295 = tpu.memref_slice %arg7[%add3A_286] : memref<32768xf32, #tpu.memory_space<vmem>> -> memref<1024xf32, #tpu.memory_space<vmem>>
    tpu.enqueue_dma source(%dma_start3A_295 : memref<1024xf32, #tpu.memory_space<vmem>>) target(%dma_start3A_294 : memref<1024xf32, #tpu.memory_space<hbm>>) target_semaphore(%arg10 : memref<!tpu.dma_semaphore, #tpu.memory_space<semaphore_mem>>)
    %dma_wait3A_296 = arith.constant 0 : i32
    %dma_wait3A_297 = tpu.memref_slice %arg7[%dma_wait3A_296] : memref<32768xf32, #tpu.memory_space<vmem>> -> memref<2048xf32, #tpu.memory_space<vmem>>
    %dma_wait3A_298 = arith.constant 0 : i32
    %dma_wait3A_299 = tpu.memref_slice %arg3[%dma_wait3A_298] : memref<16640000xf32, #tpu.memory_space<hbm>> -> memref<2048xf32, #tpu.memory_space<hbm>>
    %dma_wait3A_300 = arith.constant 0 : i32
    %dma_wait3A_301 = tpu.memref_slice %arg7[%dma_wait3A_300] : memref<32768xf32, #tpu.memory_space<vmem>> -> memref<2048xf32, #tpu.memory_space<vmem>>
    %dma_wait3A_302 = arith.constant 0 : i32
    %dma_wait3A_303 = tpu.memref_slice %arg3[%dma_wait3A_302] : memref<16640000xf32, #tpu.memory_space<hbm>> -> memref<2048xf32, #tpu.memory_space<hbm>>
    tpu.wait_dma2 semaphore(%arg9 : memref<!tpu.dma_semaphore, #tpu.memory_space<semaphore_mem>>) src(%dma_wait3A_303 : memref<2048xf32, #tpu.memory_space<hbm>>) dst(%dma_wait3A_301 : memref<2048xf32, #tpu.memory_space<vmem>>)
    %add3A_304 = arith.constant 99 : i32
    %add3A_305 = arith.addi %mul3A_2, %add3A_304 : i32
    %shift_right_logical3A_306 = arith.constant 7 : i32
    %shift_right_logical3A_307 = arith.shrui %add3A_305, %shift_right_logical3A_306 : i32
    %and3A_308 = arith.constant 127 : i32
    %and3A_309 = arith.andi %add3A_305, %and3A_308 : i32
    %and3A_310 = arith.constant 99 : i32
    %and3A_311 = arith.constant 15 : i32
    %and3A_312 = arith.andi %and3A_310, %and3A_311 : i32
    %mul3A_313 = arith.constant 2048 : i32
    %mul3A_314 = arith.muli %and3A_312, %mul3A_313 : i32
    %add3A_315 = arith.constant 0 : i32
    %add3A_316 = arith.addi %mul3A_314, %add3A_315 : i32
    %dma_start3A_317 = arith.constant 0 : i32
    %dma_start3A_318 = tpu.memref_slice %arg7[%add3A_316] : memref<32768xf32, #tpu.memory_space<vmem>> -> memref<1024xf32, #tpu.memory_space<vmem>>
    %dma_start3A_319 = arith.constant 0 : i32
    %dma_start3A_320 = tpu.memref_slice %arg4[%shift_right_logical3A_307, %dma_start3A_317, %and3A_309, %dma_start3A_319] : memref<26x2x128x1024xf32, #tpu.memory_space<hbm>> -> memref<1x1x1x1024xf32, #tpu.memory_space<hbm>>
    %dma_start3A_321 = tpu.memref_squeeze %dma_start3A_320 : memref<1x1x1x1024xf32, #tpu.memory_space<hbm>> -> memref<1024xf32, #tpu.memory_space<hbm>>
    %dma_start3A_322 = arith.constant 0 : i32
    %dma_start3A_323 = tpu.memref_slice %arg4[%shift_right_logical3A_307, %dma_start3A_317, %and3A_309, %dma_start3A_322] : memref<26x2x128x1024xf32, #tpu.memory_space<hbm>> -> memref<1x1x1x1024xf32, #tpu.memory_space<hbm>>
    %dma_start3A_324 = tpu.memref_squeeze %dma_start3A_323 : memref<1x1x1x1024xf32, #tpu.memory_space<hbm>> -> memref<1024xf32, #tpu.memory_space<hbm>>
    %dma_start3A_325 = tpu.memref_slice %arg7[%add3A_316] : memref<32768xf32, #tpu.memory_space<vmem>> -> memref<1024xf32, #tpu.memory_space<vmem>>
    tpu.enqueue_dma source(%dma_start3A_325 : memref<1024xf32, #tpu.memory_space<vmem>>) target(%dma_start3A_324 : memref<1024xf32, #tpu.memory_space<hbm>>) target_semaphore(%arg10 : memref<!tpu.dma_semaphore, #tpu.memory_space<semaphore_mem>>)
    %add3A_326 = arith.constant 1024 : i32
    %add3A_327 = arith.addi %mul3A_314, %add3A_326 : i32
    %dma_start3A_328 = arith.constant 1 : i32
    %dma_start3A_329 = tpu.memref_slice %arg7[%add3A_327] : memref<32768xf32, #tpu.memory_space<vmem>> -> memref<1024xf32, #tpu.memory_space<vmem>>
    %dma_start3A_330 = arith.constant 0 : i32
    %dma_start3A_331 = tpu.memref_slice %arg4[%shift_right_logical3A_307, %dma_start3A_328, %and3A_309, %dma_start3A_330] : memref<26x2x128x1024xf32, #tpu.memory_space<hbm>> -> memref<1x1x1x1024xf32, #tpu.memory_space<hbm>>
    %dma_start3A_332 = tpu.memref_squeeze %dma_start3A_331 : memref<1x1x1x1024xf32, #tpu.memory_space<hbm>> -> memref<1024xf32, #tpu.memory_space<hbm>>
    %dma_start3A_333 = arith.constant 0 : i32
    %dma_start3A_334 = tpu.memref_slice %arg4[%shift_right_logical3A_307, %dma_start3A_328, %and3A_309, %dma_start3A_333] : memref<26x2x128x1024xf32, #tpu.memory_space<hbm>> -> memref<1x1x1x1024xf32, #tpu.memory_space<hbm>>
    %dma_start3A_335 = tpu.memref_squeeze %dma_start3A_334 : memref<1x1x1x1024xf32, #tpu.memory_space<hbm>> -> memref<1024xf32, #tpu.memory_space<hbm>>
    %dma_start3A_336 = tpu.memref_slice %arg7[%add3A_327] : memref<32768xf32, #tpu.memory_space<vmem>> -> memref<1024xf32, #tpu.memory_space<vmem>>
    tpu.enqueue_dma source(%dma_start3A_336 : memref<1024xf32, #tpu.memory_space<vmem>>) target(%dma_start3A_335 : memref<1024xf32, #tpu.memory_space<hbm>>) target_semaphore(%arg10 : memref<!tpu.dma_semaphore, #tpu.memory_space<semaphore_mem>>)
    %dma_wait3A_337 = arith.constant 0 : i32
    %dma_wait3A_338 = tpu.memref_slice %arg7[%dma_wait3A_337] : memref<32768xf32, #tpu.memory_space<vmem>> -> memref<2048xf32, #tpu.memory_space<vmem>>
    %dma_wait3A_339 = arith.constant 0 : i32
    %dma_wait3A_340 = tpu.memref_slice %arg3[%dma_wait3A_339] : memref<16640000xf32, #tpu.memory_space<hbm>> -> memref<2048xf32, #tpu.memory_space<hbm>>
    %dma_wait3A_341 = arith.constant 0 : i32
    %dma_wait3A_342 = tpu.memref_slice %arg7[%dma_wait3A_341] : memref<32768xf32, #tpu.memory_space<vmem>> -> memref<2048xf32, #tpu.memory_space<vmem>>
    %dma_wait3A_343 = arith.constant 0 : i32
    %dma_wait3A_344 = tpu.memref_slice %arg3[%dma_wait3A_343] : memref<16640000xf32, #tpu.memory_space<hbm>> -> memref<2048xf32, #tpu.memory_space<hbm>>
    tpu.wait_dma2 semaphore(%arg9 : memref<!tpu.dma_semaphore, #tpu.memory_space<semaphore_mem>>) src(%dma_wait3A_344 : memref<2048xf32, #tpu.memory_space<hbm>>) dst(%dma_wait3A_342 : memref<2048xf32, #tpu.memory_space<vmem>>)
    %add3A_345 = arith.constant 100 : i32
    %add3A_346 = arith.addi %mul3A_2, %add3A_345 : i32
    %shift_right_logical3A_347 = arith.constant 7 : i32
    %shift_right_logical3A_348 = arith.shrui %add3A_346, %shift_right_logical3A_347 : i32
    %and3A_349 = arith.constant 127 : i32
    %and3A_350 = arith.andi %add3A_346, %and3A_349 : i32
    %and3A_351 = arith.constant 100 : i32
    %and3A_352 = arith.constant 15 : i32
    %and3A_353 = arith.andi %and3A_351, %and3A_352 : i32
    %mul3A_354 = arith.constant 2048 : i32
    %mul3A_355 = arith.muli %and3A_353, %mul3A_354 : i32
    %add3A_356 = arith.constant 0 : i32
    %add3A_357 = arith.addi %mul3A_355, %add3A_356 : i32
    %dma_start3A_358 = arith.constant 0 : i32
    %dma_start3A_359 = tpu.memref_slice %arg7[%add3A_357] : memref<32768xf32, #tpu.memory_space<vmem>> -> memref<1024xf32, #tpu.memory_space<vmem>>
    %dma_start3A_360 = arith.constant 0 : i32
    %dma_start3A_361 = tpu.memref_slice %arg4[%shift_right_logical3A_348, %dma_start3A_358, %and3A_350, %dma_start3A_360] : memref<26x2x128x1024xf32, #tpu.memory_space<hbm>> -> memref<1x1x1x1024xf32, #tpu.memory_space<hbm>>
    %dma_start3A_362 = tpu.memref_squeeze %dma_start3A_361 : memref<1x1x1x1024xf32, #tpu.memory_space<hbm>> -> memref<1024xf32, #tpu.memory_space<hbm>>
    %dma_start3A_363 = arith.constant 0 : i32
    %dma_start3A_364 = tpu.memref_slice %arg4[%shift_right_logical3A_348, %dma_start3A_358, %and3A_350, %dma_start3A_363] : memref<26x2x128x1024xf32, #tpu.memory_space<hbm>> -> memref<1x1x1x1024xf32, #tpu.memory_space<hbm>>
    %dma_start3A_365 = tpu.memref_squeeze %dma_start3A_364 : memref<1x1x1x1024xf32, #tpu.memory_space<hbm>> -> memref<1024xf32, #tpu.memory_space<hbm>>
    %dma_start3A_366 = tpu.memref_slice %arg7[%add3A_357] : memref<32768xf32, #tpu.memory_space<vmem>> -> memref<1024xf32, #tpu.memory_space<vmem>>
    tpu.enqueue_dma source(%dma_start3A_366 : memref<1024xf32, #tpu.memory_space<vmem>>) target(%dma_start3A_365 : memref<1024xf32, #tpu.memory_space<hbm>>) target_semaphore(%arg10 : memref<!tpu.dma_semaphore, #tpu.memory_space<semaphore_mem>>)
    %add3A_367 = arith.constant 1024 : i32
    %add3A_368 = arith.addi %mul3A_355, %add3A_367 : i32
    %dma_start3A_369 = arith.constant 1 : i32
    %dma_start3A_370 = tpu.memref_slice %arg7[%add3A_368] : memref<32768xf32, #tpu.memory_space<vmem>> -> memref<1024xf32, #tpu.memory_space<vmem>>
    %dma_start3A_371 = arith.constant 0 : i32
    %dma_start3A_372 = tpu.memref_slice %arg4[%shift_right_logical3A_348, %dma_start3A_369, %and3A_350, %dma_start3A_371] : memref<26x2x128x1024xf32, #tpu.memory_space<hbm>> -> memref<1x1x1x1024xf32, #tpu.memory_space<hbm>>
    %dma_start3A_373 = tpu.memref_squeeze %dma_start3A_372 : memref<1x1x1x1024xf32, #tpu.memory_space<hbm>> -> memref<1024xf32, #tpu.memory_space<hbm>>
    %dma_start3A_374 = arith.constant 0 : i32
    %dma_start3A_375 = tpu.memref_slice %arg4[%shift_right_logical3A_348, %dma_start3A_369, %and3A_350, %dma_start3A_374] : memref<26x2x128x1024xf32, #tpu.memory_space<hbm>> -> memref<1x1x1x1024xf32, #tpu.memory_space<hbm>>
    %dma_start3A_376 = tpu.memref_squeeze %dma_start3A_375 : memref<1x1x1x1024xf32, #tpu.memory_space<hbm>> -> memref<1024xf32, #tpu.memory_space<hbm>>
    %dma_start3A_377 = tpu.memref_slice %arg7[%add3A_368] : memref<32768xf32, #tpu.memory_space<vmem>> -> memref<1024xf32, #tpu.memory_space<vmem>>
    tpu.enqueue_dma source(%dma_start3A_377 : memref<1024xf32, #tpu.memory_space<vmem>>) target(%dma_start3A_376 : memref<1024xf32, #tpu.memory_space<hbm>>) target_semaphore(%arg10 : memref<!tpu.dma_semaphore, #tpu.memory_space<semaphore_mem>>)
    %dma_wait3A_378 = arith.constant 0 : i32
    %dma_wait3A_379 = tpu.memref_slice %arg7[%dma_wait3A_378] : memref<32768xf32, #tpu.memory_space<vmem>> -> memref<2048xf32, #tpu.memory_space<vmem>>
    %dma_wait3A_380 = arith.constant 0 : i32
    %dma_wait3A_381 = tpu.memref_slice %arg3[%dma_wait3A_380] : memref<16640000xf32, #tpu.memory_space<hbm>> -> memref<2048xf32, #tpu.memory_space<hbm>>
    %dma_wait3A_382 = arith.constant 0 : i32
    %dma_wait3A_383 = tpu.memref_slice %arg7[%dma_wait3A_382] : memref<32768xf32, #tpu.memory_space<vmem>> -> memref<2048xf32, #tpu.memory_space<vmem>>
    %dma_wait3A_384 = arith.constant 0 : i32
    %dma_wait3A_385 = tpu.memref_slice %arg3[%dma_wait3A_384] : memref<16640000xf32, #tpu.memory_space<hbm>> -> memref<2048xf32, #tpu.memory_space<hbm>>
    tpu.wait_dma2 semaphore(%arg9 : memref<!tpu.dma_semaphore, #tpu.memory_space<semaphore_mem>>) src(%dma_wait3A_385 : memref<2048xf32, #tpu.memory_space<hbm>>) dst(%dma_wait3A_383 : memref<2048xf32, #tpu.memory_space<vmem>>)
    %add3A_386 = arith.constant 101 : i32
    %add3A_387 = arith.addi %mul3A_2, %add3A_386 : i32
    %shift_right_logical3A_388 = arith.constant 7 : i32
    %shift_right_logical3A_389 = arith.shrui %add3A_387, %shift_right_logical3A_388 : i32
    %and3A_390 = arith.constant 127 : i32
    %and3A_391 = arith.andi %add3A_387, %and3A_390 : i32
    %and3A_392 = arith.constant 101 : i32
    %and3A_393 = arith.constant 15 : i32
    %and3A_394 = arith.andi %and3A_392, %and3A_393 : i32
    %mul3A_395 = arith.constant 2048 : i32
    %mul3A_396 = arith.muli %and3A_394, %mul3A_395 : i32
    %add3A_397 = arith.constant 0 : i32
    %add3A_398 = arith.addi %mul3A_396, %add3A_397 : i32
    %dma_start3A_399 = arith.constant 0 : i32
    %dma_start3A_400 = tpu.memref_slice %arg7[%add3A_398] : memref<32768xf32, #tpu.memory_space<vmem>> -> memref<1024xf32, #tpu.memory_space<vmem>>
    %dma_start3A_401 = arith.constant 0 : i32
    %dma_start3A_402 = tpu.memref_slice %arg4[%shift_right_logical3A_389, %dma_start3A_399, %and3A_391, %dma_start3A_401] : memref<26x2x128x1024xf32, #tpu.memory_space<hbm>> -> memref<1x1x1x1024xf32, #tpu.memory_space<hbm>>
    %dma_start3A_403 = tpu.memref_squeeze %dma_start3A_402 : memref<1x1x1x1024xf32, #tpu.memory_space<hbm>> -> memref<1024xf32, #tpu.memory_space<hbm>>
    %dma_start3A_404 = arith.constant 0 : i32
    %dma_start3A_405 = tpu.memref_slice %arg4[%shift_right_logical3A_389, %dma_start3A_399, %and3A_391, %dma_start3A_404] : memref<26x2x128x1024xf32, #tpu.memory_space<hbm>> -> memref<1x1x1x1024xf32, #tpu.memory_space<hbm>>
    %dma_start3A_406 = tpu.memref_squeeze %dma_start3A_405 : memref<1x1x1x1024xf32, #tpu.memory_space<hbm>> -> memref<1024xf32, #tpu.memory_space<hbm>>
    %dma_start3A_407 = tpu.memref_slice %arg7[%add3A_398] : memref<32768xf32, #tpu.memory_space<vmem>> -> memref<1024xf32, #tpu.memory_space<vmem>>
    tpu.enqueue_dma source(%dma_start3A_407 : memref<1024xf32, #tpu.memory_space<vmem>>) target(%dma_start3A_406 : memref<1024xf32, #tpu.memory_space<hbm>>) target_semaphore(%arg10 : memref<!tpu.dma_semaphore, #tpu.memory_space<semaphore_mem>>)
    %add3A_408 = arith.constant 1024 : i32
    %add3A_409 = arith.addi %mul3A_396, %add3A_408 : i32
    %dma_start3A_410 = arith.constant 1 : i32
    %dma_start3A_411 = tpu.memref_slice %arg7[%add3A_409] : memref<32768xf32, #tpu.memory_space<vmem>> -> memref<1024xf32, #tpu.memory_space<vmem>>
    %dma_start3A_412 = arith.constant 0 : i32
    %dma_start3A_413 = tpu.memref_slice %arg4[%shift_right_logical3A_389, %dma_start3A_410, %and3A_391, %dma_start3A_412] : memref<26x2x128x1024xf32, #tpu.memory_space<hbm>> -> memref<1x1x1x1024xf32, #tpu.memory_space<hbm>>
    %dma_start3A_414 = tpu.memref_squeeze %dma_start3A_413 : memref<1x1x1x1024xf32, #tpu.memory_space<hbm>> -> memref<1024xf32, #tpu.memory_space<hbm>>
    %dma_start3A_415 = arith.constant 0 : i32
    %dma_start3A_416 = tpu.memref_slice %arg4[%shift_right_logical3A_389, %dma_start3A_410, %and3A_391, %dma_start3A_415] : memref<26x2x128x1024xf32, #tpu.memory_space<hbm>> -> memref<1x1x1x1024xf32, #tpu.memory_space<hbm>>
    %dma_start3A_417 = tpu.memref_squeeze %dma_start3A_416 : memref<1x1x1x1024xf32, #tpu.memory_space<hbm>> -> memref<1024xf32, #tpu.memory_space<hbm>>
    %dma_start3A_418 = tpu.memref_slice %arg7[%add3A_409] : memref<32768xf32, #tpu.memory_space<vmem>> -> memref<1024xf32, #tpu.memory_space<vmem>>
    tpu.enqueue_dma source(%dma_start3A_418 : memref<1024xf32, #tpu.memory_space<vmem>>) target(%dma_start3A_417 : memref<1024xf32, #tpu.memory_space<hbm>>) target_semaphore(%arg10 : memref<!tpu.dma_semaphore, #tpu.memory_space<semaphore_mem>>)
    %dma_wait3A_419 = arith.constant 0 : i32
    %dma_wait3A_420 = tpu.memref_slice %arg7[%dma_wait3A_419] : memref<32768xf32, #tpu.memory_space<vmem>> -> memref<2048xf32, #tpu.memory_space<vmem>>
    %dma_wait3A_421 = arith.constant 0 : i32
    %dma_wait3A_422 = tpu.memref_slice %arg3[%dma_wait3A_421] : memref<16640000xf32, #tpu.memory_space<hbm>> -> memref<2048xf32, #tpu.memory_space<hbm>>
    %dma_wait3A_423 = arith.constant 0 : i32
    %dma_wait3A_424 = tpu.memref_slice %arg7[%dma_wait3A_423] : memref<32768xf32, #tpu.memory_space<vmem>> -> memref<2048xf32, #tpu.memory_space<vmem>>
    %dma_wait3A_425 = arith.constant 0 : i32
    %dma_wait3A_426 = tpu.memref_slice %arg3[%dma_wait3A_425] : memref<16640000xf32, #tpu.memory_space<hbm>> -> memref<2048xf32, #tpu.memory_space<hbm>>
    tpu.wait_dma2 semaphore(%arg9 : memref<!tpu.dma_semaphore, #tpu.memory_space<semaphore_mem>>) src(%dma_wait3A_426 : memref<2048xf32, #tpu.memory_space<hbm>>) dst(%dma_wait3A_424 : memref<2048xf32, #tpu.memory_space<vmem>>)
    %add3A_427 = arith.constant 102 : i32
    %add3A_428 = arith.addi %mul3A_2, %add3A_427 : i32
    %shift_right_logical3A_429 = arith.constant 7 : i32
    %shift_right_logical3A_430 = arith.shrui %add3A_428, %shift_right_logical3A_429 : i32
    %and3A_431 = arith.constant 127 : i32
    %and3A_432 = arith.andi %add3A_428, %and3A_431 : i32
    %and3A_433 = arith.constant 102 : i32
    %and3A_434 = arith.constant 15 : i32
    %and3A_435 = arith.andi %and3A_433, %and3A_434 : i32
    %mul3A_436 = arith.constant 2048 : i32
    %mul3A_437 = arith.muli %and3A_435, %mul3A_436 : i32
    %add3A_438 = arith.constant 0 : i32
    %add3A_439 = arith.addi %mul3A_437, %add3A_438 : i32
    %dma_start3A_440 = arith.constant 0 : i32
    %dma_start3A_441 = tpu.memref_slice %arg7[%add3A_439] : memref<32768xf32, #tpu.memory_space<vmem>> -> memref<1024xf32, #tpu.memory_space<vmem>>
    %dma_start3A_442 = arith.constant 0 : i32
    %dma_start3A_443 = tpu.memref_slice %arg4[%shift_right_logical3A_430, %dma_start3A_440, %and3A_432, %dma_start3A_442] : memref<26x2x128x1024xf32, #tpu.memory_space<hbm>> -> memref<1x1x1x1024xf32, #tpu.memory_space<hbm>>
    %dma_start3A_444 = tpu.memref_squeeze %dma_start3A_443 : memref<1x1x1x1024xf32, #tpu.memory_space<hbm>> -> memref<1024xf32, #tpu.memory_space<hbm>>
    %dma_start3A_445 = arith.constant 0 : i32
    %dma_start3A_446 = tpu.memref_slice %arg4[%shift_right_logical3A_430, %dma_start3A_440, %and3A_432, %dma_start3A_445] : memref<26x2x128x1024xf32, #tpu.memory_space<hbm>> -> memref<1x1x1x1024xf32, #tpu.memory_space<hbm>>
    %dma_start3A_447 = tpu.memref_squeeze %dma_start3A_446 : memref<1x1x1x1024xf32, #tpu.memory_space<hbm>> -> memref<1024xf32, #tpu.memory_space<hbm>>
    %dma_start3A_448 = tpu.memref_slice %arg7[%add3A_439] : memref<32768xf32, #tpu.memory_space<vmem>> -> memref<1024xf32, #tpu.memory_space<vmem>>
    tpu.enqueue_dma source(%dma_start3A_448 : memref<1024xf32, #tpu.memory_space<vmem>>) target(%dma_start3A_447 : memref<1024xf32, #tpu.memory_space<hbm>>) target_semaphore(%arg10 : memref<!tpu.dma_semaphore, #tpu.memory_space<semaphore_mem>>)
    %add3A_449 = arith.constant 1024 : i32
    %add3A_450 = arith.addi %mul3A_437, %add3A_449 : i32
    %dma_start3A_451 = arith.constant 1 : i32
    %dma_start3A_452 = tpu.memref_slice %arg7[%add3A_450] : memref<32768xf32, #tpu.memory_space<vmem>> -> memref<1024xf32, #tpu.memory_space<vmem>>
    %dma_start3A_453 = arith.constant 0 : i32
    %dma_start3A_454 = tpu.memref_slice %arg4[%shift_right_logical3A_430, %dma_start3A_451, %and3A_432, %dma_start3A_453] : memref<26x2x128x1024xf32, #tpu.memory_space<hbm>> -> memref<1x1x1x1024xf32, #tpu.memory_space<hbm>>
    %dma_start3A_455 = tpu.memref_squeeze %dma_start3A_454 : memref<1x1x1x1024xf32, #tpu.memory_space<hbm>> -> memref<1024xf32, #tpu.memory_space<hbm>>
    %dma_start3A_456 = arith.constant 0 : i32
    %dma_start3A_457 = tpu.memref_slice %arg4[%shift_right_logical3A_430, %dma_start3A_451, %and3A_432, %dma_start3A_456] : memref<26x2x128x1024xf32, #tpu.memory_space<hbm>> -> memref<1x1x1x1024xf32, #tpu.memory_space<hbm>>
    %dma_start3A_458 = tpu.memref_squeeze %dma_start3A_457 : memref<1x1x1x1024xf32, #tpu.memory_space<hbm>> -> memref<1024xf32, #tpu.memory_space<hbm>>
    %dma_start3A_459 = tpu.memref_slice %arg7[%add3A_450] : memref<32768xf32, #tpu.memory_space<vmem>> -> memref<1024xf32, #tpu.memory_space<vmem>>
    tpu.enqueue_dma source(%dma_start3A_459 : memref<1024xf32, #tpu.memory_space<vmem>>) target(%dma_start3A_458 : memref<1024xf32, #tpu.memory_space<hbm>>) target_semaphore(%arg10 : memref<!tpu.dma_semaphore, #tpu.memory_space<semaphore_mem>>)
    %dma_wait3A_460 = arith.constant 0 : i32
    %dma_wait3A_461 = tpu.memref_slice %arg7[%dma_wait3A_460] : memref<32768xf32, #tpu.memory_space<vmem>> -> memref<2048xf32, #tpu.memory_space<vmem>>
    %dma_wait3A_462 = arith.constant 0 : i32
    %dma_wait3A_463 = tpu.memref_slice %arg3[%dma_wait3A_462] : memref<16640000xf32, #tpu.memory_space<hbm>> -> memref<2048xf32, #tpu.memory_space<hbm>>
    %dma_wait3A_464 = arith.constant 0 : i32
    %dma_wait3A_465 = tpu.memref_slice %arg7[%dma_wait3A_464] : memref<32768xf32, #tpu.memory_space<vmem>> -> memref<2048xf32, #tpu.memory_space<vmem>>
    %dma_wait3A_466 = arith.constant 0 : i32
    %dma_wait3A_467 = tpu.memref_slice %arg3[%dma_wait3A_466] : memref<16640000xf32, #tpu.memory_space<hbm>> -> memref<2048xf32, #tpu.memory_space<hbm>>
    tpu.wait_dma2 semaphore(%arg9 : memref<!tpu.dma_semaphore, #tpu.memory_space<semaphore_mem>>) src(%dma_wait3A_467 : memref<2048xf32, #tpu.memory_space<hbm>>) dst(%dma_wait3A_465 : memref<2048xf32, #tpu.memory_space<vmem>>)
    %add3A_468 = arith.constant 103 : i32
    %add3A_469 = arith.addi %mul3A_2, %add3A_468 : i32
    %shift_right_logical3A_470 = arith.constant 7 : i32
    %shift_right_logical3A_471 = arith.shrui %add3A_469, %shift_right_logical3A_470 : i32
    %and3A_472 = arith.constant 127 : i32
    %and3A_473 = arith.andi %add3A_469, %and3A_472 : i32
    %and3A_474 = arith.constant 103 : i32
    %and3A_475 = arith.constant 15 : i32
    %and3A_476 = arith.andi %and3A_474, %and3A_475 : i32
    %mul3A_477 = arith.constant 2048 : i32
    %mul3A_478 = arith.muli %and3A_476, %mul3A_477 : i32
    %add3A_479 = arith.constant 0 : i32
    %add3A_480 = arith.addi %mul3A_478, %add3A_479 : i32
    %dma_start3A_481 = arith.constant 0 : i32
    %dma_start3A_482 = tpu.memref_slice %arg7[%add3A_480] : memref<32768xf32, #tpu.memory_space<vmem>> -> memref<1024xf32, #tpu.memory_space<vmem>>
    %dma_start3A_483 = arith.constant 0 : i32
    %dma_start3A_484 = tpu.memref_slice %arg4[%shift_right_logical3A_471, %dma_start3A_481, %and3A_473, %dma_start3A_483] : memref<26x2x128x1024xf32, #tpu.memory_space<hbm>> -> memref<1x1x1x1024xf32, #tpu.memory_space<hbm>>
    %dma_start3A_485 = tpu.memref_squeeze %dma_start3A_484 : memref<1x1x1x1024xf32, #tpu.memory_space<hbm>> -> memref<1024xf32, #tpu.memory_space<hbm>>
    %dma_start3A_486 = arith.constant 0 : i32
    %dma_start3A_487 = tpu.memref_slice %arg4[%shift_right_logical3A_471, %dma_start3A_481, %and3A_473, %dma_start3A_486] : memref<26x2x128x1024xf32, #tpu.memory_space<hbm>> -> memref<1x1x1x1024xf32, #tpu.memory_space<hbm>>
    %dma_start3A_488 = tpu.memref_squeeze %dma_start3A_487 : memref<1x1x1x1024xf32, #tpu.memory_space<hbm>> -> memref<1024xf32, #tpu.memory_space<hbm>>
    %dma_start3A_489 = tpu.memref_slice %arg7[%add3A_480] : memref<32768xf32, #tpu.memory_space<vmem>> -> memref<1024xf32, #tpu.memory_space<vmem>>
    tpu.enqueue_dma source(%dma_start3A_489 : memref<1024xf32, #tpu.memory_space<vmem>>) target(%dma_start3A_488 : memref<1024xf32, #tpu.memory_space<hbm>>) target_semaphore(%arg10 : memref<!tpu.dma_semaphore, #tpu.memory_space<semaphore_mem>>)
    %add3A_490 = arith.constant 1024 : i32
    %add3A_491 = arith.addi %mul3A_478, %add3A_490 : i32
    %dma_start3A_492 = arith.constant 1 : i32
    %dma_start3A_493 = tpu.memref_slice %arg7[%add3A_491] : memref<32768xf32, #tpu.memory_space<vmem>> -> memref<1024xf32, #tpu.memory_space<vmem>>
    %dma_start3A_494 = arith.constant 0 : i32
    %dma_start3A_495 = tpu.memref_slice %arg4[%shift_right_logical3A_471, %dma_start3A_492, %and3A_473, %dma_start3A_494] : memref<26x2x128x1024xf32, #tpu.memory_space<hbm>> -> memref<1x1x1x1024xf32, #tpu.memory_space<hbm>>
    %dma_start3A_496 = tpu.memref_squeeze %dma_start3A_495 : memref<1x1x1x1024xf32, #tpu.memory_space<hbm>> -> memref<1024xf32, #tpu.memory_space<hbm>>
    %dma_start3A_497 = arith.constant 0 : i32
    %dma_start3A_498 = tpu.memref_slice %arg4[%shift_right_logical3A_471, %dma_start3A_492, %and3A_473, %dma_start3A_497] : memref<26x2x128x1024xf32, #tpu.memory_space<hbm>> -> memref<1x1x1x1024xf32, #tpu.memory_space<hbm>>
    %dma_start3A_499 = tpu.memref_squeeze %dma_start3A_498 : memref<1x1x1x1024xf32, #tpu.memory_space<hbm>> -> memref<1024xf32, #tpu.memory_space<hbm>>
    %dma_start3A_500 = tpu.memref_slice %arg7[%add3A_491] : memref<32768xf32, #tpu.memory_space<vmem>> -> memref<1024xf32, #tpu.memory_space<vmem>>
    tpu.enqueue_dma source(%dma_start3A_500 : memref<1024xf32, #tpu.memory_space<vmem>>) target(%dma_start3A_499 : memref<1024xf32, #tpu.memory_space<hbm>>) target_semaphore(%arg10 : memref<!tpu.dma_semaphore, #tpu.memory_space<semaphore_mem>>)
    %dma_wait3A_501 = arith.constant 0 : i32
    %dma_wait3A_502 = tpu.memref_slice %arg7[%dma_wait3A_501] : memref<32768xf32, #tpu.memory_space<vmem>> -> memref<32768xf32, #tpu.memory_space<vmem>>
    %dma_wait3A_503 = arith.constant 0 : i32
    %dma_wait3A_504 = tpu.memref_slice %arg3[%dma_wait3A_503] : memref<16640000xf32, #tpu.memory_space<hbm>> -> memref<32768xf32, #tpu.memory_space<hbm>>
    %dma_wait3A_505 = arith.constant 0 : i32
    %dma_wait3A_506 = tpu.memref_slice %arg7[%dma_wait3A_505] : memref<32768xf32, #tpu.memory_space<vmem>> -> memref<32768xf32, #tpu.memory_space<vmem>>
    %dma_wait3A_507 = arith.constant 0 : i32
    %dma_wait3A_508 = tpu.memref_slice %arg3[%dma_wait3A_507] : memref<16640000xf32, #tpu.memory_space<hbm>> -> memref<32768xf32, #tpu.memory_space<hbm>>
    tpu.wait_dma2 semaphore(%arg10 : memref<!tpu.dma_semaphore, #tpu.memory_space<semaphore_mem>>) src(%dma_wait3A_508 : memref<32768xf32, #tpu.memory_space<hbm>>) dst(%dma_wait3A_506 : memref<32768xf32, #tpu.memory_space<vmem>>)
    return
  }
}

</mosaic_0001>

<sc_bundles>
// kernel: kernel.3.cloned.1.call-start
scs
__scs_entry_jumppad:
0x0: {  	(pc) =	sbr.rel $0x88, $3  }
0x1: {  	(tag) =	ssettag $0x0;
	lr =	simm.s32 $0x1  }
0x2: {  	[smem:$0x3F9F] =	sst lr;
	_ =	strace $0xD0000000  }
0x3: {  	_ = 	snop  }
0x4: {  	_ = 	snop  }
0x5: {  	_ = 	snop  }
0x6: {  	_ = 	snop  }
0x7: {  	_ = 	snop  }
__scs_overlays_trampoline_lowered:
0x8: {  	[smem:$0x3FAE] =	sst s0  }
0x9: {  	[smem:$0x3FAF] =	sst s1  }
0xa: {  	[smem:$0x3FB0] =	sst s2  }
0xb: {  	[smem:$0x3FB1] =	sst s3  }
0xc: {  	[smem:$0x3FB2] =	sst s4  }
0xd: {  	[smem:$0x3FB3] =	sst s5  }
0xe: {  	[smem:$0x3FB4] =	sst s6  }
0xf: {  	[smem:$0x3FB5] =	sst s7  }
0x10: {  	[smem:$0x3FB6] =	sst s8  }
0x11: {  	[smem:$0x3FB7] =	sst s9;
	s0 =	simm.s32 @!p0 $0x0  }
0x12: {  	s1 =	sld [smem:$0x3F9D];
	s0 =	simm.s32 @p0 $0x1  }
0x13: {  	[smem:$0x3FB8] =	sst s0;
	s0 =	simm.s32 @!p1 $0x0  }
0x14: {  	s2 =	sld [smem:$0x3F9C];
	s0 =	simm.s32 @p1 $0x1  }
0x15: {  	[smem:$0x3FB9] =	sst s0;
	s0 =	simm.s32 @!p2 $0x0  }
0x16: {  	s3 =	sld [smem:$0x3FDB];
	s0 =	simm.s32 @p2 $0x1  }
0x17: {  	s4 =	simm.s32 $0x1BF5;
	[smem:$0x3FBB] =	sst s0  }
0x18: {  	s0 =	sld [smem:$0x3F9E];
	_ =	swait.ge [sflag:s4], $0x0  }
0x19: {  	s7 =	sld [smem:$0x3F9F]  }
0x1a: {  	s8 =	sadd.s32 $0xFFFFE003, lr  }
0x1b: {  	s9 =	sadd.s32 $0xFFFFFEF7, lr;
	s5 =	simm.s32 $0xFFFFFFFF;
	p2 =	slt.u32 s8, $0xFFFFF086  }
0x1c: {  	p1 =	slt.u32 s9, $0xF7A;
	s5 =	simm.s32 @!p2 $0x0  }
0x1d: {  	s5 =	simm.s32 @p1 $0x1;
	p0 =	seq.s32 s7, s2  }
0x1e: {  	s7 =	smul.u32 @!p0 $0xF7A, s2;
	p2 =	seq.s32 @!p0 s5, $0x0  }
0x1f: {  	s9 =	smul.u32 $0xF7A, s1;
	s8 =	simm.s32 @!p0 $0x1BF5;
	p2 =	por !p2, p0  }
0x20: {  	[sflag:s8] =	ssyncset.s32 @!p0 $0xFFFFF086;
	s6 =	sadd.s32 @!p0 s3, s7;
	s7 =	simm.s32 @!p0 $0x108  }
0x21: {  	s3 =	sadd.s32 s3, s9;
	s6 =	sadd.s32 @!p0 $0x88, s6;
	s7 =	simm.s32 @p2 $0x1082  }
0x22: {  	[simem:s7], [sflag:s8] =	dma.local @!p0 [hbm:s6], $0xF7A  }
0x23: {  	s9 =	sor.u32 $0xD0000000, s2;
	s6 =	simm.s32 $0x108;
	_ =	swait.ge @!p0 [sflag:s8], $0x0  }
0x24: {  	s3 =	sadd.s32 $0x88, s3;
	s6 =	simm.s32 @!p1 $0x1082;
	[sflag:s4] =	ssyncset.s32 $0xFFFFF086  }
0x25: {  	[simem:s6], [sflag:s4] =	dma.local [hbm:s3], $0xF7A  }
0x26: {  	[smem:$0x3F9F] =	sst s1;
	(tag) =	ssettag s2;
	_ =	strace s9  }
0x27: {  	s1 =	sld [smem:$0x3FAF]  }
0x28: {  	s2 =	sld [smem:$0x3FB0]  }
0x29: {  	s4 =	sld [smem:$0x3FB2]  }
0x2a: {  	p0 =	seq.s32 s5, $0x0;
	s5 =	sld [smem:$0x3FB3]  }
0x2b: {  	s6 =	sld [smem:$0x3FB4]  }
0x2c: {  	s7 =	sld [smem:$0x3FB5]  }
0x2d: {  	s3 =	simm.s32 $0x108;
	s8 =	sld [smem:$0x3FB6]  }
0x2e: {  	s3 =	simm.s32 @!p0 $0x1082;
	s9 =	sld [smem:$0x3FB7]  }
0x2f: {  	lr =	sadd.s32 s0, s3;
	s0 =	sld [smem:$0x3FAE]  }
0x30: {  	s3 =	sld [smem:$0x3FB1]  }
0x31: {  	[smem:$0x3FBA] =	sst s10  }
0x32: {  	s10 =	sld [smem:$0x3FB8];
	_ =	sdelay $0x3  }
0x33: {  	p0 =	seq.s32 s10, $0x1;
	s10 =	sld [smem:$0x3FBA];
	_ =	sdelay $0x3  }
0x34: {  	[smem:$0x3FBA] =	sst s10  }
0x35: {  	s10 =	sld [smem:$0x3FB9];
	_ =	sdelay $0x3  }
0x36: {  	p1 =	seq.s32 s10, $0x1;
	s10 =	sld [smem:$0x3FBA];
	_ =	sdelay $0x3  }
0x37: {  	[smem:$0x3FBA] =	sst s10  }
0x38: {  	s10 =	sld [smem:$0x3FBB]  }
0x39: {  	_ = 	snop;
	(pc) =	sbr.ind lr, $3  }
0x3a: {  	_ = 	snop  }
0x3b: {  	_ = 	snop  }
0x3c: {  	p2 =	seq.s32 s10, $0x1;
	s10 =	sld [smem:$0x3FBA]  }
0x3d: {  	_ =	shalt  }
0x3e: {  	_ =	shalt  }
0x3f: {  	_ =	shalt  }
0x40: {  	_ =	shalt  }
0x41: {  	_ =	shalt  }
0x42: {  	_ =	shalt  }
0x43: {  	_ =	shalt  }
0x44: {  	_ =	shalt  }
0x45: {  	_ =	shalt  }
0x46: {  	_ =	shalt  }
0x47: {  	_ =	shalt  }
0x48: {  	_ =	shalt  }
0x49: {  	_ =	shalt  }
0x4a: {  	_ =	shalt  }
0x4b: {  	_ =	shalt  }
0x4c: {  	_ =	shalt  }
0x4d: {  	_ =	shalt  }
0x4e: {  	_ =	shalt  }
0x4f: {  	_ =	shalt  }
0x50: {  	_ =	shalt  }
0x51: {  	_ =	shalt  }
0x52: {  	_ =	shalt  }
0x53: {  	_ =	shalt  }
0x54: {  	_ =	shalt  }
0x55: {  	_ =	shalt  }
0x56: {  	_ =	shalt  }
0x57: {  	_ =	shalt  }
0x58: {  	_ =	shalt  }
0x59: {  	_ =	shalt  }
0x5a: {  	_ =	shalt  }
0x5b: {  	_ =	shalt  }
0x5c: {  	_ =	shalt  }
0x5d: {  	_ =	shalt  }
0x5e: {  	_ =	shalt  }
0x5f: {  	_ =	shalt  }
0x60: {  	_ =	shalt  }
0x61: {  	_ =	shalt  }
0x62: {  	_ =	shalt  }
0x63: {  	_ =	shalt  }
0x64: {  	_ =	shalt  }
0x65: {  	_ =	shalt  }
0x66: {  	_ =	shalt  }
0x67: {  	_ =	shalt  }
0x68: {  	_ =	shalt  }
0x69: {  	_ =	shalt  }
0x6a: {  	_ =	shalt  }
0x6b: {  	_ =	shalt  }
0x6c: {  	_ =	shalt  }
0x6d: {  	_ =	shalt  }
0x6e: {  	_ =	shalt  }
0x6f: {  	_ =	shalt  }
0x70: {  	_ =	shalt  }
0x71: {  	_ =	shalt  }
0x72: {  	_ =	shalt  }
0x73: {  	_ =	shalt  }
0x74: {  	_ =	shalt  }
0x75: {  	_ =	shalt  }
0x76: {  	_ =	shalt  }
0x77: {  	_ =	shalt  }
0x78: {  	_ =	shalt  }
0x79: {  	_ =	shalt  }
0x7a: {  	_ =	shalt  }
0x7b: {  	_ =	shalt  }
0x7c: {  	_ =	shalt  }
0x7d: {  	_ =	shalt  }
0x7e: {  	_ =	shalt  }
0x7f: {  	_ =	shalt  }
0x80: {  	_ =	shalt  }
0x81: {  	_ =	shalt  }
0x82: {  	_ =	shalt  }
0x83: {  	_ =	shalt  }
0x84: {  	_ =	shalt  }
0x85: {  	_ =	shalt  }
0x86: {  	_ =	shalt  }
0x87: {  	_ =	shalt  }
.Lfunc_end0:
.L_simem_size_0:
called_computation_lowered:
.L_overlay_start_0:
0x88: {  	s2 =	sld [smem:$0x3FD9]  }
0x89: {  	s3 =	sld [smem:$0x3FFE];
	_ =	sdelay $0x1  }
0x8a: {  	s1 =	srdreg.scid  }
0x8b: {  	s0 =	sand.u32 $0x1, s1  }
0x8c: {  	s17 =	sshll.u32 s0, $0xA;
	s2 =	sadd.s32 s3, s2  }
0x8d: {  	s2 =	sadd.s32 s2, s17  }
0x8e: {  	[smem:$0x3FC6] =	sst s2  }
0x8f: {  	_ = 	snop  }
0x90: {  	s2 =	sld [smem:$0x3FC8]  }
0x91: {  	s18 =	sld [smem:$0x3FD0];
	(tm) =	ssettm $0x1  }
0x92: {  	s4 =	sld [smem:$0x3FFB];
	_ =	sdelay $0x3  }
0x93: {  	_ =	strace s4  }
0x94: {  	s4 =	sld [smem:$0x3FFC];
	_ =	sdelay $0x3  }
0x95: {  	_ =	strace s4  }
0x96: {  	s4 =	sld [smem:$0x3FFD];
	_ =	sdelay $0x3  }
0x97: {  	_ =	strace s4  }
0x98: {  	_ =	strace $0x8FFFFFFF  }
0x99: {  	s19 =	sld [smem:$0x3FDB];
	_ =	sdelay $0x1  }
0x9a: {  	s5 =	simm.s32 $_scs_section_size  }
0x9b: {  	s6 =	simm.s32 $_size__tile_overlayer_lowered;
	s7 =	simm.s32 $_tile_overlayer_lowered  }
0x9c: {  	s22 =	simm.s32 $0x1BFF;
	s21 =	sshll.u32 s7, $0x1;
	s4 =	sadd.s32 s5, s19  }
0x9d: {  	s8 =	simm.s32 $0x0;
	s20 =	sshll.u32 s6, $0x1;
	s6 =	sadd.s32 s21, s4  }
0x9e: {  	[timem:s8], [sflag:s22] =	dma.local [hbm:s6], s20  }
0x9f: {  	_ =	swait.ge [sflag:s22], s20  }
0xa0: {  	s5 =	ssub.s32 $0x0, s20;
	[sflag:s22] =	ssyncset.done $0x0  }
0xa1: {  	[sflag:s22] =	ssyncadd.s32 s5;
	_ =	sdelay $0x1  }
0xa2: {  	s23 =	simm.s32 $0x1B8B  }
0xa3: {  	_ =	swait.ge [sflag:s23], $0x1  }
0xa4: {  	[sflag:s23] =	ssyncset.done $0x0  }
0xa5: {  	s25 =	simm.s32 $0x1B8E;
	s24 =	sld [smem:$0x3FFE];
	[sflag:s23] =	ssyncadd.s32 $0xFFFFFFFF  }
0xa6: {  	s26 =	simm.s32 $execute0_lowered;
	[smem:$0x3FD2] =	sst s25  }
0xa7: {  	s6 =	sshll.u32 s26, $0x1;
	_ =	strace $0x80000046;
	[dreg:$0x1] =	wrdreg $0xFFFFFFFF  }
0xa8: {  	s28 =	simm.s32 $_size_execute0_lowered;
	s4 =	sadd.s32 s4, s6;
	[dreg:$0x0] =	wrdreg $0x0  }
0xa9: {  	s6 =	sshll.u32 s28, $0x1;
	[dreg:$0x2] =	wrdreg s4  }
0xaa: {  	[dreg:$0x3] =	wrdreg s6  }
0xab: {  	[dreg:$0x4] =	wrdreg $0xC0  }
0xac: {  	_ =	task [dreg:s8], $0x5FFFF  }
0xad: {  	[dreg:$0x1] =	wrdreg $0xFFFFFFFF  }
0xae: {  	[dreg:$0x0] =	wrdreg $0x60  }
0xaf: {  	[dreg:$0x2] =	wrdreg s24  }
0xb0: {  	[dreg:$0x3] =	wrdreg s2  }
0xb1: {  	[dreg:$0x4] =	wrdreg s18  }
0xb2: {  	[dreg:$0x5] =	wrdreg $0x9  }
0xb3: {  	_ =	task.clear_ibuf [dreg:s8], $0x6FFFF;
	_ =	strace $0x90000046  }
0xb4: {  	s29 =	simm.s32 $0x9;
	_ =	strace $0x80000048  }
0xb5: {  	_ =	swait.ge [sflag:s29], $0x1  }
0xb6: {  	[sflag:s29] =	ssyncadd.s32 $0xFFFFFFFF  }
0xb7: {  	_ =	strace $0x90000048  }
0xb8: {  	_ =	sfence  }
0xb9: {  	s30 =	sld [smem:$0x0];
	_ =	sdelay $0x2  }
0xba: {  	s31 =	sshll.u32 s1, $0xD;
	s1 =	sshrl.u32 s1, $0x2  }
0xbb: {  	s3 =	sand.u32 $0x4000, s31;
	s1 =	sadd.s32 s1, s30  }
0xbc: {  	s0 =	sor.u32 s3, s0;
	s1 =	sshll.u32 s1, $0x11  }
0xbd: {  	s0 =	sor.u32 s1, s0  }
0xbe: {  	s0 =	sadd.s32 $0x8F2B, s0  }
0xbf: {  	[sflag:s0] =	ssyncadd.remote.s32 $0x1  }
0xc0: {  	_ =	sfence.sel $0xFFFF  }
0xc1: {  	[dreg:$0x0] =	wrdreg $0xFFFFFFFF;
	(pc) =	sbr.abs _section_cstart, $3  }
0xc2: {  	[dreg:$0x1] =	wrdreg $0xFFFFFFFF  }
0xc3: {  	_ =	task.clear_ibuf [dreg:s8], $0x2FFFF;
	_ =	strace $0x9FFFFFFF  }
0xc4: {  	(tm) =	ssettm $0x7FFFFFFF  }
0xc5: {  	_ =	shalt  }
tec
execute0_lowered:
.L_overlay_start_1:
0x0: {  	(tag) =	ssettag $0x1  }
0x1: {  	s0 =	srdreg.scid;
	s21 =	stileid.u32  }
0x2: {  	s6 =	rddreg [dreg:$0x0];
	s1 =	sand.u32 $0x1, s0;
	s23 =	sshll.u32 s21, $0x1  }
0x3: {  	s2 =	rddreg [dreg:$0x1];
	s0 =	sor.u32 s1, s23  }
0x4: {  	s3 =	rddreg [dreg:$0x2];
	s4 =	simm.s32 $0x0;
	s7 =	smul.u32 $0x680, s0  }
0x5: {  	[smem:$0x7FF] =	sst s4;
	s24 =	ssub.s32 $0x2, s1;
	s5 =	smul.u32 $0x68, s0  }
0x6: {  	_ =	strace $0x80000047;
	s9 =	sshrl.u32 s24, $0x1;
	s6 =	sadd.s32 s7, s6  }
0x7: {  	s0 =	sadd.s32 $0x5C, s5;
	s26 =	sadd.s32 $0x5D, s5;
	s12 =	sadd.s32 $0x5F, s5  }
0x8: {  	s8 =	sshll.u32 s0, $0x8;
	s0 =	sshll.u32 s0, $0x7;
	s6 =	sadd.s32 $0x400, s6  }
0x9: {  	s13 =	sshll.u32 s12, $0x8;
	s8 =	sand.u32 $0x1F8000, s8;
	s10 =	sand.u32 $0x3E00, s0  }
0xa: {  	s0 =	ssub.s32 s24, s9;
	[dreg:$0x5] =	wrdreg s6;
	s25 =	sor.u32 s10, s8  }
0xb: {  	s6 =	sadd.s32 $0x4000, s3;
	s9 =	sshll.u32 s26, $0x8;
	s8 =	sadd.s32 s3, s25  }
0xc: {  	s10 =	sadd.s32 $0x5E, s5;
	s7 =	sadd.s32 s25, s6;
	[dreg:$0x6] =	wrdreg s8  }
0xd: {  	s0 =	smax.u32 s0, $0x1;
	s11 =	sshll.u32 s10, $0x8;
	[dreg:$0x7] =	wrdreg s7  }
0xe: {  	s8 =	sshll.u32 s26, $0x7;
	s7 =	sand.u32 $0x1F8000, s9;
	s9 =	sshll.u32 s10, $0x7  }
0xf: {  	s10 =	sshll.u32 s12, $0x7;
	s12 =	sadd.s32 $0x61, s5;
	s8 =	sand.u32 $0x3E80, s8  }
0x10: {  	s9 =	sand.u32 $0x3F00, s9;
	s10 =	sand.u32 $0x3F80, s10;
	s15 =	sshll.u32 s12, $0x8  }
0x11: {  	s12 =	sshll.u32 s12, $0x7;
	s7 =	sor.u32 s8, s7;
	s8 =	sand.u32 $0x1F8000, s11  }
0x12: {  	s11 =	sadd.s32 $0x60, s5;
	s12 =	sand.u32 $0x3C80, s12;
	s8 =	sor.u32 s9, s8  }
0x13: {  	s9 =	sand.u32 $0x1F8000, s13;
	s14 =	sshll.u32 s11, $0x8;
	s11 =	sshll.u32 s11, $0x7  }
0x14: {  	s13 =	sadd.s32 $0x62, s5;
	s22 =	sadd.s32 s3, s7;
	s7 =	sadd.s32 s7, s6  }
0x15: {  	s9 =	sor.u32 s10, s9;
	s10 =	sand.u32 $0x1F8000, s14;
	s11 =	sand.u32 $0x3C00, s11  }
0x16: {  	s16 =	sshll.u32 s13, $0x8;
	s13 =	sshll.u32 s13, $0x7;
	[dreg:$0x8] =	wrdreg s22  }
0x17: {  	s14 =	sadd.s32 $0x63, s5;
	[dreg:$0x9] =	wrdreg s7;
	s23 =	sadd.s32 s3, s8  }
0x18: {  	s24 =	sadd.s32 s8, s6;
	s7 =	simm.s32 $0x1;
	s10 =	sor.u32 s11, s10  }
0x19: {  	s11 =	sand.u32 $0x1F8000, s15;
	s13 =	sand.u32 $0x3D00, s13;
	s17 =	sshll.u32 s14, $0x8  }
0x1a: {  	s14 =	sshll.u32 s14, $0x7;
	s15 =	sadd.s32 $0x64, s5;
	[dreg:$0xa] =	wrdreg s23  }
0x1b: {  	[dreg:$0xb] =	wrdreg s24;
	s25 =	sadd.s32 s3, s9;
	s26 =	sadd.s32 s9, s6  }
0x1c: {  	s12 =	sor.u32 s12, s11;
	s11 =	sand.u32 $0x1F8000, s16;
	s14 =	sand.u32 $0x3D80, s14  }
0x1d: {  	s18 =	sshll.u32 s15, $0x8;
	s15 =	sshll.u32 s15, $0x7;
	[dreg:$0xc] =	wrdreg s25  }
0x1e: {  	s16 =	sadd.s32 $0x65, s5;
	[dreg:$0xd] =	wrdreg s26;
	s8 =	sadd.s32 s3, s10  }
0x1f: {  	s9 =	sadd.s32 s10, s6;
	s13 =	sor.u32 s13, s11;
	s11 =	sand.u32 $0x1F8000, s17  }
0x20: {  	s15 =	sand.u32 $0x3E00, s15;
	s19 =	sshll.u32 s16, $0x8;
	s16 =	sshll.u32 s16, $0x7  }
0x21: {  	s17 =	sadd.s32 $0x66, s5;
	s5 =	sadd.s32 $0x67, s5;
	[dreg:$0xe] =	wrdreg s8  }
0x22: {  	[dreg:$0xf] =	wrdreg s9;
	s10 =	sadd.s32 s3, s12;
	s8 =	simm.s32 $0x2  }
0x23: {  	s9 =	simm.s32 $0x3;
	s14 =	sor.u32 s14, s11;
	s11 =	sand.u32 $0x1F8000, s18  }
0x24: {  	s16 =	sand.u32 $0x3E80, s16;
	s20 =	sshll.u32 s17, $0x8;
	s17 =	sshll.u32 s17, $0x7  }
0x25: {  	s18 =	sshll.u32 s5, $0x8;
	s5 =	sshll.u32 s5, $0x7;
	[dreg:$0x10] =	wrdreg s10  }
0x26: {  	s10 =	simm.s32 $0x0;
	s15 =	sor.u32 s15, s11;
	s11 =	sand.u32 $0x1F8000, s19  }
0x27: {  	s17 =	sand.u32 $0x3F00, s17;
	s19 =	smul.u32 $0xD0, s21;
	s18 =	sand.u32 $0x1F8000, s18  }
0x28: {  	s5 =	sand.u32 $0x3F80, s5;
	s21 =	smul.u32 $0x68000, s21;
	s22 =	sadd.s32 s14, s6  }
0x29: {  	s16 =	sor.u32 s16, s11;
	s11 =	sand.u32 $0x1F8000, s20;
	s20 =	smul.u32 $0x68, s1  }
0x2a: {  	s5 =	sor.u32 s5, s18;
	s18 =	sadd.s32 s12, s6;
	[dreg:$0x15] =	wrdreg s22  }
0x2b: {  	s1 =	smul.u32 $0x34000, s1;
	s23 =	sadd.s32 s3, s15;
	[dreg:$0x11] =	wrdreg s18  }
0x2c: {  	s24 =	sadd.s32 s15, s6;
	s17 =	sor.u32 s17, s11;
	[dreg:$0x16] =	wrdreg s23  }
0x2d: {  	[dreg:$0x17] =	wrdreg s24;
	s26 =	sadd.s32 s3, s16;
	s28 =	sadd.s32 s16, s6  }
0x2e: {  	s31 =	sadd.s32 s3, s5;
	s11 =	sadd.s32 s20, s19;
	s1 =	sadd.s32 s1, s21  }
0x2f: {  	s19 =	sadd.s32 s3, s13;
	s20 =	sadd.s32 s13, s6;
	[dreg:$0x4] =	wrdreg s1  }
0x30: {  	s21 =	sadd.s32 s3, s14;
	s29 =	sadd.s32 s3, s17;
	[dreg:$0x12] =	wrdreg s19  }
0x31: {  	s30 =	sadd.s32 s17, s6;
	[dreg:$0x13] =	wrdreg s20;
	s25 =	sshll.u32 s11, $0xA  }
0x32: {  	[dreg:$0x14] =	wrdreg s21;
	s1 =	sadd.s32 s5, s6;
	s14 =	sadd.s32 $0xFFFFD000, s25  }
.LBB2_1:
0x33: {  	s5 =	rddreg [dreg:$0x5]  }
0x34: {  	[tilespmem:s4], [sflag:$0x1] =	stream.linear.gather [hbm4b:s5+s4], $0x3400, $0x38;
	[tilespmem:$0x13400] =	vst v63  }
0x35: {  	_ =	swait.ge [sflag:s7], $0x3400  }
0x36: {  	s12 =	simm.s32 $0xFFFFA000;
	s13 =	simm.s32 $0x40;
	[sflag:s7] =	ssyncset.done $0x0  }
0x37: {  	s15 =	simm.s32 $0x0;
	s5 =	smov.u32 s14;
	[sflag:s7] =	ssyncadd.s32 $0xFFFFCC00  }
.LBB2_2:
0x38: {  	v0 =	vld [tilespmem:s13+$0xFFFFFFC0]  }
0x39: {  	s16 =	sadd.s32 s15, s11  }
0x3a: {  	s16 =	sshrl.u32 s16, $0x7  }
0x3b: {  	s17 =	smul.u32 $0x9C40, s16;
	_ =	sdelay $0x1  }
0x3c: {  	v0 =	vadd.s32 s17, v0  }
0x3d: {  	v1 =	vshll.u32 v0, $0x3  }
0x3e: {  	s25 =	sadd.s32 $0x6000, s12;
	v0 =	vand.u32 $0x7F, v0;
	v1 =	vand.u32 $0xFFFFFC00, v1  }
0x3f: {  	s16 =	sand.u32 $0x7800, s25;
	v0 =	vor.u32 v0, v1  }
0x40: {  	[tilespmem:s16+$0x3400] =	vst v0;
	v1 =	vor.u32 $0x80, v0  }
0x41: {  	v13 =	vor.u32 $0x100, v0;
	[tilespmem:s16+$0x3480] =	vst v1  }
0x42: {  	v14 =	vor.u32 $0x180, v0;
	[tilespmem:s16+$0x3500] =	vst v13  }
0x43: {  	v15 =	vor.u32 $0x200, v0;
	[tilespmem:s16+$0x3580] =	vst v14  }
0x44: {  	v16 =	vor.u32 $0x280, v0;
	[tilespmem:s16+$0x3600] =	vst v15  }
0x45: {  	v17 =	vor.u32 $0x300, v0;
	[tilespmem:s16+$0x3680] =	vst v16  }
0x46: {  	v18 =	vor.u32 $0x380, v0;
	[tilespmem:s16+$0x3700] =	vst v17  }
0x47: {  	v19 =	vadd.s32 $0x7EF400, v0;
	[tilespmem:s16+$0x3780] =	vst v18  }
0x48: {  	v20 =	vadd.s32 $0x7EF480, v0;
	[tilespmem:s16+$0x3800] =	vst v19  }
0x49: {  	v21 =	vadd.s32 $0x7EF500, v0;
	[tilespmem:s16+$0x3880] =	vst v20  }
0x4a: {  	v22 =	vadd.s32 $0x7EF580, v0;
	[tilespmem:s16+$0x3900] =	vst v21  }
0x4b: {  	v23 =	vadd.s32 $0x7EF600, v0;
	[tilespmem:s16+$0x3980] =	vst v22  }
0x4c: {  	v24 =	vadd.s32 $0x7EF680, v0;
	[tilespmem:s16+$0x3A00] =	vst v23  }
0x4d: {  	v25 =	vadd.s32 $0x7EF700, v0;
	[tilespmem:s16+$0x3A80] =	vst v24  }
0x4e: {  	v0 =	vadd.s32 $0x7EF780, v0;
	[tilespmem:s16+$0x3B00] =	vst v25  }
0x4f: {  	[tilespmem:s16+$0x3B80] =	vst v0  }
0x50: {  	v0 =	vld [tilespmem:s13+$0xFFFFFFD0];
	_ =	sdelay $0x4  }
0x51: {  	v0 =	vadd.s32 s17, v0  }
0x52: {  	v26 =	vshll.u32 v0, $0x3  }
0x53: {  	v0 =	vand.u32 $0x7F, v0;
	v1 =	vand.u32 $0xFFFFFC00, v26  }
0x54: {  	v0 =	vor.u32 v0, v1  }
0x55: {  	[tilespmem:s16+$0x3410] =	vst v0;
	v1 =	vor.u32 $0x80, v0  }
0x56: {  	v27 =	vor.u32 $0x100, v0;
	[tilespmem:s16+$0x3490] =	vst v1  }
0x57: {  	v28 =	vor.u32 $0x180, v0;
	[tilespmem:s16+$0x3510] =	vst v27  }
0x58: {  	v29 =	vor.u32 $0x200, v0;
	[tilespmem:s16+$0x3590] =	vst v28  }
0x59: {  	v30 =	vor.u32 $0x280, v0;
	[tilespmem:s16+$0x3610] =	vst v29  }
0x5a: {  	v31 =	vor.u32 $0x300, v0;
	[tilespmem:s16+$0x3690] =	vst v30  }
0x5b: {  	v32 =	vor.u32 $0x380, v0;
	[tilespmem:s16+$0x3710] =	vst v31  }
0x5c: {  	v33 =	vadd.s32 $0x7EF400, v0;
	[tilespmem:s16+$0x3790] =	vst v32  }
0x5d: {  	v34 =	vadd.s32 $0x7EF480, v0;
	[tilespmem:s16+$0x3810] =	vst v33  }
0x5e: {  	v35 =	vadd.s32 $0x7EF500, v0;
	[tilespmem:s16+$0x3890] =	vst v34  }
0x5f: {  	v36 =	vadd.s32 $0x7EF580, v0;
	[tilespmem:s16+$0x3910] =	vst v35  }
0x60: {  	v37 =	vadd.s32 $0x7EF600, v0;
	[tilespmem:s16+$0x3990] =	vst v36  }
0x61: {  	v38 =	vadd.s32 $0x7EF680, v0;
	[tilespmem:s16+$0x3A10] =	vst v37  }
0x62: {  	v39 =	vadd.s32 $0x7EF700, v0;
	[tilespmem:s16+$0x3A90] =	vst v38  }
0x63: {  	v0 =	vadd.s32 $0x7EF780, v0;
	[tilespmem:s16+$0x3B10] =	vst v39  }
0x64: {  	[tilespmem:s16+$0x3B90] =	vst v0  }
0x65: {  	v0 =	vld [tilespmem:s13+$0xFFFFFFE0];
	_ =	sdelay $0x4  }
0x66: {  	v0 =	vadd.s32 s17, v0  }
0x67: {  	v40 =	vshll.u32 v0, $0x3  }
0x68: {  	v0 =	vand.u32 $0x7F, v0;
	v1 =	vand.u32 $0xFFFFFC00, v40  }
0x69: {  	v0 =	vor.u32 v0, v1  }
0x6a: {  	[tilespmem:s16+$0x3420] =	vst v0;
	v1 =	vor.u32 $0x80, v0  }
0x6b: {  	v41 =	vor.u32 $0x100, v0;
	[tilespmem:s16+$0x34A0] =	vst v1  }
0x6c: {  	v42 =	vor.u32 $0x180, v0;
	[tilespmem:s16+$0x3520] =	vst v41  }
0x6d: {  	v43 =	vor.u32 $0x200, v0;
	[tilespmem:s16+$0x35A0] =	vst v42  }
0x6e: {  	v44 =	vor.u32 $0x280, v0;
	[tilespmem:s16+$0x3620] =	vst v43  }
0x6f: {  	v45 =	vor.u32 $0x300, v0;
	[tilespmem:s16+$0x36A0] =	vst v44  }
0x70: {  	v46 =	vor.u32 $0x380, v0;
	[tilespmem:s16+$0x3720] =	vst v45  }
0x71: {  	v47 =	vadd.s32 $0x7EF400, v0;
	[tilespmem:s16+$0x37A0] =	vst v46  }
0x72: {  	v48 =	vadd.s32 $0x7EF480, v0;
	[tilespmem:s16+$0x3820] =	vst v47  }
0x73: {  	v49 =	vadd.s32 $0x7EF500, v0;
	[tilespmem:s16+$0x38A0] =	vst v48  }
0x74: {  	v50 =	vadd.s32 $0x7EF580, v0;
	[tilespmem:s16+$0x3920] =	vst v49  }
0x75: {  	v51 =	vadd.s32 $0x7EF600, v0;
	[tilespmem:s16+$0x39A0] =	vst v50  }
0x76: {  	v52 =	vadd.s32 $0x7EF680, v0;
	[tilespmem:s16+$0x3A20] =	vst v51  }
0x77: {  	v53 =	vadd.s32 $0x7EF700, v0;
	[tilespmem:s16+$0x3AA0] =	vst v52  }
0x78: {  	v0 =	vadd.s32 $0x7EF780, v0;
	[tilespmem:s16+$0x3B20] =	vst v53  }
0x79: {  	[tilespmem:s16+$0x3BA0] =	vst v0  }
0x7a: {  	v0 =	vld [tilespmem:s13+$0xFFFFFFF0];
	_ =	sdelay $0x4  }
0x7b: {  	v0 =	vadd.s32 s17, v0  }
0x7c: {  	v54 =	vshll.u32 v0, $0x3  }
0x7d: {  	v0 =	vand.u32 $0x7F, v0;
	v1 =	vand.u32 $0xFFFFFC00, v54  }
0x7e: {  	v0 =	vor.u32 v0, v1  }
0x7f: {  	[tilespmem:s16+$0x3430] =	vst v0;
	v1 =	vor.u32 $0x80, v0  }
0x80: {  	v55 =	vor.u32 $0x100, v0;
	[tilespmem:s16+$0x34B0] =	vst v1  }
0x81: {  	v56 =	vor.u32 $0x180, v0;
	[tilespmem:s16+$0x3530] =	vst v55  }
0x82: {  	v57 =	vor.u32 $0x200, v0;
	[tilespmem:s16+$0x35B0] =	vst v56  }
0x83: {  	v58 =	vor.u32 $0x280, v0;
	[tilespmem:s16+$0x3630] =	vst v57  }
0x84: {  	v59 =	vor.u32 $0x300, v0;
	[tilespmem:s16+$0x36B0] =	vst v58  }
0x85: {  	v60 =	vor.u32 $0x380, v0;
	[tilespmem:s16+$0x3730] =	vst v59  }
0x86: {  	v61 =	vadd.s32 $0x7EF400, v0;
	[tilespmem:s16+$0x37B0] =	vst v60  }
0x87: {  	v62 =	vadd.s32 $0x7EF480, v0;
	[tilespmem:s16+$0x3830] =	vst v61  }
0x88: {  	v63 =	vadd.s32 $0x7EF500, v0;
	[tilespmem:s16+$0x38B0] =	vst v62  }
0x89: {  	v4 =	vadd.s32 $0x7EF580, v0;
	[tilespmem:s16+$0x3930] =	vst v63  }
0x8a: {  	v5 =	vadd.s32 $0x7EF600, v0;
	[tilespmem:s16+$0x39B0] =	vst v4  }
0x8b: {  	v6 =	vadd.s32 $0x7EF680, v0;
	[tilespmem:s16+$0x3A30] =	vst v5  }
0x8c: {  	v7 =	vadd.s32 $0x7EF700, v0;
	[tilespmem:s16+$0x3AB0] =	vst v6  }
0x8d: {  	v0 =	vadd.s32 $0x7EF780, v0;
	[tilespmem:s16+$0x3B30] =	vst v7  }
0x8e: {  	[tilespmem:s16+$0x3BB0] =	vst v0  }
0x8f: {  	v0 =	vld [tilespmem:s13+$0x0];
	_ =	sdelay $0x4  }
0x90: {  	v0 =	vadd.s32 s17, v0  }
0x91: {  	v8 =	vshll.u32 v0, $0x3  }
0x92: {  	v0 =	vand.u32 $0x7F, v0;
	v1 =	vand.u32 $0xFFFFFC00, v8  }
0x93: {  	v0 =	vor.u32 v0, v1  }
0x94: {  	[tilespmem:s16+$0x3440] =	vst v0;
	v1 =	vor.u32 $0x80, v0  }
0x95: {  	v9 =	vor.u32 $0x100, v0;
	[tilespmem:s16+$0x34C0] =	vst v1  }
0x96: {  	v10 =	vor.u32 $0x180, v0;
	[tilespmem:s16+$0x3540] =	vst v9  }
0x97: {  	v11 =	vor.u32 $0x200, v0;
	[tilespmem:s16+$0x35C0] =	vst v10  }
0x98: {  	v12 =	vor.u32 $0x280, v0;
	[tilespmem:s16+$0x3640] =	vst v11  }
0x99: {  	v13 =	vor.u32 $0x300, v0;
	[tilespmem:s16+$0x36C0] =	vst v12  }
0x9a: {  	v14 =	vor.u32 $0x380, v0;
	[tilespmem:s16+$0x3740] =	vst v13  }
0x9b: {  	v15 =	vadd.s32 $0x7EF400, v0;
	[tilespmem:s16+$0x37C0] =	vst v14  }
0x9c: {  	v16 =	vadd.s32 $0x7EF480, v0;
	[tilespmem:s16+$0x3840] =	vst v15  }
0x9d: {  	v17 =	vadd.s32 $0x7EF500, v0;
	[tilespmem:s16+$0x38C0] =	vst v16  }
0x9e: {  	v18 =	vadd.s32 $0x7EF580, v0;
	[tilespmem:s16+$0x3940] =	vst v17  }
0x9f: {  	v19 =	vadd.s32 $0x7EF600, v0;
	[tilespmem:s16+$0x39C0] =	vst v18  }
0xa0: {  	v20 =	vadd.s32 $0x7EF680, v0;
	[tilespmem:s16+$0x3A40] =	vst v19  }
0xa1: {  	v21 =	vadd.s32 $0x7EF700, v0;
	[tilespmem:s16+$0x3AC0] =	vst v20  }
0xa2: {  	v0 =	vadd.s32 $0x7EF780, v0;
	[tilespmem:s16+$0x3B40] =	vst v21  }
0xa3: {  	[tilespmem:s16+$0x3BC0] =	vst v0  }
0xa4: {  	v0 =	vld [tilespmem:s13+$0x10];
	_ =	sdelay $0x4  }
0xa5: {  	v0 =	vadd.s32 s17, v0  }
0xa6: {  	v22 =	vshll.u32 v0, $0x3  }
0xa7: {  	v0 =	vand.u32 $0x7F, v0;
	v1 =	vand.u32 $0xFFFFFC00, v22  }
0xa8: {  	v0 =	vor.u32 v0, v1  }
0xa9: {  	[tilespmem:s16+$0x3450] =	vst v0;
	v1 =	vor.u32 $0x80, v0  }
0xaa: {  	v23 =	vor.u32 $0x100, v0;
	[tilespmem:s16+$0x34D0] =	vst v1  }
0xab: {  	v24 =	vor.u32 $0x180, v0;
	[tilespmem:s16+$0x3550] =	vst v23  }
0xac: {  	v25 =	vor.u32 $0x200, v0;
	[tilespmem:s16+$0x35D0] =	vst v24  }
0xad: {  	v26 =	vor.u32 $0x280, v0;
	[tilespmem:s16+$0x3650] =	vst v25  }
0xae: {  	v27 =	vor.u32 $0x300, v0;
	[tilespmem:s16+$0x36D0] =	vst v26  }
0xaf: {  	v28 =	vor.u32 $0x380, v0;
	[tilespmem:s16+$0x3750] =	vst v27  }
0xb0: {  	v29 =	vadd.s32 $0x7EF400, v0;
	[tilespmem:s16+$0x37D0] =	vst v28  }
0xb1: {  	v30 =	vadd.s32 $0x7EF480, v0;
	[tilespmem:s16+$0x3850] =	vst v29  }
0xb2: {  	v31 =	vadd.s32 $0x7EF500, v0;
	[tilespmem:s16+$0x38D0] =	vst v30  }
0xb3: {  	v32 =	vadd.s32 $0x7EF580, v0;
	[tilespmem:s16+$0x3950] =	vst v31  }
0xb4: {  	v33 =	vadd.s32 $0x7EF600, v0;
	[tilespmem:s16+$0x39D0] =	vst v32  }
0xb5: {  	v34 =	vadd.s32 $0x7EF680, v0;
	[tilespmem:s16+$0x3A50] =	vst v33  }
0xb6: {  	v35 =	vadd.s32 $0x7EF700, v0;
	[tilespmem:s16+$0x3AD0] =	vst v34  }
0xb7: {  	v0 =	vadd.s32 $0x7EF780, v0;
	[tilespmem:s16+$0x3B50] =	vst v35  }
0xb8: {  	[tilespmem:s16+$0x3BD0] =	vst v0  }
0xb9: {  	v0 =	vld [tilespmem:s13+$0x20];
	_ =	sdelay $0x4  }
0xba: {  	v0 =	vadd.s32 s17, v0  }
0xbb: {  	v36 =	vshll.u32 v0, $0x3  }
0xbc: {  	v0 =	vand.u32 $0x7F, v0;
	v1 =	vand.u32 $0xFFFFFC00, v36  }
0xbd: {  	v0 =	vor.u32 v0, v1  }
0xbe: {  	[tilespmem:s16+$0x3460] =	vst v0;
	v1 =	vor.u32 $0x80, v0  }
0xbf: {  	v37 =	vor.u32 $0x100, v0;
	[tilespmem:s16+$0x34E0] =	vst v1  }
0xc0: {  	v38 =	vor.u32 $0x180, v0;
	[tilespmem:s16+$0x3560] =	vst v37  }
0xc1: {  	v39 =	vor.u32 $0x200, v0;
	[tilespmem:s16+$0x35E0] =	vst v38  }
0xc2: {  	v40 =	vor.u32 $0x280, v0;
	[tilespmem:s16+$0x3660] =	vst v39  }
0xc3: {  	v41 =	vor.u32 $0x300, v0;
	[tilespmem:s16+$0x36E0] =	vst v40  }
0xc4: {  	v42 =	vor.u32 $0x380, v0;
	[tilespmem:s16+$0x3760] =	vst v41  }
0xc5: {  	v43 =	vadd.s32 $0x7EF400, v0;
	[tilespmem:s16+$0x37E0] =	vst v42  }
0xc6: {  	v44 =	vadd.s32 $0x7EF480, v0;
	[tilespmem:s16+$0x3860] =	vst v43  }
0xc7: {  	v45 =	vadd.s32 $0x7EF500, v0;
	[tilespmem:s16+$0x38E0] =	vst v44  }
0xc8: {  	v46 =	vadd.s32 $0x7EF580, v0;
	[tilespmem:s16+$0x3960] =	vst v45  }
0xc9: {  	v47 =	vadd.s32 $0x7EF600, v0;
	[tilespmem:s16+$0x39E0] =	vst v46  }
0xca: {  	v48 =	vadd.s32 $0x7EF680, v0;
	[tilespmem:s16+$0x3A60] =	vst v47  }
0xcb: {  	v49 =	vadd.s32 $0x7EF700, v0;
	[tilespmem:s16+$0x3AE0] =	vst v48  }
0xcc: {  	v0 =	vadd.s32 $0x7EF780, v0;
	[tilespmem:s16+$0x3B60] =	vst v49  }
0xcd: {  	[tilespmem:s16+$0x3BE0] =	vst v0  }
0xce: {  	v0 =	vld [tilespmem:s13+$0x30];
	_ =	sdelay $0x4  }
0xcf: {  	v0 =	vadd.s32 s17, v0  }
0xd0: {  	v50 =	vshll.u32 v0, $0x3  }
0xd1: {  	v0 =	vand.u32 $0x7F, v0;
	v1 =	vand.u32 $0xFFFFFC00, v50  }
0xd2: {  	v0 =	vor.u32 v0, v1  }
0xd3: {  	[tilespmem:s16+$0x3470] =	vst v0;
	v1 =	vor.u32 $0x80, v0  }
0xd4: {  	v51 =	vor.u32 $0x100, v0;
	[tilespmem:s16+$0x34F0] =	vst v1  }
0xd5: {  	v52 =	vor.u32 $0x180, v0;
	[tilespmem:s16+$0x3570] =	vst v51  }
0xd6: {  	v53 =	vor.u32 $0x200, v0;
	[tilespmem:s16+$0x35F0] =	vst v52  }
0xd7: {  	v54 =	vor.u32 $0x280, v0;
	[tilespmem:s16+$0x3670] =	vst v53  }
0xd8: {  	v55 =	vor.u32 $0x300, v0;
	[tilespmem:s16+$0x36F0] =	vst v54  }
0xd9: {  	v56 =	vor.u32 $0x380, v0;
	[tilespmem:s16+$0x3770] =	vst v55  }
0xda: {  	v57 =	vadd.s32 $0x7EF400, v0;
	[tilespmem:s16+$0x37F0] =	vst v56  }
0xdb: {  	v58 =	vadd.s32 $0x7EF480, v0;
	[tilespmem:s16+$0x3870] =	vst v57  }
0xdc: {  	v59 =	vadd.s32 $0x7EF500, v0;
	[tilespmem:s16+$0x38F0] =	vst v58  }
0xdd: {  	v60 =	vadd.s32 $0x7EF580, v0;
	[tilespmem:s16+$0x3970] =	vst v59  }
0xde: {  	v61 =	vadd.s32 $0x7EF600, v0;
	[tilespmem:s16+$0x39F0] =	vst v60  }
0xdf: {  	v62 =	vadd.s32 $0x7EF680, v0;
	[tilespmem:s16+$0x3A70] =	vst v61  }
0xe0: {  	p0 =	slt.u32 s15, $0xC;
	v63 =	vadd.s32 $0x7EF700, v0;
	[tilespmem:s16+$0x3AF0] =	vst v62  }
0xe1: {  	s20 =	simm.s32 @p0 $0x200;
	v0 =	vadd.s32 $0x7EF780, v0;
	[tilespmem:s16+$0x3B70] =	vst v63  }
0xe2: {  	s18 =	sor.u32 $0x200, s16;
	s19 =	sadd.s32 @p0 $0xB400, s16;
	s17 =	sadd.s32 $0x3400, s16;
	[tilespmem:s16+$0x3BF0] =	vst v0  }
0xe3: {  	[tilespmem:s19], [sflag:$0x2] =	stream.indirect.gather @p0 [hbm4b:s2+s20], $0x1, s17, s20, $0xb8;
	[tilespmem:$0x13400] =	vst v63  }
0xe4: {  	s21 =	sor.u32 $0x400, s16;
	s22 =	sadd.s32 @p0 $0xB400, s18;
	s19 =	sadd.s32 $0x3600, s16  }
0xe5: {  	[tilespmem:s22], [sflag:$0x2] =	stream.indirect.gather @p0 [hbm4b:s2+s20], $0x1, s19, s20, $0xb8;
	[tilespmem:$0x13400] =	vst v63  }
0xe6: {  	s23 =	sor.u32 $0x600, s16;
	s24 =	sadd.s32 @p0 $0xB400, s21;
	s22 =	sadd.s32 $0x3800, s16  }
0xe7: {  	[tilespmem:s24], [sflag:$0x2] =	stream.indirect.gather @p0 [hbm4b:s2+s20], $0x1, s22, s20, $0xb8;
	[tilespmem:$0x13400] =	vst v63  }
0xe8: {  	s25 =	sadd.s32 @p0 $0xB400, s23;
	s24 =	sadd.s32 $0x3A00, s16  }
0xe9: {  	[tilespmem:s25], [sflag:$0x2] =	stream.indirect.gather @p0 [hbm4b:s2+s20], $0x1, s24, s20, $0xb8;
	[tilespmem:$0x13400] =	vst v63  }
0xea: {  	s20 =	simm.s32 @!p0 $0x2  }
0xeb: {  	p1 =	slt.u32 @!p0 s15, $0x10;
	_ =	swait.ge @!p0 [sflag:s20], $0x800  }
0xec: {  	p1 =	por p1, p0;
	[sflag:s20] =	ssyncset.done @!p0 $0x0  }
0xed: {  	[sflag:s20] =	ssyncadd.s32 @!p0 $0xFFFFF800;
	s20 =	simm.s32 @!p1 $0x3  }
0xee: {  	_ =	swait.ge @!p1 [sflag:s20], $0x800  }
0xef: {  	[sflag:s20] =	ssyncset.done @!p1 $0x0  }
0xf0: {  	s16 =	sadd.s32 @!p0 $0xB400, s16;
	[sflag:s20] =	ssyncadd.s32 @!p1 $0xFFFFF800;
	s20 =	simm.s32 @!p0 $0x200  }
0xf1: {  	[tilespmem:s16], [sflag:$0x2] =	stream.indirect.gather @!p0 [hbm4b:s2+s20], $0x1, s17, s20, $0xb8;
	[tilespmem:$0x13400] =	vst v63  }
0xf2: {  	s16 =	sadd.s32 @!p0 $0xB400, s18  }
0xf3: {  	[tilespmem:s16], [sflag:$0x2] =	stream.indirect.gather @!p0 [hbm4b:s2+s20], $0x1, s19, s20, $0xb8;
	[tilespmem:$0x13400] =	vst v63  }
0xf4: {  	s16 =	sadd.s32 @!p0 $0xB400, s21  }
0xf5: {  	[tilespmem:s16], [sflag:$0x2] =	stream.indirect.gather @!p0 [hbm4b:s2+s20], $0x1, s22, s20, $0xb8;
	[tilespmem:$0x13400] =	vst v63  }
0xf6: {  	s16 =	rddreg [dreg:$0x4]  }
0xf7: {  	s17 =	sadd.s32 @!p0 $0xB400, s23;
	s16 =	sadd.s32 @!p0 s12, s16  }
0xf8: {  	[tilespmem:s17], [sflag:$0x2] =	stream.indirect.gather @!p0 [hbm4b:s2+s20], $0x1, s24, s20, $0xb8;
	[tilespmem:$0x13400] =	vst v63  }
0xf9: {  	s16 =	sand.u32 @!p0 $0x7FFC0000, s16;
	s17 =	sand.u32 @!p0 $0x1FC00, s5  }
0xfa: {  	s16 =	sor.u32 @!p0 s17, s16  }
0xfb: {  	s17 =	sand.u32 @!p0 $0x7800, s12;
	s16 =	sshrl.u32 @!p0 s16, $0x3  }
0xfc: {  	s20 =	simm.s32 @!p0 $0x0;
	s19 =	sadd.s32 @!p0 $0xB400, s17;
	s18 =	sadd.s32 @!p0 s3, s16  }
0xfd: {  	[hbm4b:s18+s20] =	stream.linear.scatter @!p0 [tilespmem:s19], [sflag:$0x3], $0x400, $0x38;
	[tilespmem:$0x13400] =	vst v63  }
0xfe: {  	s15 =	sadd.s32 $0x1, s15;
	s17 =	sadd.s32 @!p0 $0xB800, s17;
	s16 =	sadd.s32 @!p0 s16, s6  }
0xff: {  	[hbm4b:s16+s20] =	stream.linear.scatter @!p0 [tilespmem:s17], [sflag:$0x3], $0x400, $0x38;
	[tilespmem:$0x13400] =	vst v63  }
0x100: {  	p0 =	sne.s32 s15, $0x68  }
.Ltmp0:
0x101: {  	_ = 	snop;
	(pc) =	sbr.rel @p0 .LBB2_2-.Ltmp0, $2  }
0x102: {  	_ =	sdelay $0x2  }
0x103: {  	s13 =	sadd.s32 $0x80, s13;
	s5 =	sadd.s32 $0x400, s5;
	s12 =	sadd.s32 $0x800, s12  }
0x104: {  	_ =	swait.ge [sflag:s8], $0x800  }
0x105: {  	[sflag:s8] =	ssyncset.done $0x0  }
0x106: {  	s12 =	simm.s32 $0x11400;
	s5 =	rddreg [dreg:$0x6];
	[sflag:s8] =	ssyncadd.s32 $0xFFFFF800  }
0x107: {  	[hbm4b:s5+s4] =	stream.linear.scatter [tilespmem:s12], [sflag:$0x3], $0x400, $0x38;
	[tilespmem:$0x13400] =	vst v63  }
0x108: {  	s23 =	simm.s32 $0x11800;
	s22 =	rddreg [dreg:$0x7]  }
0x109: {  	[hbm4b:s22+s4] =	stream.linear.scatter [tilespmem:s23], [sflag:$0x3], $0x400, $0x38;
	[tilespmem:$0x13400] =	vst v63  }
0x10a: {  	_ =	swait.ge [sflag:s8], $0x800  }
0x10b: {  	[sflag:s8] =	ssyncset.done $0x0  }
0x10c: {  	s25 =	simm.s32 $0x11C00;
	s24 =	rddreg [dreg:$0x8];
	[sflag:s8] =	ssyncadd.s32 $0xFFFFF800  }
0x10d: {  	[hbm4b:s24+s4] =	stream.linear.scatter [tilespmem:s25], [sflag:$0x3], $0x400, $0x38;
	[tilespmem:$0x13400] =	vst v63  }
0x10e: {  	s15 =	simm.s32 $0x12000;
	s13 =	rddreg [dreg:$0x9]  }
0x10f: {  	[hbm4b:s13+s4] =	stream.linear.scatter [tilespmem:s15], [sflag:$0x3], $0x400, $0x38;
	[tilespmem:$0x13400] =	vst v63  }
0x110: {  	_ =	swait.ge [sflag:s8], $0x800  }
0x111: {  	[sflag:s8] =	ssyncset.done $0x0  }
0x112: {  	s17 =	simm.s32 $0x12400;
	s16 =	rddreg [dreg:$0xa];
	[sflag:s8] =	ssyncadd.s32 $0xFFFFF800  }
0x113: {  	[hbm4b:s16+s4] =	stream.linear.scatter [tilespmem:s17], [sflag:$0x3], $0x400, $0x38;
	[tilespmem:$0x13400] =	vst v63  }
0x114: {  	s19 =	simm.s32 $0x12800;
	s18 =	rddreg [dreg:$0xb]  }
0x115: {  	[hbm4b:s18+s4] =	stream.linear.scatter [tilespmem:s19], [sflag:$0x3], $0x400, $0x38;
	[tilespmem:$0x13400] =	vst v63  }
0x116: {  	_ =	swait.ge [sflag:s8], $0x800  }
0x117: {  	[sflag:s8] =	ssyncset.done $0x0  }
0x118: {  	s21 =	simm.s32 $0x12C00;
	s20 =	rddreg [dreg:$0xc];
	[sflag:s8] =	ssyncadd.s32 $0xFFFFF800  }
0x119: {  	[hbm4b:s20+s4] =	stream.linear.scatter [tilespmem:s21], [sflag:$0x3], $0x400, $0x38;
	[tilespmem:$0x13400] =	vst v63  }
0x11a: {  	s23 =	simm.s32 $0x13000;
	s22 =	rddreg [dreg:$0xd]  }
0x11b: {  	[hbm4b:s22+s4] =	stream.linear.scatter [tilespmem:s23], [sflag:$0x3], $0x400, $0x38;
	[tilespmem:$0x13400] =	vst v63  }
0x11c: {  	_ =	swait.ge [sflag:s8], $0x800  }
0x11d: {  	[sflag:s8] =	ssyncset.done $0x0  }
0x11e: {  	s25 =	simm.s32 $0xB400;
	s24 =	rddreg [dreg:$0xe];
	[sflag:s8] =	ssyncadd.s32 $0xFFFFF800  }
0x11f: {  	[hbm4b:s24+s4] =	stream.linear.scatter [tilespmem:s25], [sflag:$0x3], $0x400, $0x38;
	[tilespmem:$0x13400] =	vst v63  }
0x120: {  	s15 =	simm.s32 $0xB800;
	s13 =	rddreg [dreg:$0xf]  }
0x121: {  	[hbm4b:s13+s4] =	stream.linear.scatter [tilespmem:s15], [sflag:$0x3], $0x400, $0x38;
	[tilespmem:$0x13400] =	vst v63  }
0x122: {  	_ =	swait.ge [sflag:s8], $0x800  }
0x123: {  	[sflag:s8] =	ssyncset.done $0x0  }
0x124: {  	s17 =	simm.s32 $0xBC00;
	s16 =	rddreg [dreg:$0x10];
	[sflag:s8] =	ssyncadd.s32 $0xFFFFF800  }
0x125: {  	[hbm4b:s16+s4] =	stream.linear.scatter [tilespmem:s17], [sflag:$0x3], $0x400, $0x38;
	[tilespmem:$0x13400] =	vst v63  }
0x126: {  	s19 =	simm.s32 $0xC000;
	s18 =	rddreg [dreg:$0x11]  }
0x127: {  	[hbm4b:s18+s4] =	stream.linear.scatter [tilespmem:s19], [sflag:$0x3], $0x400, $0x38;
	[tilespmem:$0x13400] =	vst v63  }
0x128: {  	_ =	swait.ge [sflag:s8], $0x800  }
0x129: {  	[sflag:s8] =	ssyncset.done $0x0  }
0x12a: {  	s21 =	simm.s32 $0xC400;
	s20 =	rddreg [dreg:$0x12];
	[sflag:s8] =	ssyncadd.s32 $0xFFFFF800  }
0x12b: {  	[hbm4b:s20+s4] =	stream.linear.scatter [tilespmem:s21], [sflag:$0x3], $0x400, $0x38;
	[tilespmem:$0x13400] =	vst v63  }
0x12c: {  	s23 =	simm.s32 $0xC800;
	s22 =	rddreg [dreg:$0x13]  }
0x12d: {  	[hbm4b:s22+s4] =	stream.linear.scatter [tilespmem:s23], [sflag:$0x3], $0x400, $0x38;
	[tilespmem:$0x13400] =	vst v63  }
0x12e: {  	_ =	swait.ge [sflag:s8], $0x800  }
0x12f: {  	[sflag:s8] =	ssyncset.done $0x0  }
0x130: {  	s25 =	simm.s32 $0xCC00;
	s24 =	rddreg [dreg:$0x14];
	[sflag:s8] =	ssyncadd.s32 $0xFFFFF800  }
0x131: {  	[hbm4b:s24+s4] =	stream.linear.scatter [tilespmem:s25], [sflag:$0x3], $0x400, $0x38;
	[tilespmem:$0x13400] =	vst v63  }
0x132: {  	s15 =	simm.s32 $0xD000;
	s13 =	rddreg [dreg:$0x15]  }
0x133: {  	[hbm4b:s13+s4] =	stream.linear.scatter [tilespmem:s15], [sflag:$0x3], $0x400, $0x38;
	[tilespmem:$0x13400] =	vst v63  }
0x134: {  	_ =	swait.ge [sflag:s8], $0x800  }
0x135: {  	[sflag:s8] =	ssyncset.done $0x0  }
0x136: {  	s17 =	simm.s32 $0xD400;
	s16 =	rddreg [dreg:$0x16];
	[sflag:s8] =	ssyncadd.s32 $0xFFFFF800  }
0x137: {  	[hbm4b:s16+s4] =	stream.linear.scatter [tilespmem:s17], [sflag:$0x3], $0x400, $0x38;
	[tilespmem:$0x13400] =	vst v63  }
0x138: {  	s19 =	simm.s32 $0xD800;
	s18 =	rddreg [dreg:$0x17]  }
0x139: {  	[hbm4b:s18+s4] =	stream.linear.scatter [tilespmem:s19], [sflag:$0x3], $0x400, $0x38;
	[tilespmem:$0x13400] =	vst v63  }
0x13a: {  	_ =	swait.ge [sflag:s8], $0x800  }
0x13b: {  	[sflag:s8] =	ssyncset.done $0x0  }
0x13c: {  	s20 =	simm.s32 $0xDC00;
	[sflag:s8] =	ssyncadd.s32 $0xFFFFF800  }
0x13d: {  	[hbm4b:s26+s4] =	stream.linear.scatter [tilespmem:s20], [sflag:$0x3], $0x400, $0x38;
	[tilespmem:$0x13400] =	vst v63  }
0x13e: {  	s21 =	simm.s32 $0xE000  }
0x13f: {  	[hbm4b:s28+s4] =	stream.linear.scatter [tilespmem:s21], [sflag:$0x3], $0x400, $0x38;
	[tilespmem:$0x13400] =	vst v63  }
0x140: {  	_ =	swait.ge [sflag:s8], $0x800  }
0x141: {  	[sflag:s8] =	ssyncset.done $0x0  }
0x142: {  	s22 =	simm.s32 $0xE400;
	[sflag:s8] =	ssyncadd.s32 $0xFFFFF800  }
0x143: {  	[hbm4b:s29+s4] =	stream.linear.scatter [tilespmem:s22], [sflag:$0x3], $0x400, $0x38;
	[tilespmem:$0x13400] =	vst v63  }
0x144: {  	s23 =	simm.s32 $0xE800  }
0x145: {  	[hbm4b:s30+s4] =	stream.linear.scatter [tilespmem:s23], [sflag:$0x3], $0x400, $0x38;
	[tilespmem:$0x13400] =	vst v63  }
0x146: {  	_ =	swait.ge [sflag:s8], $0x800  }
0x147: {  	s10 =	sadd.s32 $0x1, s10;
	[sflag:s8] =	ssyncset.done $0x0  }
0x148: {  	p0 =	sne.s32 s10, s0;
	s24 =	simm.s32 $0xEC00;
	[sflag:s8] =	ssyncadd.s32 $0xFFFFF800  }
0x149: {  	[hbm4b:s31+s4] =	stream.linear.scatter [tilespmem:s24], [sflag:$0x3], $0x400, $0x38;
	[tilespmem:$0x13400] =	vst v63  }
.Ltmp1:
0x14a: {  	s25 =	simm.s32 $0xF000;
	(pc) =	sbr.rel @p0 .LBB2_1-.Ltmp1, $4  }
0x14b: {  	[hbm4b:s1+s4] =	stream.linear.scatter [tilespmem:s25], [sflag:$0x3], $0x400, $0x38;
	[tilespmem:$0x13400] =	vst v63  }
0x14c: {  	_ =	swait.ge [sflag:s9], $0x8000  }
0x14d: {  	[sflag:s9] =	ssyncset.done $0x0  }
0x14e: {  	[sflag:s9] =	ssyncadd.s32 $0xFFFF8000  }
0x14f: {  	_ =	sfence.sel $0x180000  }
0x150: {  	[bflag:$0x0] =	sbarrier.arrive $0xFFFF  }
0x151: {  	_ =	strace $0x90000047  }
0x152: {  	s0 =	stileid.u32;
	[bflag:$0x2] =	sbarrier.arrive $0xFFFF  }
0x153: {  	p0 =	sne.s32 s0, $0x0;
	s0 =	rddreg [dreg:$0x3]  }
0x154: {  	s0 =	sadd.s32 @!p0 $0x100000, s0  }
0x155: {  	[sflag:s0] =	ssyncadd.tile.s32 @!p0 $0x1;
	_ =	shalt  }
.Lfunc_end2:
_tile_overlayer_lowered:
.L_overlay_start_2:
0x156: {  	(tag) =	ssettag $0x2  }
0x157: {  	s0 =	rddreg [dreg:$0x0];
	s2 =	stileid.u32  }
0x158: {  	s1 =	rddreg [dreg:$0x1];
	p0 =	sne.s32 s2, $0x0  }
0x159: {  	s3 =	rddreg [dreg:$0x2];
	[bflag:$0x3] =	sbarrier.arrive $0xFFFF;
	s2 =	simm.s32 @!p0 $0x1C04  }
0x15a: {  	[timem:s3], [sflag:s2] =	dma.local @!p0 [hbm:s0], s1  }
0x15b: {  	s0 =	simm.s32 @!p0 $0x4  }
0x15c: {  	_ =	swait.ge @!p0 [sflag:s0], s1  }
0x15d: {  	s1 =	ssub.s32 @!p0 $0x0, s1;
	[sflag:s0] =	ssyncset.done @!p0 $0x0  }
0x15e: {  	[sflag:s0] =	ssyncadd.s32 @!p0 s1  }
0x15f: {  	[bflag:$0x3] =	sbarrier.arrive $0xFFFF  }
0x160: {  	_ =	shalt  }

</sc_bundles>
